<compile_context>
chip_gen: v7x
topology: tpu7x:2x2x1
jax: 0.10.2.dev20260603
libtpu: 0.0.44.dev20260713+nightly
codegen_flags: <defaults>
</compile_context>

<pallas_src>
import functools
import math

import jax
import jax.numpy as jnp
from jax import lax
from jax.experimental import pallas as pl
from jax.experimental.pallas import tpu as pltpu
import jax.experimental.pallas.tpu_sc as plsc

_TAU = 4
_K = 8
_ROWS = 256


def _pack_bf16(e, o):
    eb = lax.bitcast_convert_type(e.astype(jnp.bfloat16),
                                  jnp.uint16).astype(jnp.uint32)
    ob = lax.bitcast_convert_type(o.astype(jnp.bfloat16),
                                  jnp.uint16).astype(jnp.uint32)
    return lax.bitcast_convert_type((ob << 16) | eb, jnp.int32)


def _qkv_body(h_last_ref, hist_ref, wq_ref, bq_ref, wk_ref, bk_ref,
              wv_ref, bv_ref, qcat_ref, kv_ref, *, tau, d):
    dw = d // 2
    n = h_last_ref.shape[1]
    fio = lax.broadcasted_iota(jnp.int32, (d, dw), 0)
    wio = lax.broadcasted_iota(jnp.int32, (d, dw), 1)
    sel_e = (fio == 2 * wio).astype(jnp.float32)
    sel_o = (fio == 2 * wio + 1).astype(jnp.float32)

    def proj(x, w_ref, b_ref, sel):
        w = jnp.dot(w_ref[...], sel, preferred_element_type=jnp.float32)
        bias = jnp.dot(b_ref[...], sel, preferred_element_type=jnp.float32)
        return jnp.dot(x, w, preferred_element_type=jnp.float32) + bias

    h_last = h_last_ref[0]
    hist = hist_ref[0].reshape(tau * n, d)
    qe = proj(h_last, wq_ref, bq_ref, sel_e)
    qo = proj(h_last, wq_ref, bq_ref, sel_o)
    qcat_ref[0] = jnp.concatenate([qe] * tau + [qo] * tau, axis=-1)
    kwords = _pack_bf16(proj(hist, wk_ref, bk_ref, sel_e),
                        proj(hist, wk_ref, bk_ref, sel_o))
    vwords = _pack_bf16(proj(hist, wv_ref, bv_ref, sel_e),
                        proj(hist, wv_ref, bv_ref, sel_o))
    pieces = ([kwords[t * n:(t + 1) * n] for t in range(tau)]
              + [vwords[t * n:(t + 1) * n] for t in range(tau)])
    kv_ref[0] = jnp.concatenate(pieces, axis=-1)


def _topk_body(windc_ref, windr_ref, fidx_ref, *, n, tau, k):
    b = pl.program_id(0)
    wcx = windc_ref[0, :, 0:1]
    wcy = windc_ref[0, :, 1:2]
    wrx = windr_ref[0, 0:1, :]
    wry = windr_ref[0, 1:2, :]
    dx = wcx - wrx
    dy = wcy - wry
    d2 = dx * dx + dy * dy
    rows = d2.shape[0]
    iota = lax.broadcasted_iota(jnp.int32, (rows, n), 1)
    cols = []
    for _ in range(k):
        j = jnp.argmin(d2, axis=1, keepdims=True).astype(jnp.int32)
        d2 = jnp.where(iota == j, jnp.inf, d2)
        cols.append(j + b * n)
    fidx_ref[0] = jnp.concatenate(cols, axis=1)


def _sc_gather_body(kv_hbm, idx_hbm, out_hbm, idx_v, rows_v, sem, *,
                    rows_per_worker, chunk, num_cores):
    wid = lax.axis_index("s") * num_cores + lax.axis_index("c")
    nchunks = rows_per_worker // chunk

    def body(c, carry):
        base = wid * rows_per_worker + c * chunk
        pltpu.sync_copy(idx_hbm.at[pl.ds(base, chunk)], idx_v)
        pltpu.async_copy(kv_hbm.at[idx_v], rows_v, sem).wait()
        pltpu.sync_copy(rows_v, out_hbm.at[pl.ds(base, chunk)])
        return carry

    lax.fori_loop(0, nchunks, body, 0)


def _attn_body(qcat_ref, g_ref, w1_ref, b1_ref, w2_ref, b2_ref,
               out_ref, *, d, tau, k):
    dw = d // 2
    td = tau * dw
    qcat = qcat_ref[0]
    g = g_ref[...]
    rows = qcat.shape[0]
    rk = rows * k
    hi_mask = jnp.int32(-65536)

    def lo(w):
        return lax.bitcast_convert_type(lax.shift_left(w, 16), jnp.float32)

    def hi(w):
        return lax.bitcast_convert_type(w & hi_mask, jnp.float32)

    def rep_rows(x):
        return jnp.broadcast_to(x[:, None, :],
                                (rows, k, x.shape[-1])).reshape(rk, x.shape[-1])

    lane = lax.broadcasted_iota(jnp.int32, (td, tau), 0)
    tcol = lax.broadcasted_iota(jnp.int32, (td, tau), 1)
    seg = (lane // dw == tcol).astype(jnp.float32)
    lane2 = lax.broadcasted_iota(jnp.int32, (tau, td), 1)
    trow = lax.broadcasted_iota(jnp.int32, (tau, td), 0)
    expand = (lane2 // dw == trow).astype(jnp.float32)
    lane3 = lax.broadcasted_iota(jnp.int32, (td, dw), 0)
    fcol = lax.broadcasted_iota(jnp.int32, (td, dw), 1)
    fold = (lane3 % dw == fcol).astype(jnp.float32)

    qet = rep_rows(qcat[:, :td])
    qot = rep_rows(qcat[:, td:])
    kw = g[:, :td]
    vw = g[:, td:]
    comb = qet * lo(kw) + qot * hi(kw)
    s4 = jnp.dot(comb, seg,
                 preferred_element_type=jnp.float32) / math.sqrt(d)
    s4g = s4.reshape(rows, k, tau)
    m = jnp.max(jnp.max(s4g, axis=2, keepdims=True), axis=1, keepdims=True)
    e = jnp.exp(s4g - m)
    ssum = jnp.sum(jnp.sum(e, axis=2, keepdims=True), axis=1, keepdims=True)
    w4 = (e / ssum).reshape(rk, tau)
    w128 = jnp.dot(w4, expand, preferred_element_type=jnp.float32)
    acc_e = jnp.dot(w128 * lo(vw), fold,
                    preferred_element_type=jnp.float32)
    acc_o = jnp.dot(w128 * hi(vw), fold,
                    preferred_element_type=jnp.float32)
    ctx_e = jnp.sum(acc_e.reshape(rows, k, dw), axis=1)
    ctx_o = jnp.sum(acc_o.reshape(rows, k, dw), axis=1)
    ctx = jnp.concatenate([ctx_e, ctx_o], axis=-1)
    hid = jnp.dot(ctx, w1_ref[...],
                  preferred_element_type=jnp.float32) + b1_ref[...]
    hid = 0.5 * hid * (1.0 + lax.erf(hid / math.sqrt(2.0)))
    out_ref[...] = jnp.dot(hid, w2_ref[...],
                           preferred_element_type=jnp.float32) + b2_ref[...]


def kernel(h_e, x_orig, Wq, bq, Wk, bk, Wv, bv, W1, b1, W2, b2):
    b, T, n, d = h_e.shape
    t0 = T - 1
    t_start = max(0, t0 - _TAU + 1)
    tau = t0 - t_start + 1
    k = min(_K, n)
    rows = _ROWS
    nb = n // rows
    kt = k * tau

    wind = x_orig[t0, :, :, 4:6]
    windr = jnp.transpose(wind, (0, 2, 1))
    h_last = h_e[:, t0]
    hist4 = h_e[:, t_start:t0 + 1]

    full = lambda shp: pl.BlockSpec(shp, lambda *_: (0,) * len(shp))

    na = 4
    nblk = n // na
    qcat, kv_packed = pl.pallas_call(
        functools.partial(_qkv_body, tau=tau, d=d),
        grid=(b, na),
        in_specs=[
            pl.BlockSpec((1, nblk, d), lambda i, r: (i, r, 0)),
            pl.BlockSpec((1, tau, nblk, d), lambda i, r: (i, 0, r, 0)),
            full((d, d)), full((1, d)), full((d, d)), full((1, d)),
            full((d, d)), full((1, d)),
        ],
        out_specs=[
            pl.BlockSpec((1, nblk, tau * d), lambda i, r: (i, r, 0)),
            pl.BlockSpec((1, nblk, tau * d), lambda i, r: (i, r, 0)),
        ],
        out_shape=[
            jax.ShapeDtypeStruct((b, n, tau * d), jnp.float32),
            jax.ShapeDtypeStruct((b, n, tau * d), jnp.int32),
        ],
    )(h_last, hist4, Wq, bq.reshape(1, d),
      Wk, bk.reshape(1, d), Wv, bv.reshape(1, d))
    kv_packed = kv_packed.reshape(b * n, tau * d)

    fidx = pl.pallas_call(
        functools.partial(_topk_body, n=n, tau=tau, k=k),
        grid=(b, nb),
        in_specs=[
            pl.BlockSpec((1, rows, 2), lambda i, r: (i, r, 0)),
            pl.BlockSpec((1, 2, n), lambda i, r: (i, 0, 0)),
        ],
        out_specs=pl.BlockSpec((1, rows, k), lambda i, r: (i, r, 0)),
        out_shape=jax.ShapeDtypeStruct((b, n, k), jnp.int32),
    )(wind, windr)

    try:
        info = plsc.get_sparse_core_info()
        num_cores, num_subcores = info.num_cores, info.num_subcores
    except ValueError:
        num_cores, num_subcores = 2, 16
    nw = num_cores * num_subcores
    batch_idx = n * k
    rpw = batch_idx // nw
    chunk = 128
    mesh = plsc.VectorSubcoreMesh(core_axis_name="c", subcore_axis_name="s",
                                  num_cores=num_cores,
                                  num_subcores=num_subcores)
    sc_gather = pl.kernel(
        functools.partial(_sc_gather_body, rows_per_worker=rpw, chunk=chunk,
                          num_cores=num_cores),
        out_type=jax.ShapeDtypeStruct((batch_idx, tau * d), jnp.int32),
        mesh=mesh,
        scratch_types=[
            pltpu.VMEM((chunk,), jnp.int32),
            pltpu.VMEM((chunk, tau * d), jnp.int32),
            pltpu.SemaphoreType.DMA,
        ],
    )

    w1p = jnp.concatenate([W1[0::2], W1[1::2]], axis=0)

    def attn_call(bi, g_b):
        return pl.pallas_call(
            functools.partial(_attn_body, d=d, tau=tau, k=k),
            grid=(nb,),
            in_specs=[
                pl.BlockSpec((1, rows, tau * d), lambda r: (bi, r, 0)),
                pl.BlockSpec((rows * k, tau * d), lambda r: (r, 0)),
                full((d, d)), full((d,)), full((d, d)), full((d,)),
            ],
            out_specs=pl.BlockSpec((rows, d), lambda r: (r, 0)),
            out_shape=jax.ShapeDtypeStruct((n, d), jnp.float32),
        )(qcat, g_b, w1p, b1, W2, b2)

    fidx_flat = fidx.reshape(b, batch_idx)
    outs = []
    for bi in range(b):
        g_b = sc_gather(kv_packed, fidx_flat[bi])
        outs.append(attn_call(bi, g_b))
    return jnp.stack(outs, axis=0)

# --- scband reference (transcript-rebuilt; emitter-appended) ---
"""Pipeline reference for scband-local-memory-module-54434415509784 (READ-ONLY COPY).

The authoritative reference and input builder live on the scoring server;
editing this copy changes nothing except your own understanding.
"""

import jax, jax.numpy as jnp
import numpy as np
import math

TAU = 4
K = 8


def setup_inputs(seed: int = 0) -> dict:
    key = jax.random.key(seed)
    ks = jax.random.split(key, 12)
    d = 64
    B, T, N, F = 4, 16, 2048, 8
    s = 1.0 / math.sqrt(d)
    h_e = jax.random.normal(ks[0], (B, T, N, d), dtype=jnp.float32)
    x_orig = jax.random.normal(ks[1], (T, B, N, F), dtype=jnp.float32)
    Wq = jax.random.normal(ks[2], (d, d), dtype=jnp.float32) * s
    bq = jax.random.normal(ks[3], (d,), dtype=jnp.float32) * 0.01
    Wk = jax.random.normal(ks[4], (d, d), dtype=jnp.float32) * s
    bk = jax.random.normal(ks[5], (d,), dtype=jnp.float32) * 0.01
    Wv = jax.random.normal(ks[6], (d, d), dtype=jnp.float32) * s
    bv = jax.random.normal(ks[7], (d,), dtype=jnp.float32) * 0.01
    W1 = jax.random.normal(ks[8], (d, d), dtype=jnp.float32) * s
    b1 = jax.random.normal(ks[9], (d,), dtype=jnp.float32) * 0.01
    W2 = jax.random.normal(ks[10], (d, d), dtype=jnp.float32) * s
    b2 = jax.random.normal(ks[11], (d,), dtype=jnp.float32) * 0.01
    return {"h_e": h_e, "x_orig": x_orig, "Wq": Wq, "bq": bq, "Wk": Wk, "bk": bk, "Wv": Wv, "bv": bv, "W1": W1, "b1": b1, "W2": W2, "b2": b2}


def reference(h_e, x_orig, Wq, bq, Wk, bk, Wv, bv, W1, b1, W2, b2):
    b, T, n, d = h_e.shape
    # x_orig is 4-D: (seq_len, batch, num_nodes, F) -> permute(1,0,2,3)
    x_reshape = jnp.transpose(x_orig, (1, 0, 2, 3))
    wind_vars = x_reshape[:, :, :, 4:6]
    last_wind = wind_vars[:, -1]  # [b, n, 2]
    wind_flat = last_wind.reshape(b, n, -1)
    diff = wind_flat[:, :, None, :] - wind_flat[:, None, :, :]
    dist = jnp.sqrt(jnp.maximum(jnp.sum(diff * diff, axis=-1), 0.0))
    sim = jax.lax.stop_gradient(-dist)  # only indices used downstream
    k = min(K, n)
    _, topk_idx = jax.lax.top_k(sim, k)  # [b, n, k]
    t0 = T - 1
    t_start = max(0, t0 - TAU + 1)
    hist = jnp.transpose(h_e[:, t_start:t0 + 1], (0, 2, 1, 3))  # [b, n, tau_eff, d]
    tau_eff = hist.shape[2]
    batch_idx = jnp.broadcast_to(jnp.arange(b)[:, None, None], (b, n, k))
    neighbor_hist = hist[batch_idx, topk_idx]  # [b, n, k, tau_eff, d] gather
    neighbor_hist = neighbor_hist.reshape(b, n, k * tau_eff, d)
    q = h_e[:, t0] @ Wq + bq
    q = q[:, :, None, :]
    k_feat = neighbor_hist @ Wk + bk
    v_feat = neighbor_hist @ Wv + bv
    scale = math.sqrt(d)
    attn_scores = jnp.sum(q * k_feat, axis=-1) / scale
    attn_weights = jax.nn.softmax(attn_scores, axis=-1)[..., None]
    context = jnp.sum(attn_weights * v_feat, axis=2)
    hid = jax.nn.gelu(context @ W1 + b1, approximate=False)
    h_l = hid @ W2 + b2
    return h_l

if __name__ == "__main__":
    import jax
    _d = setup_inputs()
    print(jax.jit(kernel)(*tuple(_d.values())))

</pallas_src>

<mosaic_0001>
#map = affine_map<(d0, d1) -> (0, 0)>
#map1 = affine_map<(d0, d1) -> (0)>
module attributes {stable_mosaic.version = 14 : i64} {
  func.func @_sc_gather_body(%arg0: i32, %arg1: i32, %arg2: memref<8192x256xi32, #tpu.memory_space<hbm>>, %arg3: memref<16384xi32, #tpu.memory_space<hbm>>, %arg4: memref<16384x256xi32, #tpu.memory_space<hbm>>, %arg5: memref<128xi32, #tpu.memory_space<vmem>>, %arg6: memref<128x256xi32, #tpu.memory_space<vmem>>, %arg7: memref<!tpu.dma_semaphore, #tpu.memory_space<semaphore_mem>>) attributes {dimension_semantics = [#tpu.dimension_semantics<core_parallel>, #tpu.dimension_semantics<subcore_parallel>], iteration_bounds = array<i64: 2, 16>, scalar_prefetch = 0 : i64, scratch_operands = 3 : i64, tpu.core_type = #tpu.core_type<sc_vector_subcore>, window_params = [{transform_indices = #map}, {transform_indices = #map1}, {transform_indices = #map}]} {
    %mul3A = arith.constant 2 : i32
    %mul3A_0 = arith.muli %arg1, %mul3A : i32
    %add3A = arith.addi %mul3A_0, %arg0 : i32
    %scan3A = arith.constant 0 : i32
    %scan3A_1 = arith.constant 0 : i32
    %scan3A_2 = arith.constant 4 : i32
    %scan3A_3 = arith.addi %scan3A_1, %scan3A_2 : i32
    %scan3A_4 = arith.constant 1 : i32
    scf.for %scan3A_6 = %scan3A_1 to %scan3A_3 step %scan3A_4  : i32 {
      %mul3A_7 = arith.constant 512 : i32
      %mul3A_8 = arith.muli %add3A, %mul3A_7 : i32
      %mul3A_9 = arith.constant 128 : i32
      %mul3A_10 = arith.muli %scan3A_6, %mul3A_9 : i32
      %add3A_11 = arith.addi %mul3A_8, %mul3A_10 : i32
      "tpu.region"() ({
        %run_scoped3A = tpu.sem_alloc : memref<!tpu.dma_semaphore, #tpu.memory_space<semaphore_mem>>
        %dma_start3A_16 = tpu.memref_slice %arg3[%add3A_11] : memref<16384xi32, #tpu.memory_space<hbm>> -> memref<128xi32, #tpu.memory_space<hbm>>
        %dma_start3A_17 = tpu.memref_slice %arg3[%add3A_11] : memref<16384xi32, #tpu.memory_space<hbm>> -> memref<128xi32, #tpu.memory_space<hbm>>
        tpu.enqueue_dma source(%dma_start3A_17 : memref<128xi32, #tpu.memory_space<hbm>>) target(%arg5 : memref<128xi32, #tpu.memory_space<vmem>>) target_semaphore(%run_scoped3A : memref<!tpu.dma_semaphore, #tpu.memory_space<semaphore_mem>>)
        %dma_wait3A_18 = tpu.memref_slice %arg3[%add3A_11] : memref<16384xi32, #tpu.memory_space<hbm>> -> memref<128xi32, #tpu.memory_space<hbm>>
        %dma_wait3A_19 = tpu.memref_slice %arg3[%add3A_11] : memref<16384xi32, #tpu.memory_space<hbm>> -> memref<128xi32, #tpu.memory_space<hbm>>
        tpu.wait_dma2 semaphore(%run_scoped3A : memref<!tpu.dma_semaphore, #tpu.memory_space<semaphore_mem>>) src(%dma_wait3A_19 : memref<128xi32, #tpu.memory_space<hbm>>) dst(%arg5 : memref<128xi32, #tpu.memory_space<vmem>>)
        tpu.yield
      }) : () -> ()
      %dma_start3A = arith.constant 0 : i32
      %dma_start3A_12 = arith.constant 0 : i32
      %dma_start3A_13 = tpu.memref_slice %arg2[%dma_start3A, %dma_start3A_12] : memref<8192x256xi32, #tpu.memory_space<hbm>> -> memref<8192x256xi32, #tpu.memory_space<hbm>>
      tpu.enqueue_indirect_dma source(%dma_start3A_13 : memref<8192x256xi32, #tpu.memory_space<hbm>>) target(%arg6 : memref<128x256xi32, #tpu.memory_space<vmem>>) offsets(%arg5 : memref<128xi32, #tpu.memory_space<vmem>>) semaphore(%arg7 : memref<!tpu.dma_semaphore, #tpu.memory_space<semaphore_mem>>)
      %dma_wait3A = arith.constant 0 : i32
      %dma_wait3A_14 = arith.constant 0 : i32
      %dma_wait3A_15 = tpu.memref_slice %arg2[%dma_wait3A, %dma_wait3A_14] : memref<8192x256xi32, #tpu.memory_space<hbm>> -> memref<8192x256xi32, #tpu.memory_space<hbm>>
      tpu.wait_indirect_dma semaphore(%arg7 : memref<!tpu.dma_semaphore, #tpu.memory_space<semaphore_mem>>) src(%dma_wait3A_15 : memref<8192x256xi32, #tpu.memory_space<hbm>>) dst(%arg6 : memref<128x256xi32, #tpu.memory_space<vmem>>)
      "tpu.region"() ({
        %run_scoped3A = tpu.sem_alloc : memref<!tpu.dma_semaphore, #tpu.memory_space<semaphore_mem>>
        %dma_start3A_16 = arith.constant 0 : i32
        %dma_start3A_17 = tpu.memref_slice %arg4[%add3A_11, %dma_start3A_16] : memref<16384x256xi32, #tpu.memory_space<hbm>> -> memref<128x256xi32, #tpu.memory_space<hbm>>
        %dma_start3A_18 = arith.constant 0 : i32
        %dma_start3A_19 = tpu.memref_slice %arg4[%add3A_11, %dma_start3A_18] : memref<16384x256xi32, #tpu.memory_space<hbm>> -> memref<128x256xi32, #tpu.memory_space<hbm>>
        tpu.enqueue_dma source(%arg6 : memref<128x256xi32, #tpu.memory_space<vmem>>) target(%dma_start3A_19 : memref<128x256xi32, #tpu.memory_space<hbm>>) target_semaphore(%run_scoped3A : memref<!tpu.dma_semaphore, #tpu.memory_space<semaphore_mem>>)
        %dma_wait3A_20 = arith.constant 0 : i32
        %dma_wait3A_21 = tpu.memref_slice %arg4[%add3A_11, %dma_wait3A_20] : memref<16384x256xi32, #tpu.memory_space<hbm>> -> memref<128x256xi32, #tpu.memory_space<hbm>>
        %dma_wait3A_22 = arith.constant 0 : i32
        %dma_wait3A_23 = tpu.memref_slice %arg4[%add3A_11, %dma_wait3A_22] : memref<16384x256xi32, #tpu.memory_space<hbm>> -> memref<128x256xi32, #tpu.memory_space<hbm>>
        tpu.wait_dma2 semaphore(%run_scoped3A : memref<!tpu.dma_semaphore, #tpu.memory_space<semaphore_mem>>) src(%arg6 : memref<128x256xi32, #tpu.memory_space<vmem>>) dst(%dma_wait3A_23 : memref<128x256xi32, #tpu.memory_space<hbm>>)
        tpu.yield
      }) : () -> ()
    }
    %scan3A_5 = arith.constant 4 : i32
    return
  }
}

#map = affine_map<(d0, d1) -> (0, 0)>
#map1 = affine_map<(d0, d1) -> (0)>
module attributes {stable_mosaic.version = 14 : i64} {
  func.func @_sc_gather_body(%arg0: i32, %arg1: i32, %arg2: memref<8192x256xi32, #tpu.memory_space<hbm>>, %arg3: memref<16384xi32, #tpu.memory_space<hbm>>, %arg4: memref<16384x256xi32, #tpu.memory_space<hbm>>, %arg5: memref<128xi32, #tpu.memory_space<vmem>>, %arg6: memref<128x256xi32, #tpu.memory_space<vmem>>, %arg7: memref<!tpu.dma_semaphore, #tpu.memory_space<semaphore_mem>>) attributes {dimension_semantics = [#tpu.dimension_semantics<core_parallel>, #tpu.dimension_semantics<subcore_parallel>], iteration_bounds = array<i64: 2, 16>, scalar_prefetch = 0 : i64, scratch_operands = 3 : i64, tpu.core_type = #tpu.core_type<sc_vector_subcore>, window_params = [{transform_indices = #map}, {transform_indices = #map1}, {transform_indices = #map}]} {
    %mul3A = arith.constant 2 : i32
    %mul3A_0 = arith.muli %arg1, %mul3A : i32
    %add3A = arith.addi %mul3A_0, %arg0 : i32
    %scan3A = arith.constant 0 : i32
    %scan3A_1 = arith.constant 0 : i32
    %scan3A_2 = arith.constant 4 : i32
    %scan3A_3 = arith.addi %scan3A_1, %scan3A_2 : i32
    %scan3A_4 = arith.constant 1 : i32
    scf.for %scan3A_6 = %scan3A_1 to %scan3A_3 step %scan3A_4  : i32 {
      %mul3A_7 = arith.constant 512 : i32
      %mul3A_8 = arith.muli %add3A, %mul3A_7 : i32
      %mul3A_9 = arith.constant 128 : i32
      %mul3A_10 = arith.muli %scan3A_6, %mul3A_9 : i32
      %add3A_11 = arith.addi %mul3A_8, %mul3A_10 : i32
      "tpu.region"() ({
        %run_scoped3A = tpu.sem_alloc : memref<!tpu.dma_semaphore, #tpu.memory_space<semaphore_mem>>
        %dma_start3A_16 = tpu.memref_slice %arg3[%add3A_11] : memref<16384xi32, #tpu.memory_space<hbm>> -> memref<128xi32, #tpu.memory_space<hbm>>
        %dma_start3A_17 = tpu.memref_slice %arg3[%add3A_11] : memref<16384xi32, #tpu.memory_space<hbm>> -> memref<128xi32, #tpu.memory_space<hbm>>
        tpu.enqueue_dma source(%dma_start3A_17 : memref<128xi32, #tpu.memory_space<hbm>>) target(%arg5 : memref<128xi32, #tpu.memory_space<vmem>>) target_semaphore(%run_scoped3A : memref<!tpu.dma_semaphore, #tpu.memory_space<semaphore_mem>>)
        %dma_wait3A_18 = tpu.memref_slice %arg3[%add3A_11] : memref<16384xi32, #tpu.memory_space<hbm>> -> memref<128xi32, #tpu.memory_space<hbm>>
        %dma_wait3A_19 = tpu.memref_slice %arg3[%add3A_11] : memref<16384xi32, #tpu.memory_space<hbm>> -> memref<128xi32, #tpu.memory_space<hbm>>
        tpu.wait_dma2 semaphore(%run_scoped3A : memref<!tpu.dma_semaphore, #tpu.memory_space<semaphore_mem>>) src(%dma_wait3A_19 : memref<128xi32, #tpu.memory_space<hbm>>) dst(%arg5 : memref<128xi32, #tpu.memory_space<vmem>>)
        tpu.yield
      }) : () -> ()
      %dma_start3A = arith.constant 0 : i32
      %dma_start3A_12 = arith.constant 0 : i32
      %dma_start3A_13 = tpu.memref_slice %arg2[%dma_start3A, %dma_start3A_12] : memref<8192x256xi32, #tpu.memory_space<hbm>> -> memref<8192x256xi32, #tpu.memory_space<hbm>>
      tpu.enqueue_indirect_dma source(%dma_start3A_13 : memref<8192x256xi32, #tpu.memory_space<hbm>>) target(%arg6 : memref<128x256xi32, #tpu.memory_space<vmem>>) offsets(%arg5 : memref<128xi32, #tpu.memory_space<vmem>>) semaphore(%arg7 : memref<!tpu.dma_semaphore, #tpu.memory_space<semaphore_mem>>)
      %dma_wait3A = arith.constant 0 : i32
      %dma_wait3A_14 = arith.constant 0 : i32
      %dma_wait3A_15 = tpu.memref_slice %arg2[%dma_wait3A, %dma_wait3A_14] : memref<8192x256xi32, #tpu.memory_space<hbm>> -> memref<8192x256xi32, #tpu.memory_space<hbm>>
      tpu.wait_indirect_dma semaphore(%arg7 : memref<!tpu.dma_semaphore, #tpu.memory_space<semaphore_mem>>) src(%dma_wait3A_15 : memref<8192x256xi32, #tpu.memory_space<hbm>>) dst(%arg6 : memref<128x256xi32, #tpu.memory_space<vmem>>)
      "tpu.region"() ({
        %run_scoped3A = tpu.sem_alloc : memref<!tpu.dma_semaphore, #tpu.memory_space<semaphore_mem>>
        %dma_start3A_16 = arith.constant 0 : i32
        %dma_start3A_17 = tpu.memref_slice %arg4[%add3A_11, %dma_start3A_16] : memref<16384x256xi32, #tpu.memory_space<hbm>> -> memref<128x256xi32, #tpu.memory_space<hbm>>
        %dma_start3A_18 = arith.constant 0 : i32
        %dma_start3A_19 = tpu.memref_slice %arg4[%add3A_11, %dma_start3A_18] : memref<16384x256xi32, #tpu.memory_space<hbm>> -> memref<128x256xi32, #tpu.memory_space<hbm>>
        tpu.enqueue_dma source(%arg6 : memref<128x256xi32, #tpu.memory_space<vmem>>) target(%dma_start3A_19 : memref<128x256xi32, #tpu.memory_space<hbm>>) target_semaphore(%run_scoped3A : memref<!tpu.dma_semaphore, #tpu.memory_space<semaphore_mem>>)
        %dma_wait3A_20 = arith.constant 0 : i32
        %dma_wait3A_21 = tpu.memref_slice %arg4[%add3A_11, %dma_wait3A_20] : memref<16384x256xi32, #tpu.memory_space<hbm>> -> memref<128x256xi32, #tpu.memory_space<hbm>>
        %dma_wait3A_22 = arith.constant 0 : i32
        %dma_wait3A_23 = tpu.memref_slice %arg4[%add3A_11, %dma_wait3A_22] : memref<16384x256xi32, #tpu.memory_space<hbm>> -> memref<128x256xi32, #tpu.memory_space<hbm>>
        tpu.wait_dma2 semaphore(%run_scoped3A : memref<!tpu.dma_semaphore, #tpu.memory_space<semaphore_mem>>) src(%arg6 : memref<128x256xi32, #tpu.memory_space<vmem>>) dst(%dma_wait3A_23 : memref<128x256xi32, #tpu.memory_space<hbm>>)
        tpu.yield
      }) : () -> ()
    }
    %scan3A_5 = arith.constant 4 : i32
    return
  }
}

#map = affine_map<(d0, d1) -> (0, 0)>
#map1 = affine_map<(d0, d1) -> (0)>
module attributes {stable_mosaic.version = 14 : i64} {
  func.func @_sc_gather_body(%arg0: i32, %arg1: i32, %arg2: memref<8192x256xi32, #tpu.memory_space<hbm>>, %arg3: memref<16384xi32, #tpu.memory_space<hbm>>, %arg4: memref<16384x256xi32, #tpu.memory_space<hbm>>, %arg5: memref<128xi32, #tpu.memory_space<vmem>>, %arg6: memref<128x256xi32, #tpu.memory_space<vmem>>, %arg7: memref<!tpu.dma_semaphore, #tpu.memory_space<semaphore_mem>>) attributes {dimension_semantics = [#tpu.dimension_semantics<core_parallel>, #tpu.dimension_semantics<subcore_parallel>], iteration_bounds = array<i64: 2, 16>, scalar_prefetch = 0 : i64, scratch_operands = 3 : i64, tpu.core_type = #tpu.core_type<sc_vector_subcore>, window_params = [{transform_indices = #map}, {transform_indices = #map1}, {transform_indices = #map}]} {
    %mul3A = arith.constant 2 : i32
    %mul3A_0 = arith.muli %arg1, %mul3A : i32
    %add3A = arith.addi %mul3A_0, %arg0 : i32
    %scan3A = arith.constant 0 : i32
    %scan3A_1 = arith.constant 0 : i32
    %scan3A_2 = arith.constant 4 : i32
    %scan3A_3 = arith.addi %scan3A_1, %scan3A_2 : i32
    %scan3A_4 = arith.constant 1 : i32
    scf.for %scan3A_6 = %scan3A_1 to %scan3A_3 step %scan3A_4  : i32 {
      %mul3A_7 = arith.constant 512 : i32
      %mul3A_8 = arith.muli %add3A, %mul3A_7 : i32
      %mul3A_9 = arith.constant 128 : i32
      %mul3A_10 = arith.muli %scan3A_6, %mul3A_9 : i32
      %add3A_11 = arith.addi %mul3A_8, %mul3A_10 : i32
      "tpu.region"() ({
        %run_scoped3A = tpu.sem_alloc : memref<!tpu.dma_semaphore, #tpu.memory_space<semaphore_mem>>
        %dma_start3A_16 = tpu.memref_slice %arg3[%add3A_11] : memref<16384xi32, #tpu.memory_space<hbm>> -> memref<128xi32, #tpu.memory_space<hbm>>
        %dma_start3A_17 = tpu.memref_slice %arg3[%add3A_11] : memref<16384xi32, #tpu.memory_space<hbm>> -> memref<128xi32, #tpu.memory_space<hbm>>
        tpu.enqueue_dma source(%dma_start3A_17 : memref<128xi32, #tpu.memory_space<hbm>>) target(%arg5 : memref<128xi32, #tpu.memory_space<vmem>>) target_semaphore(%run_scoped3A : memref<!tpu.dma_semaphore, #tpu.memory_space<semaphore_mem>>)
        %dma_wait3A_18 = tpu.memref_slice %arg3[%add3A_11] : memref<16384xi32, #tpu.memory_space<hbm>> -> memref<128xi32, #tpu.memory_space<hbm>>
        %dma_wait3A_19 = tpu.memref_slice %arg3[%add3A_11] : memref<16384xi32, #tpu.memory_space<hbm>> -> memref<128xi32, #tpu.memory_space<hbm>>
        tpu.wait_dma2 semaphore(%run_scoped3A : memref<!tpu.dma_semaphore, #tpu.memory_space<semaphore_mem>>) src(%dma_wait3A_19 : memref<128xi32, #tpu.memory_space<hbm>>) dst(%arg5 : memref<128xi32, #tpu.memory_space<vmem>>)
        tpu.yield
      }) : () -> ()
      %dma_start3A = arith.constant 0 : i32
      %dma_start3A_12 = arith.constant 0 : i32
      %dma_start3A_13 = tpu.memref_slice %arg2[%dma_start3A, %dma_start3A_12] : memref<8192x256xi32, #tpu.memory_space<hbm>> -> memref<8192x256xi32, #tpu.memory_space<hbm>>
      tpu.enqueue_indirect_dma source(%dma_start3A_13 : memref<8192x256xi32, #tpu.memory_space<hbm>>) target(%arg6 : memref<128x256xi32, #tpu.memory_space<vmem>>) offsets(%arg5 : memref<128xi32, #tpu.memory_space<vmem>>) semaphore(%arg7 : memref<!tpu.dma_semaphore, #tpu.memory_space<semaphore_mem>>)
      %dma_wait3A = arith.constant 0 : i32
      %dma_wait3A_14 = arith.constant 0 : i32
      %dma_wait3A_15 = tpu.memref_slice %arg2[%dma_wait3A, %dma_wait3A_14] : memref<8192x256xi32, #tpu.memory_space<hbm>> -> memref<8192x256xi32, #tpu.memory_space<hbm>>
      tpu.wait_indirect_dma semaphore(%arg7 : memref<!tpu.dma_semaphore, #tpu.memory_space<semaphore_mem>>) src(%dma_wait3A_15 : memref<8192x256xi32, #tpu.memory_space<hbm>>) dst(%arg6 : memref<128x256xi32, #tpu.memory_space<vmem>>)
      "tpu.region"() ({
        %run_scoped3A = tpu.sem_alloc : memref<!tpu.dma_semaphore, #tpu.memory_space<semaphore_mem>>
        %dma_start3A_16 = arith.constant 0 : i32
        %dma_start3A_17 = tpu.memref_slice %arg4[%add3A_11, %dma_start3A_16] : memref<16384x256xi32, #tpu.memory_space<hbm>> -> memref<128x256xi32, #tpu.memory_space<hbm>>
        %dma_start3A_18 = arith.constant 0 : i32
        %dma_start3A_19 = tpu.memref_slice %arg4[%add3A_11, %dma_start3A_18] : memref<16384x256xi32, #tpu.memory_space<hbm>> -> memref<128x256xi32, #tpu.memory_space<hbm>>
        tpu.enqueue_dma source(%arg6 : memref<128x256xi32, #tpu.memory_space<vmem>>) target(%dma_start3A_19 : memref<128x256xi32, #tpu.memory_space<hbm>>) target_semaphore(%run_scoped3A : memref<!tpu.dma_semaphore, #tpu.memory_space<semaphore_mem>>)
        %dma_wait3A_20 = arith.constant 0 : i32
        %dma_wait3A_21 = tpu.memref_slice %arg4[%add3A_11, %dma_wait3A_20] : memref<16384x256xi32, #tpu.memory_space<hbm>> -> memref<128x256xi32, #tpu.memory_space<hbm>>
        %dma_wait3A_22 = arith.constant 0 : i32
        %dma_wait3A_23 = tpu.memref_slice %arg4[%add3A_11, %dma_wait3A_22] : memref<16384x256xi32, #tpu.memory_space<hbm>> -> memref<128x256xi32, #tpu.memory_space<hbm>>
        tpu.wait_dma2 semaphore(%run_scoped3A : memref<!tpu.dma_semaphore, #tpu.memory_space<semaphore_mem>>) src(%arg6 : memref<128x256xi32, #tpu.memory_space<vmem>>) dst(%dma_wait3A_23 : memref<128x256xi32, #tpu.memory_space<hbm>>)
        tpu.yield
      }) : () -> ()
    }
    %scan3A_5 = arith.constant 4 : i32
    return
  }
}

#map = affine_map<(d0, d1) -> (0, 0)>
#map1 = affine_map<(d0, d1) -> (0)>
module attributes {stable_mosaic.version = 14 : i64} {
  func.func @_sc_gather_body(%arg0: i32, %arg1: i32, %arg2: memref<8192x256xi32, #tpu.memory_space<hbm>>, %arg3: memref<16384xi32, #tpu.memory_space<hbm>>, %arg4: memref<16384x256xi32, #tpu.memory_space<hbm>>, %arg5: memref<128xi32, #tpu.memory_space<vmem>>, %arg6: memref<128x256xi32, #tpu.memory_space<vmem>>, %arg7: memref<!tpu.dma_semaphore, #tpu.memory_space<semaphore_mem>>) attributes {dimension_semantics = [#tpu.dimension_semantics<core_parallel>, #tpu.dimension_semantics<subcore_parallel>], iteration_bounds = array<i64: 2, 16>, scalar_prefetch = 0 : i64, scratch_operands = 3 : i64, tpu.core_type = #tpu.core_type<sc_vector_subcore>, window_params = [{transform_indices = #map}, {transform_indices = #map1}, {transform_indices = #map}]} {
    %mul3A = arith.constant 2 : i32
    %mul3A_0 = arith.muli %arg1, %mul3A : i32
    %add3A = arith.addi %mul3A_0, %arg0 : i32
    %scan3A = arith.constant 0 : i32
    %scan3A_1 = arith.constant 0 : i32
    %scan3A_2 = arith.constant 4 : i32
    %scan3A_3 = arith.addi %scan3A_1, %scan3A_2 : i32
    %scan3A_4 = arith.constant 1 : i32
    scf.for %scan3A_6 = %scan3A_1 to %scan3A_3 step %scan3A_4  : i32 {
      %mul3A_7 = arith.constant 512 : i32
      %mul3A_8 = arith.muli %add3A, %mul3A_7 : i32
      %mul3A_9 = arith.constant 128 : i32
      %mul3A_10 = arith.muli %scan3A_6, %mul3A_9 : i32
      %add3A_11 = arith.addi %mul3A_8, %mul3A_10 : i32
      "tpu.region"() ({
        %run_scoped3A = tpu.sem_alloc : memref<!tpu.dma_semaphore, #tpu.memory_space<semaphore_mem>>
        %dma_start3A_16 = tpu.memref_slice %arg3[%add3A_11] : memref<16384xi32, #tpu.memory_space<hbm>> -> memref<128xi32, #tpu.memory_space<hbm>>
        %dma_start3A_17 = tpu.memref_slice %arg3[%add3A_11] : memref<16384xi32, #tpu.memory_space<hbm>> -> memref<128xi32, #tpu.memory_space<hbm>>
        tpu.enqueue_dma source(%dma_start3A_17 : memref<128xi32, #tpu.memory_space<hbm>>) target(%arg5 : memref<128xi32, #tpu.memory_space<vmem>>) target_semaphore(%run_scoped3A : memref<!tpu.dma_semaphore, #tpu.memory_space<semaphore_mem>>)
        %dma_wait3A_18 = tpu.memref_slice %arg3[%add3A_11] : memref<16384xi32, #tpu.memory_space<hbm>> -> memref<128xi32, #tpu.memory_space<hbm>>
        %dma_wait3A_19 = tpu.memref_slice %arg3[%add3A_11] : memref<16384xi32, #tpu.memory_space<hbm>> -> memref<128xi32, #tpu.memory_space<hbm>>
        tpu.wait_dma2 semaphore(%run_scoped3A : memref<!tpu.dma_semaphore, #tpu.memory_space<semaphore_mem>>) src(%dma_wait3A_19 : memref<128xi32, #tpu.memory_space<hbm>>) dst(%arg5 : memref<128xi32, #tpu.memory_space<vmem>>)
        tpu.yield
      }) : () -> ()
      %dma_start3A = arith.constant 0 : i32
      %dma_start3A_12 = arith.constant 0 : i32
      %dma_start3A_13 = tpu.memref_slice %arg2[%dma_start3A, %dma_start3A_12] : memref<8192x256xi32, #tpu.memory_space<hbm>> -> memref<8192x256xi32, #tpu.memory_space<hbm>>
      tpu.enqueue_indirect_dma source(%dma_start3A_13 : memref<8192x256xi32, #tpu.memory_space<hbm>>) target(%arg6 : memref<128x256xi32, #tpu.memory_space<vmem>>) offsets(%arg5 : memref<128xi32, #tpu.memory_space<vmem>>) semaphore(%arg7 : memref<!tpu.dma_semaphore, #tpu.memory_space<semaphore_mem>>)
      %dma_wait3A = arith.constant 0 : i32
      %dma_wait3A_14 = arith.constant 0 : i32
      %dma_wait3A_15 = tpu.memref_slice %arg2[%dma_wait3A, %dma_wait3A_14] : memref<8192x256xi32, #tpu.memory_space<hbm>> -> memref<8192x256xi32, #tpu.memory_space<hbm>>
      tpu.wait_indirect_dma semaphore(%arg7 : memref<!tpu.dma_semaphore, #tpu.memory_space<semaphore_mem>>) src(%dma_wait3A_15 : memref<8192x256xi32, #tpu.memory_space<hbm>>) dst(%arg6 : memref<128x256xi32, #tpu.memory_space<vmem>>)
      "tpu.region"() ({
        %run_scoped3A = tpu.sem_alloc : memref<!tpu.dma_semaphore, #tpu.memory_space<semaphore_mem>>
        %dma_start3A_16 = arith.constant 0 : i32
        %dma_start3A_17 = tpu.memref_slice %arg4[%add3A_11, %dma_start3A_16] : memref<16384x256xi32, #tpu.memory_space<hbm>> -> memref<128x256xi32, #tpu.memory_space<hbm>>
        %dma_start3A_18 = arith.constant 0 : i32
        %dma_start3A_19 = tpu.memref_slice %arg4[%add3A_11, %dma_start3A_18] : memref<16384x256xi32, #tpu.memory_space<hbm>> -> memref<128x256xi32, #tpu.memory_space<hbm>>
        tpu.enqueue_dma source(%arg6 : memref<128x256xi32, #tpu.memory_space<vmem>>) target(%dma_start3A_19 : memref<128x256xi32, #tpu.memory_space<hbm>>) target_semaphore(%run_scoped3A : memref<!tpu.dma_semaphore, #tpu.memory_space<semaphore_mem>>)
        %dma_wait3A_20 = arith.constant 0 : i32
        %dma_wait3A_21 = tpu.memref_slice %arg4[%add3A_11, %dma_wait3A_20] : memref<16384x256xi32, #tpu.memory_space<hbm>> -> memref<128x256xi32, #tpu.memory_space<hbm>>
        %dma_wait3A_22 = arith.constant 0 : i32
        %dma_wait3A_23 = tpu.memref_slice %arg4[%add3A_11, %dma_wait3A_22] : memref<16384x256xi32, #tpu.memory_space<hbm>> -> memref<128x256xi32, #tpu.memory_space<hbm>>
        tpu.wait_dma2 semaphore(%run_scoped3A : memref<!tpu.dma_semaphore, #tpu.memory_space<semaphore_mem>>) src(%arg6 : memref<128x256xi32, #tpu.memory_space<vmem>>) dst(%dma_wait3A_23 : memref<128x256xi32, #tpu.memory_space<hbm>>)
        tpu.yield
      }) : () -> ()
    }
    %scan3A_5 = arith.constant 4 : i32
    return
  }
}

module attributes {stable_mosaic.version = 14 : i64} {
  func.func @_topk_body(%arg0: i32, %arg1: i32, %arg2: memref<1x256x2xf32, #tpu.memory_space<vmem>>, %arg3: memref<1x2x2048xf32, #tpu.memory_space<vmem>>, %arg4: memref<1x256x8xi32, #tpu.memory_space<vmem>>) attributes {dimension_semantics = [#tpu.dimension_semantics<arbitrary>, #tpu.dimension_semantics<arbitrary>], iteration_bounds = array<i64: 4, 8>, scalar_prefetch = 0 : i64, scratch_operands = 0 : i64, tpu.core_type = #tpu.core_type<tc>, window_params = [{transform_indices = @transform_0, window_bounds = array<i64: 1, 256, 2>}, {transform_indices = @transform_1, window_bounds = array<i64: 1, 2, 2048>}, {transform_indices = @transform_2, window_bounds = array<i64: 1, 256, 8>}]} {
    %get3A = arith.constant 0 : index
    %get3A_0 = arith.constant 0 : index
    %get3A_1 = arith.constant 0 : index
    %get3A_2 = vector.load %arg2[%get3A, %get3A_0, %get3A_1] : memref<1x256x2xf32, #tpu.memory_space<vmem>>, vector<1x256x1xf32>
    %get3A_3 = vector.shape_cast %get3A_2 : vector<1x256x1xf32> to vector<256x1xf32>
    %get3A_4 = arith.constant 0 : index
    %get3A_5 = arith.constant 0 : index
    %get3A_6 = arith.constant 1 : index
    %get3A_7 = vector.load %arg2[%get3A_4, %get3A_5, %get3A_6] : memref<1x256x2xf32, #tpu.memory_space<vmem>>, vector<1x256x1xf32>
    %get3A_8 = vector.shape_cast %get3A_7 : vector<1x256x1xf32> to vector<256x1xf32>
    %get3A_9 = arith.constant 0 : index
    %get3A_10 = arith.constant 0 : index
    %get3A_11 = arith.constant 0 : index
    %get3A_12 = vector.load %arg3[%get3A_9, %get3A_10, %get3A_11] : memref<1x2x2048xf32, #tpu.memory_space<vmem>>, vector<1x1x2048xf32>
    %get3A_13 = vector.shape_cast %get3A_12 : vector<1x1x2048xf32> to vector<1x2048xf32>
    %get3A_14 = arith.constant 0 : index
    %get3A_15 = arith.constant 1 : index
    %get3A_16 = arith.constant 0 : index
    %get3A_17 = vector.load %arg3[%get3A_14, %get3A_15, %get3A_16] : memref<1x2x2048xf32, #tpu.memory_space<vmem>>, vector<1x1x2048xf32>
    %get3A_18 = vector.shape_cast %get3A_17 : vector<1x1x2048xf32> to vector<1x2048xf32>
    %sub3A = vector.broadcast %get3A_3 : vector<256x1xf32> to vector<256x2048xf32>
    %sub3A_19 = vector.broadcast %get3A_13 : vector<1x2048xf32> to vector<256x2048xf32>
    %sub3A_20 = arith.subf %sub3A, %sub3A_19 : vector<256x2048xf32>
    %sub3A_21 = vector.broadcast %get3A_8 : vector<256x1xf32> to vector<256x2048xf32>
    %sub3A_22 = vector.broadcast %get3A_18 : vector<1x2048xf32> to vector<256x2048xf32>
    %sub3A_23 = arith.subf %sub3A_21, %sub3A_22 : vector<256x2048xf32>
    %mul3A = arith.mulf %sub3A_20, %sub3A_20 : vector<256x2048xf32>
    %mul3A_24 = arith.mulf %sub3A_23, %sub3A_23 : vector<256x2048xf32>
    %add3A = arith.addf %mul3A, %mul3A_24 : vector<256x2048xf32>
    %iota3A = tpu.iota {dimensions = array<i32: 1>} : vector<256x2048xi32>
    %argmin3A = tpu.reduce_index %add3A {axis = 1 : i32, kind = #tpu.reduction_kind<arg_min>} : vector<256x2048xf32> -> vector<256xi32>
    %broadcast_in_dim3A = vector.shape_cast %argmin3A : vector<256xi32> to vector<256x1xi32>
    %eq3A = vector.broadcast %broadcast_in_dim3A : vector<256x1xi32> to vector<256x2048xi32>
    %eq3A_25 = arith.cmpi eq, %iota3A, %eq3A : vector<256x2048xi32>
    %jit3A = arith.constant 0x7F800000 : f32
    %broadcast_in_dim3A_26 = vector.broadcast %jit3A : f32 to vector<256x2048xf32>
    %select_n3A = arith.select %eq3A_25, %broadcast_in_dim3A_26, %add3A : vector<256x2048xi1>, vector<256x2048xf32>
    %mul3A_27 = arith.constant 2048 : i32
    %mul3A_28 = arith.muli %arg0, %mul3A_27 : i32
    %add3A_29 = vector.broadcast %mul3A_28 : i32 to vector<256x1xi32>
    %add3A_30 = arith.addi %broadcast_in_dim3A, %add3A_29 : vector<256x1xi32>
    %argmin3A_31 = tpu.reduce_index %select_n3A {axis = 1 : i32, kind = #tpu.reduction_kind<arg_min>} : vector<256x2048xf32> -> vector<256xi32>
    %broadcast_in_dim3A_32 = vector.shape_cast %argmin3A_31 : vector<256xi32> to vector<256x1xi32>
    %eq3A_33 = vector.broadcast %broadcast_in_dim3A_32 : vector<256x1xi32> to vector<256x2048xi32>
    %eq3A_34 = arith.cmpi eq, %iota3A, %eq3A_33 : vector<256x2048xi32>
    %jit3A_35 = arith.constant 0x7F800000 : f32
    %broadcast_in_dim3A_36 = vector.broadcast %jit3A_35 : f32 to vector<256x2048xf32>
    %select_n3A_37 = arith.select %eq3A_34, %broadcast_in_dim3A_36, %select_n3A : vector<256x2048xi1>, vector<256x2048xf32>
    %mul3A_38 = arith.constant 2048 : i32
    %mul3A_39 = arith.muli %arg0, %mul3A_38 : i32
    %add3A_40 = vector.broadcast %mul3A_39 : i32 to vector<256x1xi32>
    %add3A_41 = arith.addi %broadcast_in_dim3A_32, %add3A_40 : vector<256x1xi32>
    %argmin3A_42 = tpu.reduce_index %select_n3A_37 {axis = 1 : i32, kind = #tpu.reduction_kind<arg_min>} : vector<256x2048xf32> -> vector<256xi32>
    %broadcast_in_dim3A_43 = vector.shape_cast %argmin3A_42 : vector<256xi32> to vector<256x1xi32>
    %eq3A_44 = vector.broadcast %broadcast_in_dim3A_43 : vector<256x1xi32> to vector<256x2048xi32>
    %eq3A_45 = arith.cmpi eq, %iota3A, %eq3A_44 : vector<256x2048xi32>
    %jit3A_46 = arith.constant 0x7F800000 : f32
    %broadcast_in_dim3A_47 = vector.broadcast %jit3A_46 : f32 to vector<256x2048xf32>
    %select_n3A_48 = arith.select %eq3A_45, %broadcast_in_dim3A_47, %select_n3A_37 : vector<256x2048xi1>, vector<256x2048xf32>
    %mul3A_49 = arith.constant 2048 : i32
    %mul3A_50 = arith.muli %arg0, %mul3A_49 : i32
    %add3A_51 = vector.broadcast %mul3A_50 : i32 to vector<256x1xi32>
    %add3A_52 = arith.addi %broadcast_in_dim3A_43, %add3A_51 : vector<256x1xi32>
    %argmin3A_53 = tpu.reduce_index %select_n3A_48 {axis = 1 : i32, kind = #tpu.reduction_kind<arg_min>} : vector<256x2048xf32> -> vector<256xi32>
    %broadcast_in_dim3A_54 = vector.shape_cast %argmin3A_53 : vector<256xi32> to vector<256x1xi32>
    %eq3A_55 = vector.broadcast %broadcast_in_dim3A_54 : vector<256x1xi32> to vector<256x2048xi32>
    %eq3A_56 = arith.cmpi eq, %iota3A, %eq3A_55 : vector<256x2048xi32>
    %jit3A_57 = arith.constant 0x7F800000 : f32
    %broadcast_in_dim3A_58 = vector.broadcast %jit3A_57 : f32 to vector<256x2048xf32>
    %select_n3A_59 = arith.select %eq3A_56, %broadcast_in_dim3A_58, %select_n3A_48 : vector<256x2048xi1>, vector<256x2048xf32>
    %mul3A_60 = arith.constant 2048 : i32
    %mul3A_61 = arith.muli %arg0, %mul3A_60 : i32
    %add3A_62 = vector.broadcast %mul3A_61 : i32 to vector<256x1xi32>
    %add3A_63 = arith.addi %broadcast_in_dim3A_54, %add3A_62 : vector<256x1xi32>
    %argmin3A_64 = tpu.reduce_index %select_n3A_59 {axis = 1 : i32, kind = #tpu.reduction_kind<arg_min>} : vector<256x2048xf32> -> vector<256xi32>
    %broadcast_in_dim3A_65 = vector.shape_cast %argmin3A_64 : vector<256xi32> to vector<256x1xi32>
    %eq3A_66 = vector.broadcast %broadcast_in_dim3A_65 : vector<256x1xi32> to vector<256x2048xi32>
    %eq3A_67 = arith.cmpi eq, %iota3A, %eq3A_66 : vector<256x2048xi32>
    %jit3A_68 = arith.constant 0x7F800000 : f32
    %broadcast_in_dim3A_69 = vector.broadcast %jit3A_68 : f32 to vector<256x2048xf32>
    %select_n3A_70 = arith.select %eq3A_67, %broadcast_in_dim3A_69, %select_n3A_59 : vector<256x2048xi1>, vector<256x2048xf32>
    %mul3A_71 = arith.constant 2048 : i32
    %mul3A_72 = arith.muli %arg0, %mul3A_71 : i32
    %add3A_73 = vector.broadcast %mul3A_72 : i32 to vector<256x1xi32>
    %add3A_74 = arith.addi %broadcast_in_dim3A_65, %add3A_73 : vector<256x1xi32>
    %argmin3A_75 = tpu.reduce_index %select_n3A_70 {axis = 1 : i32, kind = #tpu.reduction_kind<arg_min>} : vector<256x2048xf32> -> vector<256xi32>
    %broadcast_in_dim3A_76 = vector.shape_cast %argmin3A_75 : vector<256xi32> to vector<256x1xi32>
    %eq3A_77 = vector.broadcast %broadcast_in_dim3A_76 : vector<256x1xi32> to vector<256x2048xi32>
    %eq3A_78 = arith.cmpi eq, %iota3A, %eq3A_77 : vector<256x2048xi32>
    %jit3A_79 = arith.constant 0x7F800000 : f32
    %broadcast_in_dim3A_80 = vector.broadcast %jit3A_79 : f32 to vector<256x2048xf32>
    %select_n3A_81 = arith.select %eq3A_78, %broadcast_in_dim3A_80, %select_n3A_70 : vector<256x2048xi1>, vector<256x2048xf32>
    %mul3A_82 = arith.constant 2048 : i32
    %mul3A_83 = arith.muli %arg0, %mul3A_82 : i32
    %add3A_84 = vector.broadcast %mul3A_83 : i32 to vector<256x1xi32>
    %add3A_85 = arith.addi %broadcast_in_dim3A_76, %add3A_84 : vector<256x1xi32>
    %argmin3A_86 = tpu.reduce_index %select_n3A_81 {axis = 1 : i32, kind = #tpu.reduction_kind<arg_min>} : vector<256x2048xf32> -> vector<256xi32>
    %broadcast_in_dim3A_87 = vector.shape_cast %argmin3A_86 : vector<256xi32> to vector<256x1xi32>
    %eq3A_88 = vector.broadcast %broadcast_in_dim3A_87 : vector<256x1xi32> to vector<256x2048xi32>
    %eq3A_89 = arith.cmpi eq, %iota3A, %eq3A_88 : vector<256x2048xi32>
    %jit3A_90 = arith.constant 0x7F800000 : f32
    %broadcast_in_dim3A_91 = vector.broadcast %jit3A_90 : f32 to vector<256x2048xf32>
    %select_n3A_92 = arith.select %eq3A_89, %broadcast_in_dim3A_91, %select_n3A_81 : vector<256x2048xi1>, vector<256x2048xf32>
    %mul3A_93 = arith.constant 2048 : i32
    %mul3A_94 = arith.muli %arg0, %mul3A_93 : i32
    %add3A_95 = vector.broadcast %mul3A_94 : i32 to vector<256x1xi32>
    %add3A_96 = arith.addi %broadcast_in_dim3A_87, %add3A_95 : vector<256x1xi32>
    %argmin3A_97 = tpu.reduce_index %select_n3A_92 {axis = 1 : i32, kind = #tpu.reduction_kind<arg_min>} : vector<256x2048xf32> -> vector<256xi32>
    %broadcast_in_dim3A_98 = vector.shape_cast %argmin3A_97 : vector<256xi32> to vector<256x1xi32>
    %mul3A_99 = arith.constant 2048 : i32
    %mul3A_100 = arith.muli %arg0, %mul3A_99 : i32
    %add3A_101 = vector.broadcast %mul3A_100 : i32 to vector<256x1xi32>
    %add3A_102 = arith.addi %broadcast_in_dim3A_98, %add3A_101 : vector<256x1xi32>
    %concatenate3A = tpu.concatenate %add3A_30, %add3A_41, %add3A_52, %add3A_63, %add3A_74, %add3A_85, %add3A_96, %add3A_102 in 1 : vector<256x1xi32>, vector<256x1xi32>, vector<256x1xi32>, vector<256x1xi32>, vector<256x1xi32>, vector<256x1xi32>, vector<256x1xi32>, vector<256x1xi32> -> vector<256x8xi32>
    %swap3A = arith.constant 0 : index
    %swap3A_103 = arith.constant 0 : index
    %swap3A_104 = arith.constant 0 : index
    %swap3A_105 = vector.load %arg4[%swap3A, %swap3A_103, %swap3A_104] : memref<1x256x8xi32, #tpu.memory_space<vmem>>, vector<1x256x8xi32>
    %swap3A_106 = vector.shape_cast %swap3A_105 : vector<1x256x8xi32> to vector<256x8xi32>
    %swap3A_107 = vector.shape_cast %concatenate3A : vector<256x8xi32> to vector<1x256x8xi32>
    tpu.vector_store %arg4[%swap3A, %swap3A_103, %swap3A_104], %swap3A_107 {strides = array<i32>} : memref<1x256x8xi32, #tpu.memory_space<vmem>>, vector<1x256x8xi32>,
    return
  }
  func.func @transform_0(%arg0: i32, %arg1: i32) -> (i32, i32, i32) {
    %c0_i32 = arith.constant 0 : i32
    %c0_i32_0 = arith.constant 0 : i32
    return %arg0, %arg1, %c0_i32 : i32, i32, i32
  }
  func.func @transform_1(%arg0: i32, %arg1: i32) -> (i32, i32, i32) {
    %c0_i32 = arith.constant 0 : i32
    %c0_i32_0 = arith.constant 0 : i32
    %c0_i32_1 = arith.constant 0 : i32
    return %arg0, %c0_i32, %c0_i32_0 : i32, i32, i32
  }
  func.func @transform_2(%arg0: i32, %arg1: i32) -> (i32, i32, i32) {
    %c0_i32 = arith.constant 0 : i32
    %c0_i32_0 = arith.constant 0 : i32
    return %arg0, %arg1, %c0_i32 : i32, i32, i32
  }
}

module attributes {stable_mosaic.version = 14 : i64} {
  func.func @_qkv_body(%arg0: i32, %arg1: i32, %arg2: memref<1x512x64xf32, #tpu.memory_space<vmem>>, %arg3: memref<1x4x512x64xf32, #tpu.memory_space<vmem>>, %arg4: memref<64x64xf32, #tpu.memory_space<vmem>>, %arg5: memref<1x64xf32, #tpu.memory_space<vmem>>, %arg6: memref<64x64xf32, #tpu.memory_space<vmem>>, %arg7: memref<1x64xf32, #tpu.memory_space<vmem>>, %arg8: memref<64x64xf32, #tpu.memory_space<vmem>>, %arg9: memref<1x64xf32, #tpu.memory_space<vmem>>, %arg10: memref<1x512x256xf32, #tpu.memory_space<vmem>>, %arg11: memref<1x512x256xi32, #tpu.memory_space<vmem>>) attributes {dimension_semantics = [#tpu.dimension_semantics<arbitrary>, #tpu.dimension_semantics<arbitrary>], iteration_bounds = array<i64: 4, 4>, scalar_prefetch = 0 : i64, scratch_operands = 0 : i64, tpu.core_type = #tpu.core_type<tc>, window_params = [{transform_indices = @transform_0, window_bounds = array<i64: 1, 512, 64>}, {transform_indices = @transform_1, window_bounds = array<i64: 1, 4, 512, 64>}, {pipeline_mode = #tpu.pipeline_mode<synchronous>, transform_indices = @transform_2, window_bounds = array<i64: 64, 64>}, {pipeline_mode = #tpu.pipeline_mode<synchronous>, transform_indices = @transform_3, window_bounds = array<i64: 1, 64>}, {pipeline_mode = #tpu.pipeline_mode<synchronous>, transform_indices = @transform_4, window_bounds = array<i64: 64, 64>}, {pipeline_mode = #tpu.pipeline_mode<synchronous>, transform_indices = @transform_5, window_bounds = array<i64: 1, 64>}, {pipeline_mode = #tpu.pipeline_mode<synchronous>, transform_indices = @transform_6, window_bounds = array<i64: 64, 64>}, {pipeline_mode = #tpu.pipeline_mode<synchronous>, transform_indices = @transform_7, window_bounds = array<i64: 1, 64>}, {transform_indices = @transform_8, window_bounds = array<i64: 1, 512, 256>}, {transform_indices = @transform_9, window_bounds = array<i64: 1, 512, 256>}]} {
    %iota3A = tpu.iota {dimensions = array<i32: 0>} : vector<64x32xi32>
    %iota3A_0 = tpu.iota {dimensions = array<i32: 1>} : vector<64x32xi32>
    %mul3A = arith.constant 2 : i32
    %mul3A_1 = vector.broadcast %mul3A : i32 to vector<64x32xi32>
    %mul3A_2 = arith.muli %mul3A_1, %iota3A_0 : vector<64x32xi32>
    %eq3A = arith.cmpi eq, %iota3A, %mul3A_2 : vector<64x32xi32>
    %convert_element_type3A = arith.extui %eq3A : vector<64x32xi1> to vector<64x32xi32>
    %convert_element_type3A_3 = arith.sitofp %convert_element_type3A : vector<64x32xi32> to vector<64x32xf32>
    %mul3A_4 = arith.constant 2 : i32
    %mul3A_5 = vector.broadcast %mul3A_4 : i32 to vector<64x32xi32>
    %mul3A_6 = arith.muli %mul3A_5, %iota3A_0 : vector<64x32xi32>
    %add3A = arith.constant 1 : i32
    %add3A_7 = vector.broadcast %add3A : i32 to vector<64x32xi32>
    %add3A_8 = arith.addi %mul3A_6, %add3A_7 : vector<64x32xi32>
    %eq3A_9 = arith.cmpi eq, %iota3A, %add3A_8 : vector<64x32xi32>
    %convert_element_type3A_10 = arith.extui %eq3A_9 : vector<64x32xi1> to vector<64x32xi32>
    %convert_element_type3A_11 = arith.sitofp %convert_element_type3A_10 : vector<64x32xi32> to vector<64x32xf32>
    %get3A = arith.constant 0 : index
    %get3A_12 = arith.constant 0 : index
    %get3A_13 = arith.constant 0 : index
    %get3A_14 = vector.load %arg2[%get3A, %get3A_12, %get3A_13] : memref<1x512x64xf32, #tpu.memory_space<vmem>>, vector<1x512x64xf32>
    %get3A_15 = vector.shape_cast %get3A_14 : vector<1x512x64xf32> to vector<512x64xf32>
    %get3A_16 = arith.constant 0 : index
    %get3A_17 = arith.constant 0 : index
    %get3A_18 = arith.constant 0 : index
    %get3A_19 = arith.constant 0 : index
    %get3A_20 = vector.load %arg3[%get3A_16, %get3A_17, %get3A_18, %get3A_19] : memref<1x4x512x64xf32, #tpu.memory_space<vmem>>, vector<1x4x512x64xf32>
    %get3A_21 = vector.shape_cast %get3A_20 : vector<1x4x512x64xf32> to vector<4x512x64xf32>
    %reshape3A = vector.shape_cast %get3A_21 : vector<4x512x64xf32> to vector<2048x64xf32>
    %get3A_22 = arith.constant 0 : index
    %get3A_23 = arith.constant 0 : index
    %get3A_24 = vector.load %arg4[%get3A_22, %get3A_23] : memref<64x64xf32, #tpu.memory_space<vmem>>, vector<64x64xf32>
    %dot_general3A = arith.constant dense<0.000000e+00> : vector<64x32xf32>
    %dot_general3A_25 = tpu.matmul %get3A_24, %convert_element_type3A_3, %dot_general3A {dimension_numbers = #tpu.dot_dimension_numbers<[1], [0], [0], [1], [0, 0, 1, 1], [], []>, transpose_lhs_hint = false} : vector<64x64xf32>, vector<64x32xf32>, vector<64x32xf32> -> vector<64x32xf32>
    %get3A_26 = arith.constant 0 : index
    %get3A_27 = arith.constant 0 : index
    %get3A_28 = vector.load %arg5[%get3A_26, %get3A_27] : memref<1x64xf32, #tpu.memory_space<vmem>>, vector<1x64xf32>
    %dot_general3A_29 = arith.constant dense<0.000000e+00> : vector<1x32xf32>
    %dot_general3A_30 = tpu.matmul %get3A_28, %convert_element_type3A_3, %dot_general3A_29 {dimension_numbers = #tpu.dot_dimension_numbers<[1], [0], [0], [1], [0, 0, 1, 1], [], []>, transpose_lhs_hint = false} : vector<1x64xf32>, vector<64x32xf32>, vector<1x32xf32> -> vector<1x32xf32>
    %dot_general3A_31 = arith.constant dense<0.000000e+00> : vector<512x32xf32>
    %dot_general3A_32 = tpu.matmul %get3A_15, %dot_general3A_25, %dot_general3A_31 {dimension_numbers = #tpu.dot_dimension_numbers<[1], [0], [0], [1], [0, 0, 1, 1], [], []>, transpose_lhs_hint = false} : vector<512x64xf32>, vector<64x32xf32>, vector<512x32xf32> -> vector<512x32xf32>
    %add3A_33 = vector.broadcast %dot_general3A_30 : vector<1x32xf32> to vector<512x32xf32>
    %add3A_34 = arith.addf %dot_general3A_32, %add3A_33 : vector<512x32xf32>
    %get3A_35 = arith.constant 0 : index
    %get3A_36 = arith.constant 0 : index
    %get3A_37 = vector.load %arg4[%get3A_35, %get3A_36] : memref<64x64xf32, #tpu.memory_space<vmem>>, vector<64x64xf32>
    %dot_general3A_38 = arith.constant dense<0.000000e+00> : vector<64x32xf32>
    %dot_general3A_39 = tpu.matmul %get3A_37, %convert_element_type3A_11, %dot_general3A_38 {dimension_numbers = #tpu.dot_dimension_numbers<[1], [0], [0], [1], [0, 0, 1, 1], [], []>, transpose_lhs_hint = false} : vector<64x64xf32>, vector<64x32xf32>, vector<64x32xf32> -> vector<64x32xf32>
    %get3A_40 = arith.constant 0 : index
    %get3A_41 = arith.constant 0 : index
    %get3A_42 = vector.load %arg5[%get3A_40, %get3A_41] : memref<1x64xf32, #tpu.memory_space<vmem>>, vector<1x64xf32>
    %dot_general3A_43 = arith.constant dense<0.000000e+00> : vector<1x32xf32>
    %dot_general3A_44 = tpu.matmul %get3A_42, %convert_element_type3A_11, %dot_general3A_43 {dimension_numbers = #tpu.dot_dimension_numbers<[1], [0], [0], [1], [0, 0, 1, 1], [], []>, transpose_lhs_hint = false} : vector<1x64xf32>, vector<64x32xf32>, vector<1x32xf32> -> vector<1x32xf32>
    %dot_general3A_45 = arith.constant dense<0.000000e+00> : vector<512x32xf32>
    %dot_general3A_46 = tpu.matmul %get3A_15, %dot_general3A_39, %dot_general3A_45 {dimension_numbers = #tpu.dot_dimension_numbers<[1], [0], [0], [1], [0, 0, 1, 1], [], []>, transpose_lhs_hint = false} : vector<512x64xf32>, vector<64x32xf32>, vector<512x32xf32> -> vector<512x32xf32>
    %add3A_47 = vector.broadcast %dot_general3A_44 : vector<1x32xf32> to vector<512x32xf32>
    %add3A_48 = arith.addf %dot_general3A_46, %add3A_47 : vector<512x32xf32>
    %concatenate3A = tpu.concatenate %add3A_34, %add3A_34, %add3A_34, %add3A_34, %add3A_48, %add3A_48, %add3A_48, %add3A_48 in 1 : vector<512x32xf32>, vector<512x32xf32>, vector<512x32xf32>, vector<512x32xf32>, vector<512x32xf32>, vector<512x32xf32>, vector<512x32xf32>, vector<512x32xf32> -> vector<512x256xf32>
    %swap3A = arith.constant 0 : index
    %swap3A_49 = arith.constant 0 : index
    %swap3A_50 = arith.constant 0 : index
    %swap3A_51 = vector.load %arg10[%swap3A, %swap3A_49, %swap3A_50] : memref<1x512x256xf32, #tpu.memory_space<vmem>>, vector<1x512x256xf32>
    %swap3A_52 = vector.shape_cast %swap3A_51 : vector<1x512x256xf32> to vector<512x256xf32>
    %swap3A_53 = vector.shape_cast %concatenate3A : vector<512x256xf32> to vector<1x512x256xf32>
    tpu.vector_store %arg10[%swap3A, %swap3A_49, %swap3A_50], %swap3A_53 {strides = array<i32>} : memref<1x512x256xf32, #tpu.memory_space<vmem>>, vector<1x512x256xf32>,
    %get3A_54 = arith.constant 0 : index
    %get3A_55 = arith.constant 0 : index
    %get3A_56 = vector.load %arg6[%get3A_54, %get3A_55] : memref<64x64xf32, #tpu.memory_space<vmem>>, vector<64x64xf32>
    %dot_general3A_57 = arith.constant dense<0.000000e+00> : vector<64x32xf32>
    %dot_general3A_58 = tpu.matmul %get3A_56, %convert_element_type3A_3, %dot_general3A_57 {dimension_numbers = #tpu.dot_dimension_numbers<[1], [0], [0], [1], [0, 0, 1, 1], [], []>, transpose_lhs_hint = false} : vector<64x64xf32>, vector<64x32xf32>, vector<64x32xf32> -> vector<64x32xf32>
    %get3A_59 = arith.constant 0 : index
    %get3A_60 = arith.constant 0 : index
    %get3A_61 = vector.load %arg7[%get3A_59, %get3A_60] : memref<1x64xf32, #tpu.memory_space<vmem>>, vector<1x64xf32>
    %dot_general3A_62 = arith.constant dense<0.000000e+00> : vector<1x32xf32>
    %dot_general3A_63 = tpu.matmul %get3A_61, %convert_element_type3A_3, %dot_general3A_62 {dimension_numbers = #tpu.dot_dimension_numbers<[1], [0], [0], [1], [0, 0, 1, 1], [], []>, transpose_lhs_hint = false} : vector<1x64xf32>, vector<64x32xf32>, vector<1x32xf32> -> vector<1x32xf32>
    %dot_general3A_64 = arith.constant dense<0.000000e+00> : vector<2048x32xf32>
    %dot_general3A_65 = tpu.matmul %reshape3A, %dot_general3A_58, %dot_general3A_64 {dimension_numbers = #tpu.dot_dimension_numbers<[1], [0], [0], [1], [0, 0, 1, 1], [], []>, transpose_lhs_hint = false} : vector<2048x64xf32>, vector<64x32xf32>, vector<2048x32xf32> -> vector<2048x32xf32>
    %add3A_66 = vector.broadcast %dot_general3A_63 : vector<1x32xf32> to vector<2048x32xf32>
    %add3A_67 = arith.addf %dot_general3A_65, %add3A_66 : vector<2048x32xf32>
    %get3A_68 = arith.constant 0 : index
    %get3A_69 = arith.constant 0 : index
    %get3A_70 = vector.load %arg6[%get3A_68, %get3A_69] : memref<64x64xf32, #tpu.memory_space<vmem>>, vector<64x64xf32>
    %dot_general3A_71 = arith.constant dense<0.000000e+00> : vector<64x32xf32>
    %dot_general3A_72 = tpu.matmul %get3A_70, %convert_element_type3A_11, %dot_general3A_71 {dimension_numbers = #tpu.dot_dimension_numbers<[1], [0], [0], [1], [0, 0, 1, 1], [], []>, transpose_lhs_hint = false} : vector<64x64xf32>, vector<64x32xf32>, vector<64x32xf32> -> vector<64x32xf32>
    %get3A_73 = arith.constant 0 : index
    %get3A_74 = arith.constant 0 : index
    %get3A_75 = vector.load %arg7[%get3A_73, %get3A_74] : memref<1x64xf32, #tpu.memory_space<vmem>>, vector<1x64xf32>
    %dot_general3A_76 = arith.constant dense<0.000000e+00> : vector<1x32xf32>
    %dot_general3A_77 = tpu.matmul %get3A_75, %convert_element_type3A_11, %dot_general3A_76 {dimension_numbers = #tpu.dot_dimension_numbers<[1], [0], [0], [1], [0, 0, 1, 1], [], []>, transpose_lhs_hint = false} : vector<1x64xf32>, vector<64x32xf32>, vector<1x32xf32> -> vector<1x32xf32>
    %dot_general3A_78 = arith.constant dense<0.000000e+00> : vector<2048x32xf32>
    %dot_general3A_79 = tpu.matmul %reshape3A, %dot_general3A_72, %dot_general3A_78 {dimension_numbers = #tpu.dot_dimension_numbers<[1], [0], [0], [1], [0, 0, 1, 1], [], []>, transpose_lhs_hint = false} : vector<2048x64xf32>, vector<64x32xf32>, vector<2048x32xf32> -> vector<2048x32xf32>
    %add3A_80 = vector.broadcast %dot_general3A_77 : vector<1x32xf32> to vector<2048x32xf32>
    %add3A_81 = arith.addf %dot_general3A_79, %add3A_80 : vector<2048x32xf32>
    %convert_element_type3A_82 = arith.truncf %add3A_67 : vector<2048x32xf32> to vector<2048x32xbf16>
    %bitcast_convert_type3A = tpu.bitcast %convert_element_type3A_82 : vector<2048x32xbf16> -> vector<2048x32xi16>
    %convert_element_type3A_83 = arith.extui %bitcast_convert_type3A : vector<2048x32xi16> to vector<2048x32xi32>
    %convert_element_type3A_84 = arith.truncf %add3A_81 : vector<2048x32xf32> to vector<2048x32xbf16>
    %bitcast_convert_type3A_85 = tpu.bitcast %convert_element_type3A_84 : vector<2048x32xbf16> -> vector<2048x32xi16>
    %convert_element_type3A_86 = arith.extui %bitcast_convert_type3A_85 : vector<2048x32xi16> to vector<2048x32xi32>
    %shift_left3A = arith.constant 16 : i32
    %shift_left3A_87 = vector.broadcast %shift_left3A : i32 to vector<2048x32xi32>
    %shift_left3A_88 = arith.shli %convert_element_type3A_86, %shift_left3A_87 : vector<2048x32xi32>
    %or3A = arith.ori %shift_left3A_88, %convert_element_type3A_83 : vector<2048x32xi32>
    %bitcast_convert_type3A_89 = tpu.bitcast %or3A : vector<2048x32xi32> -> vector<2048x32xi32>
    %get3A_90 = arith.constant 0 : index
    %get3A_91 = arith.constant 0 : index
    %get3A_92 = vector.load %arg8[%get3A_90, %get3A_91] : memref<64x64xf32, #tpu.memory_space<vmem>>, vector<64x64xf32>
    %dot_general3A_93 = arith.constant dense<0.000000e+00> : vector<64x32xf32>
    %dot_general3A_94 = tpu.matmul %get3A_92, %convert_element_type3A_3, %dot_general3A_93 {dimension_numbers = #tpu.dot_dimension_numbers<[1], [0], [0], [1], [0, 0, 1, 1], [], []>, transpose_lhs_hint = false} : vector<64x64xf32>, vector<64x32xf32>, vector<64x32xf32> -> vector<64x32xf32>
    %get3A_95 = arith.constant 0 : index
    %get3A_96 = arith.constant 0 : index
    %get3A_97 = vector.load %arg9[%get3A_95, %get3A_96] : memref<1x64xf32, #tpu.memory_space<vmem>>, vector<1x64xf32>
    %dot_general3A_98 = arith.constant dense<0.000000e+00> : vector<1x32xf32>
    %dot_general3A_99 = tpu.matmul %get3A_97, %convert_element_type3A_3, %dot_general3A_98 {dimension_numbers = #tpu.dot_dimension_numbers<[1], [0], [0], [1], [0, 0, 1, 1], [], []>, transpose_lhs_hint = false} : vector<1x64xf32>, vector<64x32xf32>, vector<1x32xf32> -> vector<1x32xf32>
    %dot_general3A_100 = arith.constant dense<0.000000e+00> : vector<2048x32xf32>
    %dot_general3A_101 = tpu.matmul %reshape3A, %dot_general3A_94, %dot_general3A_100 {dimension_numbers = #tpu.dot_dimension_numbers<[1], [0], [0], [1], [0, 0, 1, 1], [], []>, transpose_lhs_hint = false} : vector<2048x64xf32>, vector<64x32xf32>, vector<2048x32xf32> -> vector<2048x32xf32>
    %add3A_102 = vector.broadcast %dot_general3A_99 : vector<1x32xf32> to vector<2048x32xf32>
    %add3A_103 = arith.addf %dot_general3A_101, %add3A_102 : vector<2048x32xf32>
    %get3A_104 = arith.constant 0 : index
    %get3A_105 = arith.constant 0 : index
    %get3A_106 = vector.load %arg8[%get3A_104, %get3A_105] : memref<64x64xf32, #tpu.memory_space<vmem>>, vector<64x64xf32>
    %dot_general3A_107 = arith.constant dense<0.000000e+00> : vector<64x32xf32>
    %dot_general3A_108 = tpu.matmul %get3A_106, %convert_element_type3A_11, %dot_general3A_107 {dimension_numbers = #tpu.dot_dimension_numbers<[1], [0], [0], [1], [0, 0, 1, 1], [], []>, transpose_lhs_hint = false} : vector<64x64xf32>, vector<64x32xf32>, vector<64x32xf32> -> vector<64x32xf32>
    %get3A_109 = arith.constant 0 : index
    %get3A_110 = arith.constant 0 : index
    %get3A_111 = vector.load %arg9[%get3A_109, %get3A_110] : memref<1x64xf32, #tpu.memory_space<vmem>>, vector<1x64xf32>
    %dot_general3A_112 = arith.constant dense<0.000000e+00> : vector<1x32xf32>
    %dot_general3A_113 = tpu.matmul %get3A_111, %convert_element_type3A_11, %dot_general3A_112 {dimension_numbers = #tpu.dot_dimension_numbers<[1], [0], [0], [1], [0, 0, 1, 1], [], []>, transpose_lhs_hint = false} : vector<1x64xf32>, vector<64x32xf32>, vector<1x32xf32> -> vector<1x32xf32>
    %dot_general3A_114 = arith.constant dense<0.000000e+00> : vector<2048x32xf32>
    %dot_general3A_115 = tpu.matmul %reshape3A, %dot_general3A_108, %dot_general3A_114 {dimension_numbers = #tpu.dot_dimension_numbers<[1], [0], [0], [1], [0, 0, 1, 1], [], []>, transpose_lhs_hint = false} : vector<2048x64xf32>, vector<64x32xf32>, vector<2048x32xf32> -> vector<2048x32xf32>
    %add3A_116 = vector.broadcast %dot_general3A_113 : vector<1x32xf32> to vector<2048x32xf32>
    %add3A_117 = arith.addf %dot_general3A_115, %add3A_116 : vector<2048x32xf32>
    %convert_element_type3A_118 = arith.truncf %add3A_103 : vector<2048x32xf32> to vector<2048x32xbf16>
    %bitcast_convert_type3A_119 = tpu.bitcast %convert_element_type3A_118 : vector<2048x32xbf16> -> vector<2048x32xi16>
    %convert_element_type3A_120 = arith.extui %bitcast_convert_type3A_119 : vector<2048x32xi16> to vector<2048x32xi32>
    %convert_element_type3A_121 = arith.truncf %add3A_117 : vector<2048x32xf32> to vector<2048x32xbf16>
    %bitcast_convert_type3A_122 = tpu.bitcast %convert_element_type3A_121 : vector<2048x32xbf16> -> vector<2048x32xi16>
    %convert_element_type3A_123 = arith.extui %bitcast_convert_type3A_122 : vector<2048x32xi16> to vector<2048x32xi32>
    %shift_left3A_124 = arith.constant 16 : i32
    %shift_left3A_125 = vector.broadcast %shift_left3A_124 : i32 to vector<2048x32xi32>
    %shift_left3A_126 = arith.shli %convert_element_type3A_123, %shift_left3A_125 : vector<2048x32xi32>
    %or3A_127 = arith.ori %shift_left3A_126, %convert_element_type3A_120 : vector<2048x32xi32>
    %bitcast_convert_type3A_128 = tpu.bitcast %or3A_127 : vector<2048x32xi32> -> vector<2048x32xi32>
    %slice3A = vector.extract_strided_slice %bitcast_convert_type3A_89 {offsets = [0, 0], sizes = [512, 32], strides = [1, 1]} : vector<2048x32xi32> to vector<512x32xi32>
    %slice3A_129 = vector.extract_strided_slice %bitcast_convert_type3A_89 {offsets = [512, 0], sizes = [512, 32], strides = [1, 1]} : vector<2048x32xi32> to vector<512x32xi32>
    %slice3A_130 = vector.extract_strided_slice %bitcast_convert_type3A_89 {offsets = [1024, 0], sizes = [512, 32], strides = [1, 1]} : vector<2048x32xi32> to vector<512x32xi32>
    %slice3A_131 = vector.extract_strided_slice %bitcast_convert_type3A_89 {offsets = [1536, 0], sizes = [512, 32], strides = [1, 1]} : vector<2048x32xi32> to vector<512x32xi32>
    %slice3A_132 = vector.extract_strided_slice %bitcast_convert_type3A_128 {offsets = [0, 0], sizes = [512, 32], strides = [1, 1]} : vector<2048x32xi32> to vector<512x32xi32>
    %slice3A_133 = vector.extract_strided_slice %bitcast_convert_type3A_128 {offsets = [512, 0], sizes = [512, 32], strides = [1, 1]} : vector<2048x32xi32> to vector<512x32xi32>
    %slice3A_134 = vector.extract_strided_slice %bitcast_convert_type3A_128 {offsets = [1024, 0], sizes = [512, 32], strides = [1, 1]} : vector<2048x32xi32> to vector<512x32xi32>
    %slice3A_135 = vector.extract_strided_slice %bitcast_convert_type3A_128 {offsets = [1536, 0], sizes = [512, 32], strides = [1, 1]} : vector<2048x32xi32> to vector<512x32xi32>
    %concatenate3A_136 = tpu.concatenate %slice3A, %slice3A_129, %slice3A_130, %slice3A_131, %slice3A_132, %slice3A_133, %slice3A_134, %slice3A_135 in 1 : vector<512x32xi32>, vector<512x32xi32>, vector<512x32xi32>, vector<512x32xi32>, vector<512x32xi32>, vector<512x32xi32>, vector<512x32xi32>, vector<512x32xi32> -> vector<512x256xi32>
    %swap3A_137 = arith.constant 0 : index
    %swap3A_138 = arith.constant 0 : index
    %swap3A_139 = arith.constant 0 : index
    %swap3A_140 = vector.load %arg11[%swap3A_137, %swap3A_138, %swap3A_139] : memref<1x512x256xi32, #tpu.memory_space<vmem>>, vector<1x512x256xi32>
    %swap3A_141 = vector.shape_cast %swap3A_140 : vector<1x512x256xi32> to vector<512x256xi32>
    %swap3A_142 = vector.shape_cast %concatenate3A_136 : vector<512x256xi32> to vector<1x512x256xi32>
    tpu.vector_store %arg11[%swap3A_137, %swap3A_138, %swap3A_139], %swap3A_142 {strides = array<i32>} : memref<1x512x256xi32, #tpu.memory_space<vmem>>, vector<1x512x256xi32>,
    return
  }
  func.func @transform_0(%arg0: i32, %arg1: i32) -> (i32, i32, i32) {
    %c0_i32 = arith.constant 0 : i32
    %c0_i32_0 = arith.constant 0 : i32
    return %arg0, %arg1, %c0_i32 : i32, i32, i32
  }
  func.func @transform_1(%arg0: i32, %arg1: i32) -> (i32, i32, i32, i32) {
    %c0_i32 = arith.constant 0 : i32
    %c0_i32_0 = arith.constant 0 : i32
    %c0_i32_1 = arith.constant 0 : i32
    return %arg0, %c0_i32, %arg1, %c0_i32_0 : i32, i32, i32, i32
  }
  func.func @transform_2(%arg0: i32, %arg1: i32) -> (i32, i32) {
    %c0_i32 = arith.constant 0 : i32
    %c0_i32_0 = arith.constant 0 : i32
    %c0_i32_1 = arith.constant 0 : i32
    return %c0_i32, %c0_i32_0 : i32, i32
  }
  func.func @transform_3(%arg0: i32, %arg1: i32) -> (i32, i32) {
    %c0_i32 = arith.constant 0 : i32
    %c0_i32_0 = arith.constant 0 : i32
    %c0_i32_1 = arith.constant 0 : i32
    return %c0_i32, %c0_i32_0 : i32, i32
  }
  func.func @transform_4(%arg0: i32, %arg1: i32) -> (i32, i32) {
    %c0_i32 = arith.constant 0 : i32
    %c0_i32_0 = arith.constant 0 : i32
    %c0_i32_1 = arith.constant 0 : i32
    return %c0_i32, %c0_i32_0 : i32, i32
  }
  func.func @transform_5(%arg0: i32, %arg1: i32) -> (i32, i32) {
    %c0_i32 = arith.constant 0 : i32
    %c0_i32_0 = arith.constant 0 : i32
    %c0_i32_1 = arith.constant 0 : i32
    return %c0_i32, %c0_i32_0 : i32, i32
  }
  func.func @transform_6(%arg0: i32, %arg1: i32) -> (i32, i32) {
    %c0_i32 = arith.constant 0 : i32
    %c0_i32_0 = arith.constant 0 : i32
    %c0_i32_1 = arith.constant 0 : i32
    return %c0_i32, %c0_i32_0 : i32, i32
  }
  func.func @transform_7(%arg0: i32, %arg1: i32) -> (i32, i32) {
    %c0_i32 = arith.constant 0 : i32
    %c0_i32_0 = arith.constant 0 : i32
    %c0_i32_1 = arith.constant 0 : i32
    return %c0_i32, %c0_i32_0 : i32, i32
  }
  func.func @transform_8(%arg0: i32, %arg1: i32) -> (i32, i32, i32) {
    %c0_i32 = arith.constant 0 : i32
    %c0_i32_0 = arith.constant 0 : i32
    return %arg0, %arg1, %c0_i32 : i32, i32, i32
  }
  func.func @transform_9(%arg0: i32, %arg1: i32) -> (i32, i32, i32) {
    %c0_i32 = arith.constant 0 : i32
    %c0_i32_0 = arith.constant 0 : i32
    return %arg0, %arg1, %c0_i32 : i32, i32, i32
  }
}

module attributes {stable_mosaic.version = 14 : i64} {
  func.func @_attn_body(%arg0: i32, %arg1: memref<1x256x256xf32, #tpu.memory_space<vmem>>, %arg2: memref<2048x256xi32, #tpu.memory_space<vmem>>, %arg3: memref<64x64xf32, #tpu.memory_space<vmem>>, %arg4: memref<64xf32, #tpu.memory_space<vmem>>, %arg5: memref<64x64xf32, #tpu.memory_space<vmem>>, %arg6: memref<64xf32, #tpu.memory_space<vmem>>, %arg7: memref<256x64xf32, #tpu.memory_space<vmem>>) attributes {dimension_semantics = [#tpu.dimension_semantics<arbitrary>], iteration_bounds = array<i64: 8>, scalar_prefetch = 0 : i64, scratch_operands = 0 : i64, tpu.core_type = #tpu.core_type<tc>, window_params = [{transform_indices = @transform_0, window_bounds = array<i64: 1, 256, 256>}, {transform_indices = @transform_1, window_bounds = array<i64: 2048, 256>}, {pipeline_mode = #tpu.pipeline_mode<synchronous>, transform_indices = @transform_2, window_bounds = array<i64: 64, 64>}, {pipeline_mode = #tpu.pipeline_mode<synchronous>, transform_indices = @transform_3, window_bounds = array<i64: 64>}, {pipeline_mode = #tpu.pipeline_mode<synchronous>, transform_indices = @transform_4, window_bounds = array<i64: 64, 64>}, {pipeline_mode = #tpu.pipeline_mode<synchronous>, transform_indices = @transform_5, window_bounds = array<i64: 64>}, {transform_indices = @transform_6, window_bounds = array<i64: 256, 64>}]} {
    %get3A = arith.constant 0 : index
    %get3A_0 = arith.constant 0 : index
    %get3A_1 = arith.constant 0 : index
    %get3A_2 = vector.load %arg1[%get3A, %get3A_0, %get3A_1] : memref<1x256x256xf32, #tpu.memory_space<vmem>>, vector<1x256x256xf32>
    %get3A_3 = vector.shape_cast %get3A_2 : vector<1x256x256xf32> to vector<256x256xf32>
    %get3A_4 = arith.constant 0 : index
    %get3A_5 = arith.constant 0 : index
    %get3A_6 = vector.load %arg2[%get3A_4, %get3A_5] : memref<2048x256xi32, #tpu.memory_space<vmem>>, vector<2048x256xi32>
    %iota3A = tpu.iota {dimensions = array<i32: 0>} : vector<128x4xi32>
    %iota3A_7 = tpu.iota {dimensions = array<i32: 1>} : vector<128x4xi32>
    %jit3A = arith.constant 32 : i32
    %div3A = vector.broadcast %jit3A : i32 to vector<128x4xi32>
    %div3A_8 = arith.divsi %iota3A, %div3A : vector<128x4xi32>
    %sign3A = arith.constant 0 : i32
    %sign3A_9 = vector.broadcast %sign3A : i32 to vector<128x4xi32>
    %sign3A_10 = arith.cmpi sgt, %iota3A, %sign3A_9 : vector<128x4xi32>
    %sign3A_11 = arith.extui %sign3A_10 : vector<128x4xi1> to vector<128x4xi32>
    %sign3A_12 = arith.constant 0 : i32
    %sign3A_13 = vector.broadcast %sign3A_12 : i32 to vector<128x4xi32>
    %sign3A_14 = arith.cmpi slt, %iota3A, %sign3A_13 : vector<128x4xi32>
    %sign3A_15 = arith.extui %sign3A_14 : vector<128x4xi1> to vector<128x4xi32>
    %sign3A_16 = arith.subi %sign3A_11, %sign3A_15 : vector<128x4xi32>
    %sign3A_17 = arith.constant 0 : i32
    %sign3A_18 = arith.cmpi sgt, %jit3A, %sign3A_17 : i32
    %sign3A_19 = arith.extui %sign3A_18 : i1 to i32
    %sign3A_20 = arith.constant 0 : i32
    %sign3A_21 = arith.cmpi slt, %jit3A, %sign3A_20 : i32
    %sign3A_22 = arith.extui %sign3A_21 : i1 to i32
    %sign3A_23 = arith.subi %sign3A_19, %sign3A_22 : i32
    %ne3A = vector.broadcast %sign3A_23 : i32 to vector<128x4xi32>
    %ne3A_24 = arith.cmpi ne, %sign3A_16, %ne3A : vector<128x4xi32>
    %rem3A = vector.broadcast %jit3A : i32 to vector<128x4xi32>
    %rem3A_25 = arith.remsi %iota3A, %rem3A : vector<128x4xi32>
    %ne3A_26 = arith.constant 0 : i32
    %ne3A_27 = vector.broadcast %ne3A_26 : i32 to vector<128x4xi32>
    %ne3A_28 = arith.cmpi ne, %rem3A_25, %ne3A_27 : vector<128x4xi32>
    %and3A = arith.andi %ne3A_24, %ne3A_28 : vector<128x4xi1>
    %sub3A = arith.constant 1 : i32
    %sub3A_29 = vector.broadcast %sub3A : i32 to vector<128x4xi32>
    %sub3A_30 = arith.subi %div3A_8, %sub3A_29 : vector<128x4xi32>
    %select_n3A = arith.select %and3A, %sub3A_30, %div3A_8 : vector<128x4xi1>, vector<128x4xi32>
    %eq3A = arith.cmpi eq, %select_n3A, %iota3A_7 : vector<128x4xi32>
    %convert_element_type3A = arith.extui %eq3A : vector<128x4xi1> to vector<128x4xi32>
    %convert_element_type3A_31 = arith.sitofp %convert_element_type3A : vector<128x4xi32> to vector<128x4xf32>
    %iota3A_32 = tpu.iota {dimensions = array<i32: 1>} : vector<4x128xi32>
    %iota3A_33 = tpu.iota {dimensions = array<i32: 0>} : vector<4x128xi32>
    %jit3A_34 = arith.constant 32 : i32
    %div3A_35 = vector.broadcast %jit3A_34 : i32 to vector<4x128xi32>
    %div3A_36 = arith.divsi %iota3A_32, %div3A_35 : vector<4x128xi32>
    %sign3A_37 = arith.constant 0 : i32
    %sign3A_38 = vector.broadcast %sign3A_37 : i32 to vector<4x128xi32>
    %sign3A_39 = arith.cmpi sgt, %iota3A_32, %sign3A_38 : vector<4x128xi32>
    %sign3A_40 = arith.extui %sign3A_39 : vector<4x128xi1> to vector<4x128xi32>
    %sign3A_41 = arith.constant 0 : i32
    %sign3A_42 = vector.broadcast %sign3A_41 : i32 to vector<4x128xi32>
    %sign3A_43 = arith.cmpi slt, %iota3A_32, %sign3A_42 : vector<4x128xi32>
    %sign3A_44 = arith.extui %sign3A_43 : vector<4x128xi1> to vector<4x128xi32>
    %sign3A_45 = arith.subi %sign3A_40, %sign3A_44 : vector<4x128xi32>
    %sign3A_46 = arith.constant 0 : i32
    %sign3A_47 = arith.cmpi sgt, %jit3A_34, %sign3A_46 : i32
    %sign3A_48 = arith.extui %sign3A_47 : i1 to i32
    %sign3A_49 = arith.constant 0 : i32
    %sign3A_50 = arith.cmpi slt, %jit3A_34, %sign3A_49 : i32
    %sign3A_51 = arith.extui %sign3A_50 : i1 to i32
    %sign3A_52 = arith.subi %sign3A_48, %sign3A_51 : i32
    %ne3A_53 = vector.broadcast %sign3A_52 : i32 to vector<4x128xi32>
    %ne3A_54 = arith.cmpi ne, %sign3A_45, %ne3A_53 : vector<4x128xi32>
    %rem3A_55 = vector.broadcast %jit3A_34 : i32 to vector<4x128xi32>
    %rem3A_56 = arith.remsi %iota3A_32, %rem3A_55 : vector<4x128xi32>
    %ne3A_57 = arith.constant 0 : i32
    %ne3A_58 = vector.broadcast %ne3A_57 : i32 to vector<4x128xi32>
    %ne3A_59 = arith.cmpi ne, %rem3A_56, %ne3A_58 : vector<4x128xi32>
    %and3A_60 = arith.andi %ne3A_54, %ne3A_59 : vector<4x128xi1>
    %sub3A_61 = arith.constant 1 : i32
    %sub3A_62 = vector.broadcast %sub3A_61 : i32 to vector<4x128xi32>
    %sub3A_63 = arith.subi %div3A_36, %sub3A_62 : vector<4x128xi32>
    %select_n3A_64 = arith.select %and3A_60, %sub3A_63, %div3A_36 : vector<4x128xi1>, vector<4x128xi32>
    %eq3A_65 = arith.cmpi eq, %select_n3A_64, %iota3A_33 : vector<4x128xi32>
    %convert_element_type3A_66 = arith.extui %eq3A_65 : vector<4x128xi1> to vector<4x128xi32>
    %convert_element_type3A_67 = arith.sitofp %convert_element_type3A_66 : vector<4x128xi32> to vector<4x128xf32>
    %iota3A_68 = tpu.iota {dimensions = array<i32: 0>} : vector<128x32xi32>
    %iota3A_69 = tpu.iota {dimensions = array<i32: 1>} : vector<128x32xi32>
    %jit3A_70 = arith.constant 32 : i32
    %eq3A_71 = arith.constant 0 : i32
    %eq3A_72 = arith.cmpi eq, %jit3A_70, %eq3A_71 : i32
    %jit3A_73 = arith.constant 1 : i32
    %select_n3A_74 = arith.select %eq3A_72, %jit3A_73, %jit3A_70 : i32
    %rem3A_75 = vector.broadcast %select_n3A_74 : i32 to vector<128x32xi32>
    %rem3A_76 = arith.remsi %iota3A_68, %rem3A_75 : vector<128x32xi32>
    %ne3A_77 = arith.constant 0 : i32
    %ne3A_78 = vector.broadcast %ne3A_77 : i32 to vector<128x32xi32>
    %ne3A_79 = arith.cmpi ne, %rem3A_76, %ne3A_78 : vector<128x32xi32>
    %lt3A = arith.constant 0 : i32
    %lt3A_80 = vector.broadcast %lt3A : i32 to vector<128x32xi32>
    %lt3A_81 = arith.cmpi slt, %rem3A_76, %lt3A_80 : vector<128x32xi32>
    %lt3A_82 = arith.constant 0 : i32
    %lt3A_83 = arith.cmpi slt, %select_n3A_74, %lt3A_82 : i32
    %ne3A_84 = vector.broadcast %lt3A_83 : i1 to vector<128x32xi1>
    %ne3A_85 = vector.broadcast %ne3A_84 : vector<128x32xi1> to vector<128x32xi1>
    %ne3A_86 = arith.xori %lt3A_81, %ne3A_85 : vector<128x32xi1>
    %and3A_87 = arith.andi %ne3A_86, %ne3A_79 : vector<128x32xi1>
    %add3A = vector.broadcast %select_n3A_74 : i32 to vector<128x32xi32>
    %add3A_88 = arith.addi %rem3A_76, %add3A : vector<128x32xi32>
    %select_n3A_89 = arith.select %and3A_87, %add3A_88, %rem3A_76 : vector<128x32xi1>, vector<128x32xi32>
    %eq3A_90 = arith.cmpi eq, %select_n3A_89, %iota3A_69 : vector<128x32xi32>
    %convert_element_type3A_91 = arith.extui %eq3A_90 : vector<128x32xi1> to vector<128x32xi32>
    %convert_element_type3A_92 = arith.sitofp %convert_element_type3A_91 : vector<128x32xi32> to vector<128x32xf32>
    %slice3A = vector.extract_strided_slice %get3A_3 {offsets = [0, 0], sizes = [256, 128], strides = [1, 1]} : vector<256x256xf32> to vector<256x128xf32>
    %broadcast_in_dim3A = vector.shape_cast %slice3A : vector<256x128xf32> to vector<256x1x128xf32>
    %broadcast_in_dim3A_93 = vector.shape_cast %broadcast_in_dim3A : vector<256x1x128xf32> to vector<256x1x128xf32>
    %broadcast_in_dim3A_94 = vector.broadcast %broadcast_in_dim3A_93 : vector<256x1x128xf32> to vector<256x8x128xf32>
    %reshape3A = vector.shape_cast %broadcast_in_dim3A_94 : vector<256x8x128xf32> to vector<2048x128xf32>
    %slice3A_95 = vector.extract_strided_slice %get3A_3 {offsets = [0, 128], sizes = [256, 128], strides = [1, 1]} : vector<256x256xf32> to vector<256x128xf32>
    %broadcast_in_dim3A_96 = vector.shape_cast %slice3A_95 : vector<256x128xf32> to vector<256x1x128xf32>
    %broadcast_in_dim3A_97 = vector.shape_cast %broadcast_in_dim3A_96 : vector<256x1x128xf32> to vector<256x1x128xf32>
    %broadcast_in_dim3A_98 = vector.broadcast %broadcast_in_dim3A_97 : vector<256x1x128xf32> to vector<256x8x128xf32>
    %reshape3A_99 = vector.shape_cast %broadcast_in_dim3A_98 : vector<256x8x128xf32> to vector<2048x128xf32>
    %slice3A_100 = vector.extract_strided_slice %get3A_6 {offsets = [0, 0], sizes = [2048, 128], strides = [1, 1]} : vector<2048x256xi32> to vector<2048x128xi32>
    %slice3A_101 = vector.extract_strided_slice %get3A_6 {offsets = [0, 128], sizes = [2048, 128], strides = [1, 1]} : vector<2048x256xi32> to vector<2048x128xi32>
    %shift_left3A = arith.constant 16 : i32
    %shift_left3A_102 = vector.broadcast %shift_left3A : i32 to vector<2048x128xi32>
    %shift_left3A_103 = arith.shli %slice3A_100, %shift_left3A_102 : vector<2048x128xi32>
    %bitcast_convert_type3A = tpu.bitcast %shift_left3A_103 : vector<2048x128xi32> -> vector<2048x128xf32>
    %mul3A = arith.mulf %reshape3A, %bitcast_convert_type3A : vector<2048x128xf32>
    %and3A_104 = arith.constant -65536 : i32
    %and3A_105 = vector.broadcast %and3A_104 : i32 to vector<2048x128xi32>
    %and3A_106 = arith.andi %slice3A_100, %and3A_105 : vector<2048x128xi32>
    %bitcast_convert_type3A_107 = tpu.bitcast %and3A_106 : vector<2048x128xi32> -> vector<2048x128xf32>
    %mul3A_108 = arith.mulf %reshape3A_99, %bitcast_convert_type3A_107 : vector<2048x128xf32>
    %add3A_109 = arith.addf %mul3A, %mul3A_108 : vector<2048x128xf32>
    %dot_general3A = arith.constant dense<0.000000e+00> : vector<2048x4xf32>
    %dot_general3A_110 = tpu.matmul %add3A_109, %convert_element_type3A_31, %dot_general3A {dimension_numbers = #tpu.dot_dimension_numbers<[1], [0], [0], [1], [0, 0, 1, 1], [], []>, transpose_lhs_hint = false} : vector<2048x128xf32>, vector<128x4xf32>, vector<2048x4xf32> -> vector<2048x4xf32>
    %div3A_111 = arith.constant 8.000000e+00 : f32
    %div3A_112 = vector.broadcast %div3A_111 : f32 to vector<2048x4xf32>
    %div3A_113 = arith.divf %dot_general3A_110, %div3A_112 : vector<2048x4xf32>
    %reshape3A_114 = vector.shape_cast %div3A_113 : vector<2048x4xf32> to vector<256x8x4xf32>
    %reduce_max3A = arith.constant dense<0xFF800000> : vector<256x8xf32>
    %reduce_max3A_115 = vector.multi_reduction <maximumf>, %reshape3A_114, %reduce_max3A [2] : vector<256x8x4xf32> to vector<256x8xf32>
    %broadcast_in_dim3A_116 = vector.shape_cast %reduce_max3A_115 : vector<256x8xf32> to vector<256x8x1xf32>
    %reduce_max3A_117 = arith.constant dense<0xFF800000> : vector<256x1xf32>
    %reduce_max3A_118 = vector.multi_reduction <maximumf>, %broadcast_in_dim3A_116, %reduce_max3A_117 [1] : vector<256x8x1xf32> to vector<256x1xf32>
    %broadcast_in_dim3A_119 = vector.shape_cast %reduce_max3A_118 : vector<256x1xf32> to vector<256x1x1xf32>
    %sub3A_120 = vector.broadcast %broadcast_in_dim3A_119 : vector<256x1x1xf32> to vector<256x8x4xf32>
    %sub3A_121 = arith.subf %reshape3A_114, %sub3A_120 : vector<256x8x4xf32>
    %exp3A = math.exp %sub3A_121 : vector<256x8x4xf32>
    %reduce_sum3A = arith.constant dense<0.000000e+00> : vector<256x8xf32>
    %reduce_sum3A_122 = vector.multi_reduction <add>, %exp3A, %reduce_sum3A [2] : vector<256x8x4xf32> to vector<256x8xf32>
    %broadcast_in_dim3A_123 = vector.shape_cast %reduce_sum3A_122 : vector<256x8xf32> to vector<256x8x1xf32>
    %reduce_sum3A_124 = arith.constant dense<0.000000e+00> : vector<256x1xf32>
    %reduce_sum3A_125 = vector.multi_reduction <add>, %broadcast_in_dim3A_123, %reduce_sum3A_124 [1] : vector<256x8x1xf32> to vector<256x1xf32>
    %broadcast_in_dim3A_126 = vector.shape_cast %reduce_sum3A_125 : vector<256x1xf32> to vector<256x1x1xf32>
    %div3A_127 = vector.broadcast %broadcast_in_dim3A_126 : vector<256x1x1xf32> to vector<256x8x4xf32>
    %div3A_128 = arith.divf %exp3A, %div3A_127 : vector<256x8x4xf32>
    %reshape3A_129 = vector.shape_cast %div3A_128 : vector<256x8x4xf32> to vector<2048x4xf32>
    %dot_general3A_130 = arith.constant dense<0.000000e+00> : vector<2048x128xf32>
    %dot_general3A_131 = tpu.matmul %reshape3A_129, %convert_element_type3A_67, %dot_general3A_130 {dimension_numbers = #tpu.dot_dimension_numbers<[1], [0], [0], [1], [0, 0, 1, 1], [], []>, transpose_lhs_hint = false} : vector<2048x4xf32>, vector<4x128xf32>, vector<2048x128xf32> -> vector<2048x128xf32>
    %shift_left3A_132 = arith.constant 16 : i32
    %shift_left3A_133 = vector.broadcast %shift_left3A_132 : i32 to vector<2048x128xi32>
    %shift_left3A_134 = arith.shli %slice3A_101, %shift_left3A_133 : vector<2048x128xi32>
    %bitcast_convert_type3A_135 = tpu.bitcast %shift_left3A_134 : vector<2048x128xi32> -> vector<2048x128xf32>
    %mul3A_136 = arith.mulf %dot_general3A_131, %bitcast_convert_type3A_135 : vector<2048x128xf32>
    %dot_general3A_137 = arith.constant dense<0.000000e+00> : vector<2048x32xf32>
    %dot_general3A_138 = tpu.matmul %mul3A_136, %convert_element_type3A_92, %dot_general3A_137 {dimension_numbers = #tpu.dot_dimension_numbers<[1], [0], [0], [1], [0, 0, 1, 1], [], []>, transpose_lhs_hint = false} : vector<2048x128xf32>, vector<128x32xf32>, vector<2048x32xf32> -> vector<2048x32xf32>
    %and3A_139 = arith.constant -65536 : i32
    %and3A_140 = vector.broadcast %and3A_139 : i32 to vector<2048x128xi32>
    %and3A_141 = arith.andi %slice3A_101, %and3A_140 : vector<2048x128xi32>
    %bitcast_convert_type3A_142 = tpu.bitcast %and3A_141 : vector<2048x128xi32> -> vector<2048x128xf32>
    %mul3A_143 = arith.mulf %dot_general3A_131, %bitcast_convert_type3A_142 : vector<2048x128xf32>
    %dot_general3A_144 = arith.constant dense<0.000000e+00> : vector<2048x32xf32>
    %dot_general3A_145 = tpu.matmul %mul3A_143, %convert_element_type3A_92, %dot_general3A_144 {dimension_numbers = #tpu.dot_dimension_numbers<[1], [0], [0], [1], [0, 0, 1, 1], [], []>, transpose_lhs_hint = false} : vector<2048x128xf32>, vector<128x32xf32>, vector<2048x32xf32> -> vector<2048x32xf32>
    %reshape3A_146 = vector.shape_cast %dot_general3A_138 : vector<2048x32xf32> to vector<256x8x32xf32>
    %reduce_sum3A_147 = arith.constant dense<0.000000e+00> : vector<256x32xf32>
    %reduce_sum3A_148 = vector.multi_reduction <add>, %reshape3A_146, %reduce_sum3A_147 [1] : vector<256x8x32xf32> to vector<256x32xf32>
    %reshape3A_149 = vector.shape_cast %dot_general3A_145 : vector<2048x32xf32> to vector<256x8x32xf32>
    %reduce_sum3A_150 = arith.constant dense<0.000000e+00> : vector<256x32xf32>
    %reduce_sum3A_151 = vector.multi_reduction <add>, %reshape3A_149, %reduce_sum3A_150 [1] : vector<256x8x32xf32> to vector<256x32xf32>
    %concatenate3A = tpu.concatenate %reduce_sum3A_148, %reduce_sum3A_151 in 1 : vector<256x32xf32>, vector<256x32xf32> -> vector<256x64xf32>
    %get3A_152 = arith.constant 0 : index
    %get3A_153 = arith.constant 0 : index
    %get3A_154 = vector.load %arg3[%get3A_152, %get3A_153] : memref<64x64xf32, #tpu.memory_space<vmem>>, vector<64x64xf32>
    %dot_general3A_155 = arith.constant dense<0.000000e+00> : vector<256x64xf32>
    %dot_general3A_156 = tpu.matmul %concatenate3A, %get3A_154, %dot_general3A_155 {dimension_numbers = #tpu.dot_dimension_numbers<[1], [0], [0], [1], [0, 0, 1, 1], [], []>, transpose_lhs_hint = false} : vector<256x64xf32>, vector<64x64xf32>, vector<256x64xf32> -> vector<256x64xf32>
    %get3A_157 = arith.constant 0 : index
    %get3A_158 = vector.load %arg4[%get3A_157] : memref<64xf32, #tpu.memory_space<vmem>>, vector<64xf32>
    %broadcast_in_dim3A_159 = vector.shape_cast %get3A_158 : vector<64xf32> to vector<1x64xf32>
    %add3A_160 = vector.broadcast %broadcast_in_dim3A_159 : vector<1x64xf32> to vector<256x64xf32>
    %add3A_161 = arith.addf %dot_general3A_156, %add3A_160 : vector<256x64xf32>
    %mul3A_162 = arith.constant 5.000000e-01 : f32
    %mul3A_163 = vector.broadcast %mul3A_162 : f32 to vector<256x64xf32>
    %mul3A_164 = arith.mulf %mul3A_163, %add3A_161 : vector<256x64xf32>
    %div3A_165 = arith.constant 1.41421354 : f32
    %div3A_166 = vector.broadcast %div3A_165 : f32 to vector<256x64xf32>
    %div3A_167 = arith.divf %add3A_161, %div3A_166 : vector<256x64xf32>
    %erf3A = math.erf %div3A_167 : vector<256x64xf32>
    %add3A_168 = arith.constant 1.000000e+00 : f32
    %add3A_169 = vector.broadcast %add3A_168 : f32 to vector<256x64xf32>
    %add3A_170 = arith.addf %add3A_169, %erf3A : vector<256x64xf32>
    %mul3A_171 = arith.mulf %mul3A_164, %add3A_170 : vector<256x64xf32>
    %get3A_172 = arith.constant 0 : index
    %get3A_173 = arith.constant 0 : index
    %get3A_174 = vector.load %arg5[%get3A_172, %get3A_173] : memref<64x64xf32, #tpu.memory_space<vmem>>, vector<64x64xf32>
    %dot_general3A_175 = arith.constant dense<0.000000e+00> : vector<256x64xf32>
    %dot_general3A_176 = tpu.matmul %mul3A_171, %get3A_174, %dot_general3A_175 {dimension_numbers = #tpu.dot_dimension_numbers<[1], [0], [0], [1], [0, 0, 1, 1], [], []>, transpose_lhs_hint = false} : vector<256x64xf32>, vector<64x64xf32>, vector<256x64xf32> -> vector<256x64xf32>
    %get3A_177 = arith.constant 0 : index
    %get3A_178 = vector.load %arg6[%get3A_177] : memref<64xf32, #tpu.memory_space<vmem>>, vector<64xf32>
    %broadcast_in_dim3A_179 = vector.shape_cast %get3A_178 : vector<64xf32> to vector<1x64xf32>
    %add3A_180 = vector.broadcast %broadcast_in_dim3A_179 : vector<1x64xf32> to vector<256x64xf32>
    %add3A_181 = arith.addf %dot_general3A_176, %add3A_180 : vector<256x64xf32>
    %swap3A = arith.constant 0 : index
    %swap3A_182 = arith.constant 0 : index
    %swap3A_183 = vector.load %arg7[%swap3A, %swap3A_182] : memref<256x64xf32, #tpu.memory_space<vmem>>, vector<256x64xf32>
    tpu.vector_store %arg7[%swap3A, %swap3A_182], %add3A_181 {strides = array<i32>} : memref<256x64xf32, #tpu.memory_space<vmem>>, vector<256x64xf32>,
    return
  }
  func.func @transform_0(%arg0: i32) -> (i32, i32, i32) {
    %c3_i32 = arith.constant 3 : i32
    %c0_i32 = arith.constant 0 : i32
    %c0_i32_0 = arith.constant 0 : i32
    return %c3_i32, %arg0, %c0_i32 : i32, i32, i32
  }
  func.func @transform_1(%arg0: i32) -> (i32, i32) {
    %c0_i32 = arith.constant 0 : i32
    %c0_i32_0 = arith.constant 0 : i32
    return %arg0, %c0_i32 : i32, i32
  }
  func.func @transform_2(%arg0: i32) -> (i32, i32) {
    %c0_i32 = arith.constant 0 : i32
    %c0_i32_0 = arith.constant 0 : i32
    %c0_i32_1 = arith.constant 0 : i32
    return %c0_i32, %c0_i32_0 : i32, i32
  }
  func.func @transform_3(%arg0: i32) -> i32 {
    %c0_i32 = arith.constant 0 : i32
    %c0_i32_0 = arith.constant 0 : i32
    return %c0_i32 : i32
  }
  func.func @transform_4(%arg0: i32) -> (i32, i32) {
    %c0_i32 = arith.constant 0 : i32
    %c0_i32_0 = arith.constant 0 : i32
    %c0_i32_1 = arith.constant 0 : i32
    return %c0_i32, %c0_i32_0 : i32, i32
  }
  func.func @transform_5(%arg0: i32) -> i32 {
    %c0_i32 = arith.constant 0 : i32
    %c0_i32_0 = arith.constant 0 : i32
    return %c0_i32 : i32
  }
  func.func @transform_6(%arg0: i32) -> (i32, i32) {
    %c0_i32 = arith.constant 0 : i32
    %c0_i32_0 = arith.constant 0 : i32
    return %arg0, %c0_i32 : i32, i32
  }
}

module attributes {stable_mosaic.version = 14 : i64} {
  func.func @_attn_body(%arg0: i32, %arg1: memref<1x256x256xf32, #tpu.memory_space<vmem>>, %arg2: memref<2048x256xi32, #tpu.memory_space<vmem>>, %arg3: memref<64x64xf32, #tpu.memory_space<vmem>>, %arg4: memref<64xf32, #tpu.memory_space<vmem>>, %arg5: memref<64x64xf32, #tpu.memory_space<vmem>>, %arg6: memref<64xf32, #tpu.memory_space<vmem>>, %arg7: memref<256x64xf32, #tpu.memory_space<vmem>>) attributes {dimension_semantics = [#tpu.dimension_semantics<arbitrary>], iteration_bounds = array<i64: 8>, scalar_prefetch = 0 : i64, scratch_operands = 0 : i64, tpu.core_type = #tpu.core_type<tc>, window_params = [{transform_indices = @transform_0, window_bounds = array<i64: 1, 256, 256>}, {transform_indices = @transform_1, window_bounds = array<i64: 2048, 256>}, {pipeline_mode = #tpu.pipeline_mode<synchronous>, transform_indices = @transform_2, window_bounds = array<i64: 64, 64>}, {pipeline_mode = #tpu.pipeline_mode<synchronous>, transform_indices = @transform_3, window_bounds = array<i64: 64>}, {pipeline_mode = #tpu.pipeline_mode<synchronous>, transform_indices = @transform_4, window_bounds = array<i64: 64, 64>}, {pipeline_mode = #tpu.pipeline_mode<synchronous>, transform_indices = @transform_5, window_bounds = array<i64: 64>}, {transform_indices = @transform_6, window_bounds = array<i64: 256, 64>}]} {
    %get3A = arith.constant 0 : index
    %get3A_0 = arith.constant 0 : index
    %get3A_1 = arith.constant 0 : index
    %get3A_2 = vector.load %arg1[%get3A, %get3A_0, %get3A_1] : memref<1x256x256xf32, #tpu.memory_space<vmem>>, vector<1x256x256xf32>
    %get3A_3 = vector.shape_cast %get3A_2 : vector<1x256x256xf32> to vector<256x256xf32>
    %get3A_4 = arith.constant 0 : index
    %get3A_5 = arith.constant 0 : index
    %get3A_6 = vector.load %arg2[%get3A_4, %get3A_5] : memref<2048x256xi32, #tpu.memory_space<vmem>>, vector<2048x256xi32>
    %iota3A = tpu.iota {dimensions = array<i32: 0>} : vector<128x4xi32>
    %iota3A_7 = tpu.iota {dimensions = array<i32: 1>} : vector<128x4xi32>
    %jit3A = arith.constant 32 : i32
    %div3A = vector.broadcast %jit3A : i32 to vector<128x4xi32>
    %div3A_8 = arith.divsi %iota3A, %div3A : vector<128x4xi32>
    %sign3A = arith.constant 0 : i32
    %sign3A_9 = vector.broadcast %sign3A : i32 to vector<128x4xi32>
    %sign3A_10 = arith.cmpi sgt, %iota3A, %sign3A_9 : vector<128x4xi32>
    %sign3A_11 = arith.extui %sign3A_10 : vector<128x4xi1> to vector<128x4xi32>
    %sign3A_12 = arith.constant 0 : i32
    %sign3A_13 = vector.broadcast %sign3A_12 : i32 to vector<128x4xi32>
    %sign3A_14 = arith.cmpi slt, %iota3A, %sign3A_13 : vector<128x4xi32>
    %sign3A_15 = arith.extui %sign3A_14 : vector<128x4xi1> to vector<128x4xi32>
    %sign3A_16 = arith.subi %sign3A_11, %sign3A_15 : vector<128x4xi32>
    %sign3A_17 = arith.constant 0 : i32
    %sign3A_18 = arith.cmpi sgt, %jit3A, %sign3A_17 : i32
    %sign3A_19 = arith.extui %sign3A_18 : i1 to i32
    %sign3A_20 = arith.constant 0 : i32
    %sign3A_21 = arith.cmpi slt, %jit3A, %sign3A_20 : i32
    %sign3A_22 = arith.extui %sign3A_21 : i1 to i32
    %sign3A_23 = arith.subi %sign3A_19, %sign3A_22 : i32
    %ne3A = vector.broadcast %sign3A_23 : i32 to vector<128x4xi32>
    %ne3A_24 = arith.cmpi ne, %sign3A_16, %ne3A : vector<128x4xi32>
    %rem3A = vector.broadcast %jit3A : i32 to vector<128x4xi32>
    %rem3A_25 = arith.remsi %iota3A, %rem3A : vector<128x4xi32>
    %ne3A_26 = arith.constant 0 : i32
    %ne3A_27 = vector.broadcast %ne3A_26 : i32 to vector<128x4xi32>
    %ne3A_28 = arith.cmpi ne, %rem3A_25, %ne3A_27 : vector<128x4xi32>
    %and3A = arith.andi %ne3A_24, %ne3A_28 : vector<128x4xi1>
    %sub3A = arith.constant 1 : i32
    %sub3A_29 = vector.broadcast %sub3A : i32 to vector<128x4xi32>
    %sub3A_30 = arith.subi %div3A_8, %sub3A_29 : vector<128x4xi32>
    %select_n3A = arith.select %and3A, %sub3A_30, %div3A_8 : vector<128x4xi1>, vector<128x4xi32>
    %eq3A = arith.cmpi eq, %select_n3A, %iota3A_7 : vector<128x4xi32>
    %convert_element_type3A = arith.extui %eq3A : vector<128x4xi1> to vector<128x4xi32>
    %convert_element_type3A_31 = arith.sitofp %convert_element_type3A : vector<128x4xi32> to vector<128x4xf32>
    %iota3A_32 = tpu.iota {dimensions = array<i32: 1>} : vector<4x128xi32>
    %iota3A_33 = tpu.iota {dimensions = array<i32: 0>} : vector<4x128xi32>
    %jit3A_34 = arith.constant 32 : i32
    %div3A_35 = vector.broadcast %jit3A_34 : i32 to vector<4x128xi32>
    %div3A_36 = arith.divsi %iota3A_32, %div3A_35 : vector<4x128xi32>
    %sign3A_37 = arith.constant 0 : i32
    %sign3A_38 = vector.broadcast %sign3A_37 : i32 to vector<4x128xi32>
    %sign3A_39 = arith.cmpi sgt, %iota3A_32, %sign3A_38 : vector<4x128xi32>
    %sign3A_40 = arith.extui %sign3A_39 : vector<4x128xi1> to vector<4x128xi32>
    %sign3A_41 = arith.constant 0 : i32
    %sign3A_42 = vector.broadcast %sign3A_41 : i32 to vector<4x128xi32>
    %sign3A_43 = arith.cmpi slt, %iota3A_32, %sign3A_42 : vector<4x128xi32>
    %sign3A_44 = arith.extui %sign3A_43 : vector<4x128xi1> to vector<4x128xi32>
    %sign3A_45 = arith.subi %sign3A_40, %sign3A_44 : vector<4x128xi32>
    %sign3A_46 = arith.constant 0 : i32
    %sign3A_47 = arith.cmpi sgt, %jit3A_34, %sign3A_46 : i32
    %sign3A_48 = arith.extui %sign3A_47 : i1 to i32
    %sign3A_49 = arith.constant 0 : i32
    %sign3A_50 = arith.cmpi slt, %jit3A_34, %sign3A_49 : i32
    %sign3A_51 = arith.extui %sign3A_50 : i1 to i32
    %sign3A_52 = arith.subi %sign3A_48, %sign3A_51 : i32
    %ne3A_53 = vector.broadcast %sign3A_52 : i32 to vector<4x128xi32>
    %ne3A_54 = arith.cmpi ne, %sign3A_45, %ne3A_53 : vector<4x128xi32>
    %rem3A_55 = vector.broadcast %jit3A_34 : i32 to vector<4x128xi32>
    %rem3A_56 = arith.remsi %iota3A_32, %rem3A_55 : vector<4x128xi32>
    %ne3A_57 = arith.constant 0 : i32
    %ne3A_58 = vector.broadcast %ne3A_57 : i32 to vector<4x128xi32>
    %ne3A_59 = arith.cmpi ne, %rem3A_56, %ne3A_58 : vector<4x128xi32>
    %and3A_60 = arith.andi %ne3A_54, %ne3A_59 : vector<4x128xi1>
    %sub3A_61 = arith.constant 1 : i32
    %sub3A_62 = vector.broadcast %sub3A_61 : i32 to vector<4x128xi32>
    %sub3A_63 = arith.subi %div3A_36, %sub3A_62 : vector<4x128xi32>
    %select_n3A_64 = arith.select %and3A_60, %sub3A_63, %div3A_36 : vector<4x128xi1>, vector<4x128xi32>
    %eq3A_65 = arith.cmpi eq, %select_n3A_64, %iota3A_33 : vector<4x128xi32>
    %convert_element_type3A_66 = arith.extui %eq3A_65 : vector<4x128xi1> to vector<4x128xi32>
    %convert_element_type3A_67 = arith.sitofp %convert_element_type3A_66 : vector<4x128xi32> to vector<4x128xf32>
    %iota3A_68 = tpu.iota {dimensions = array<i32: 0>} : vector<128x32xi32>
    %iota3A_69 = tpu.iota {dimensions = array<i32: 1>} : vector<128x32xi32>
    %jit3A_70 = arith.constant 32 : i32
    %eq3A_71 = arith.constant 0 : i32
    %eq3A_72 = arith.cmpi eq, %jit3A_70, %eq3A_71 : i32
    %jit3A_73 = arith.constant 1 : i32
    %select_n3A_74 = arith.select %eq3A_72, %jit3A_73, %jit3A_70 : i32
    %rem3A_75 = vector.broadcast %select_n3A_74 : i32 to vector<128x32xi32>
    %rem3A_76 = arith.remsi %iota3A_68, %rem3A_75 : vector<128x32xi32>
    %ne3A_77 = arith.constant 0 : i32
    %ne3A_78 = vector.broadcast %ne3A_77 : i32 to vector<128x32xi32>
    %ne3A_79 = arith.cmpi ne, %rem3A_76, %ne3A_78 : vector<128x32xi32>
    %lt3A = arith.constant 0 : i32
    %lt3A_80 = vector.broadcast %lt3A : i32 to vector<128x32xi32>
    %lt3A_81 = arith.cmpi slt, %rem3A_76, %lt3A_80 : vector<128x32xi32>
    %lt3A_82 = arith.constant 0 : i32
    %lt3A_83 = arith.cmpi slt, %select_n3A_74, %lt3A_82 : i32
    %ne3A_84 = vector.broadcast %lt3A_83 : i1 to vector<128x32xi1>
    %ne3A_85 = vector.broadcast %ne3A_84 : vector<128x32xi1> to vector<128x32xi1>
    %ne3A_86 = arith.xori %lt3A_81, %ne3A_85 : vector<128x32xi1>
    %and3A_87 = arith.andi %ne3A_86, %ne3A_79 : vector<128x32xi1>
    %add3A = vector.broadcast %select_n3A_74 : i32 to vector<128x32xi32>
    %add3A_88 = arith.addi %rem3A_76, %add3A : vector<128x32xi32>
    %select_n3A_89 = arith.select %and3A_87, %add3A_88, %rem3A_76 : vector<128x32xi1>, vector<128x32xi32>
    %eq3A_90 = arith.cmpi eq, %select_n3A_89, %iota3A_69 : vector<128x32xi32>
    %convert_element_type3A_91 = arith.extui %eq3A_90 : vector<128x32xi1> to vector<128x32xi32>
    %convert_element_type3A_92 = arith.sitofp %convert_element_type3A_91 : vector<128x32xi32> to vector<128x32xf32>
    %slice3A = vector.extract_strided_slice %get3A_3 {offsets = [0, 0], sizes = [256, 128], strides = [1, 1]} : vector<256x256xf32> to vector<256x128xf32>
    %broadcast_in_dim3A = vector.shape_cast %slice3A : vector<256x128xf32> to vector<256x1x128xf32>
    %broadcast_in_dim3A_93 = vector.shape_cast %broadcast_in_dim3A : vector<256x1x128xf32> to vector<256x1x128xf32>
    %broadcast_in_dim3A_94 = vector.broadcast %broadcast_in_dim3A_93 : vector<256x1x128xf32> to vector<256x8x128xf32>
    %reshape3A = vector.shape_cast %broadcast_in_dim3A_94 : vector<256x8x128xf32> to vector<2048x128xf32>
    %slice3A_95 = vector.extract_strided_slice %get3A_3 {offsets = [0, 128], sizes = [256, 128], strides = [1, 1]} : vector<256x256xf32> to vector<256x128xf32>
    %broadcast_in_dim3A_96 = vector.shape_cast %slice3A_95 : vector<256x128xf32> to vector<256x1x128xf32>
    %broadcast_in_dim3A_97 = vector.shape_cast %broadcast_in_dim3A_96 : vector<256x1x128xf32> to vector<256x1x128xf32>
    %broadcast_in_dim3A_98 = vector.broadcast %broadcast_in_dim3A_97 : vector<256x1x128xf32> to vector<256x8x128xf32>
    %reshape3A_99 = vector.shape_cast %broadcast_in_dim3A_98 : vector<256x8x128xf32> to vector<2048x128xf32>
    %slice3A_100 = vector.extract_strided_slice %get3A_6 {offsets = [0, 0], sizes = [2048, 128], strides = [1, 1]} : vector<2048x256xi32> to vector<2048x128xi32>
    %slice3A_101 = vector.extract_strided_slice %get3A_6 {offsets = [0, 128], sizes = [2048, 128], strides = [1, 1]} : vector<2048x256xi32> to vector<2048x128xi32>
    %shift_left3A = arith.constant 16 : i32
    %shift_left3A_102 = vector.broadcast %shift_left3A : i32 to vector<2048x128xi32>
    %shift_left3A_103 = arith.shli %slice3A_100, %shift_left3A_102 : vector<2048x128xi32>
    %bitcast_convert_type3A = tpu.bitcast %shift_left3A_103 : vector<2048x128xi32> -> vector<2048x128xf32>
    %mul3A = arith.mulf %reshape3A, %bitcast_convert_type3A : vector<2048x128xf32>
    %and3A_104 = arith.constant -65536 : i32
    %and3A_105 = vector.broadcast %and3A_104 : i32 to vector<2048x128xi32>
    %and3A_106 = arith.andi %slice3A_100, %and3A_105 : vector<2048x128xi32>
    %bitcast_convert_type3A_107 = tpu.bitcast %and3A_106 : vector<2048x128xi32> -> vector<2048x128xf32>
    %mul3A_108 = arith.mulf %reshape3A_99, %bitcast_convert_type3A_107 : vector<2048x128xf32>
    %add3A_109 = arith.addf %mul3A, %mul3A_108 : vector<2048x128xf32>
    %dot_general3A = arith.constant dense<0.000000e+00> : vector<2048x4xf32>
    %dot_general3A_110 = tpu.matmul %add3A_109, %convert_element_type3A_31, %dot_general3A {dimension_numbers = #tpu.dot_dimension_numbers<[1], [0], [0], [1], [0, 0, 1, 1], [], []>, transpose_lhs_hint = false} : vector<2048x128xf32>, vector<128x4xf32>, vector<2048x4xf32> -> vector<2048x4xf32>
    %div3A_111 = arith.constant 8.000000e+00 : f32
    %div3A_112 = vector.broadcast %div3A_111 : f32 to vector<2048x4xf32>
    %div3A_113 = arith.divf %dot_general3A_110, %div3A_112 : vector<2048x4xf32>
    %reshape3A_114 = vector.shape_cast %div3A_113 : vector<2048x4xf32> to vector<256x8x4xf32>
    %reduce_max3A = arith.constant dense<0xFF800000> : vector<256x8xf32>
    %reduce_max3A_115 = vector.multi_reduction <maximumf>, %reshape3A_114, %reduce_max3A [2] : vector<256x8x4xf32> to vector<256x8xf32>
    %broadcast_in_dim3A_116 = vector.shape_cast %reduce_max3A_115 : vector<256x8xf32> to vector<256x8x1xf32>
    %reduce_max3A_117 = arith.constant dense<0xFF800000> : vector<256x1xf32>
    %reduce_max3A_118 = vector.multi_reduction <maximumf>, %broadcast_in_dim3A_116, %reduce_max3A_117 [1] : vector<256x8x1xf32> to vector<256x1xf32>
    %broadcast_in_dim3A_119 = vector.shape_cast %reduce_max3A_118 : vector<256x1xf32> to vector<256x1x1xf32>
    %sub3A_120 = vector.broadcast %broadcast_in_dim3A_119 : vector<256x1x1xf32> to vector<256x8x4xf32>
    %sub3A_121 = arith.subf %reshape3A_114, %sub3A_120 : vector<256x8x4xf32>
    %exp3A = math.exp %sub3A_121 : vector<256x8x4xf32>
    %reduce_sum3A = arith.constant dense<0.000000e+00> : vector<256x8xf32>
    %reduce_sum3A_122 = vector.multi_reduction <add>, %exp3A, %reduce_sum3A [2] : vector<256x8x4xf32> to vector<256x8xf32>
    %broadcast_in_dim3A_123 = vector.shape_cast %reduce_sum3A_122 : vector<256x8xf32> to vector<256x8x1xf32>
    %reduce_sum3A_124 = arith.constant dense<0.000000e+00> : vector<256x1xf32>
    %reduce_sum3A_125 = vector.multi_reduction <add>, %broadcast_in_dim3A_123, %reduce_sum3A_124 [1] : vector<256x8x1xf32> to vector<256x1xf32>
    %broadcast_in_dim3A_126 = vector.shape_cast %reduce_sum3A_125 : vector<256x1xf32> to vector<256x1x1xf32>
    %div3A_127 = vector.broadcast %broadcast_in_dim3A_126 : vector<256x1x1xf32> to vector<256x8x4xf32>
    %div3A_128 = arith.divf %exp3A, %div3A_127 : vector<256x8x4xf32>
    %reshape3A_129 = vector.shape_cast %div3A_128 : vector<256x8x4xf32> to vector<2048x4xf32>
    %dot_general3A_130 = arith.constant dense<0.000000e+00> : vector<2048x128xf32>
    %dot_general3A_131 = tpu.matmul %reshape3A_129, %convert_element_type3A_67, %dot_general3A_130 {dimension_numbers = #tpu.dot_dimension_numbers<[1], [0], [0], [1], [0, 0, 1, 1], [], []>, transpose_lhs_hint = false} : vector<2048x4xf32>, vector<4x128xf32>, vector<2048x128xf32> -> vector<2048x128xf32>
    %shift_left3A_132 = arith.constant 16 : i32
    %shift_left3A_133 = vector.broadcast %shift_left3A_132 : i32 to vector<2048x128xi32>
    %shift_left3A_134 = arith.shli %slice3A_101, %shift_left3A_133 : vector<2048x128xi32>
    %bitcast_convert_type3A_135 = tpu.bitcast %shift_left3A_134 : vector<2048x128xi32> -> vector<2048x128xf32>
    %mul3A_136 = arith.mulf %dot_general3A_131, %bitcast_convert_type3A_135 : vector<2048x128xf32>
    %dot_general3A_137 = arith.constant dense<0.000000e+00> : vector<2048x32xf32>
    %dot_general3A_138 = tpu.matmul %mul3A_136, %convert_element_type3A_92, %dot_general3A_137 {dimension_numbers = #tpu.dot_dimension_numbers<[1], [0], [0], [1], [0, 0, 1, 1], [], []>, transpose_lhs_hint = false} : vector<2048x128xf32>, vector<128x32xf32>, vector<2048x32xf32> -> vector<2048x32xf32>
    %and3A_139 = arith.constant -65536 : i32
    %and3A_140 = vector.broadcast %and3A_139 : i32 to vector<2048x128xi32>
    %and3A_141 = arith.andi %slice3A_101, %and3A_140 : vector<2048x128xi32>
    %bitcast_convert_type3A_142 = tpu.bitcast %and3A_141 : vector<2048x128xi32> -> vector<2048x128xf32>
    %mul3A_143 = arith.mulf %dot_general3A_131, %bitcast_convert_type3A_142 : vector<2048x128xf32>
    %dot_general3A_144 = arith.constant dense<0.000000e+00> : vector<2048x32xf32>
    %dot_general3A_145 = tpu.matmul %mul3A_143, %convert_element_type3A_92, %dot_general3A_144 {dimension_numbers = #tpu.dot_dimension_numbers<[1], [0], [0], [1], [0, 0, 1, 1], [], []>, transpose_lhs_hint = false} : vector<2048x128xf32>, vector<128x32xf32>, vector<2048x32xf32> -> vector<2048x32xf32>
    %reshape3A_146 = vector.shape_cast %dot_general3A_138 : vector<2048x32xf32> to vector<256x8x32xf32>
    %reduce_sum3A_147 = arith.constant dense<0.000000e+00> : vector<256x32xf32>
    %reduce_sum3A_148 = vector.multi_reduction <add>, %reshape3A_146, %reduce_sum3A_147 [1] : vector<256x8x32xf32> to vector<256x32xf32>
    %reshape3A_149 = vector.shape_cast %dot_general3A_145 : vector<2048x32xf32> to vector<256x8x32xf32>
    %reduce_sum3A_150 = arith.constant dense<0.000000e+00> : vector<256x32xf32>
    %reduce_sum3A_151 = vector.multi_reduction <add>, %reshape3A_149, %reduce_sum3A_150 [1] : vector<256x8x32xf32> to vector<256x32xf32>
    %concatenate3A = tpu.concatenate %reduce_sum3A_148, %reduce_sum3A_151 in 1 : vector<256x32xf32>, vector<256x32xf32> -> vector<256x64xf32>
    %get3A_152 = arith.constant 0 : index
    %get3A_153 = arith.constant 0 : index
    %get3A_154 = vector.load %arg3[%get3A_152, %get3A_153] : memref<64x64xf32, #tpu.memory_space<vmem>>, vector<64x64xf32>
    %dot_general3A_155 = arith.constant dense<0.000000e+00> : vector<256x64xf32>
    %dot_general3A_156 = tpu.matmul %concatenate3A, %get3A_154, %dot_general3A_155 {dimension_numbers = #tpu.dot_dimension_numbers<[1], [0], [0], [1], [0, 0, 1, 1], [], []>, transpose_lhs_hint = false} : vector<256x64xf32>, vector<64x64xf32>, vector<256x64xf32> -> vector<256x64xf32>
    %get3A_157 = arith.constant 0 : index
    %get3A_158 = vector.load %arg4[%get3A_157] : memref<64xf32, #tpu.memory_space<vmem>>, vector<64xf32>
    %broadcast_in_dim3A_159 = vector.shape_cast %get3A_158 : vector<64xf32> to vector<1x64xf32>
    %add3A_160 = vector.broadcast %broadcast_in_dim3A_159 : vector<1x64xf32> to vector<256x64xf32>
    %add3A_161 = arith.addf %dot_general3A_156, %add3A_160 : vector<256x64xf32>
    %mul3A_162 = arith.constant 5.000000e-01 : f32
    %mul3A_163 = vector.broadcast %mul3A_162 : f32 to vector<256x64xf32>
    %mul3A_164 = arith.mulf %mul3A_163, %add3A_161 : vector<256x64xf32>
    %div3A_165 = arith.constant 1.41421354 : f32
    %div3A_166 = vector.broadcast %div3A_165 : f32 to vector<256x64xf32>
    %div3A_167 = arith.divf %add3A_161, %div3A_166 : vector<256x64xf32>
    %erf3A = math.erf %div3A_167 : vector<256x64xf32>
    %add3A_168 = arith.constant 1.000000e+00 : f32
    %add3A_169 = vector.broadcast %add3A_168 : f32 to vector<256x64xf32>
    %add3A_170 = arith.addf %add3A_169, %erf3A : vector<256x64xf32>
    %mul3A_171 = arith.mulf %mul3A_164, %add3A_170 : vector<256x64xf32>
    %get3A_172 = arith.constant 0 : index
    %get3A_173 = arith.constant 0 : index
    %get3A_174 = vector.load %arg5[%get3A_172, %get3A_173] : memref<64x64xf32, #tpu.memory_space<vmem>>, vector<64x64xf32>
    %dot_general3A_175 = arith.constant dense<0.000000e+00> : vector<256x64xf32>
    %dot_general3A_176 = tpu.matmul %mul3A_171, %get3A_174, %dot_general3A_175 {dimension_numbers = #tpu.dot_dimension_numbers<[1], [0], [0], [1], [0, 0, 1, 1], [], []>, transpose_lhs_hint = false} : vector<256x64xf32>, vector<64x64xf32>, vector<256x64xf32> -> vector<256x64xf32>
    %get3A_177 = arith.constant 0 : index
    %get3A_178 = vector.load %arg6[%get3A_177] : memref<64xf32, #tpu.memory_space<vmem>>, vector<64xf32>
    %broadcast_in_dim3A_179 = vector.shape_cast %get3A_178 : vector<64xf32> to vector<1x64xf32>
    %add3A_180 = vector.broadcast %broadcast_in_dim3A_179 : vector<1x64xf32> to vector<256x64xf32>
    %add3A_181 = arith.addf %dot_general3A_176, %add3A_180 : vector<256x64xf32>
    %swap3A = arith.constant 0 : index
    %swap3A_182 = arith.constant 0 : index
    %swap3A_183 = vector.load %arg7[%swap3A, %swap3A_182] : memref<256x64xf32, #tpu.memory_space<vmem>>, vector<256x64xf32>
    tpu.vector_store %arg7[%swap3A, %swap3A_182], %add3A_181 {strides = array<i32>} : memref<256x64xf32, #tpu.memory_space<vmem>>, vector<256x64xf32>,
    return
  }
  func.func @transform_0(%arg0: i32) -> (i32, i32, i32) {
    %c2_i32 = arith.constant 2 : i32
    %c0_i32 = arith.constant 0 : i32
    %c0_i32_0 = arith.constant 0 : i32
    return %c2_i32, %arg0, %c0_i32 : i32, i32, i32
  }
  func.func @transform_1(%arg0: i32) -> (i32, i32) {
    %c0_i32 = arith.constant 0 : i32
    %c0_i32_0 = arith.constant 0 : i32
    return %arg0, %c0_i32 : i32, i32
  }
  func.func @transform_2(%arg0: i32) -> (i32, i32) {
    %c0_i32 = arith.constant 0 : i32
    %c0_i32_0 = arith.constant 0 : i32
    %c0_i32_1 = arith.constant 0 : i32
    return %c0_i32, %c0_i32_0 : i32, i32
  }
  func.func @transform_3(%arg0: i32) -> i32 {
    %c0_i32 = arith.constant 0 : i32
    %c0_i32_0 = arith.constant 0 : i32
    return %c0_i32 : i32
  }
  func.func @transform_4(%arg0: i32) -> (i32, i32) {
    %c0_i32 = arith.constant 0 : i32
    %c0_i32_0 = arith.constant 0 : i32
    %c0_i32_1 = arith.constant 0 : i32
    return %c0_i32, %c0_i32_0 : i32, i32
  }
  func.func @transform_5(%arg0: i32) -> i32 {
    %c0_i32 = arith.constant 0 : i32
    %c0_i32_0 = arith.constant 0 : i32
    return %c0_i32 : i32
  }
  func.func @transform_6(%arg0: i32) -> (i32, i32) {
    %c0_i32 = arith.constant 0 : i32
    %c0_i32_0 = arith.constant 0 : i32
    return %arg0, %c0_i32 : i32, i32
  }
}

module attributes {stable_mosaic.version = 14 : i64} {
  func.func @_attn_body(%arg0: i32, %arg1: memref<1x256x256xf32, #tpu.memory_space<vmem>>, %arg2: memref<2048x256xi32, #tpu.memory_space<vmem>>, %arg3: memref<64x64xf32, #tpu.memory_space<vmem>>, %arg4: memref<64xf32, #tpu.memory_space<vmem>>, %arg5: memref<64x64xf32, #tpu.memory_space<vmem>>, %arg6: memref<64xf32, #tpu.memory_space<vmem>>, %arg7: memref<256x64xf32, #tpu.memory_space<vmem>>) attributes {dimension_semantics = [#tpu.dimension_semantics<arbitrary>], iteration_bounds = array<i64: 8>, scalar_prefetch = 0 : i64, scratch_operands = 0 : i64, tpu.core_type = #tpu.core_type<tc>, window_params = [{transform_indices = @transform_0, window_bounds = array<i64: 1, 256, 256>}, {transform_indices = @transform_1, window_bounds = array<i64: 2048, 256>}, {pipeline_mode = #tpu.pipeline_mode<synchronous>, transform_indices = @transform_2, window_bounds = array<i64: 64, 64>}, {pipeline_mode = #tpu.pipeline_mode<synchronous>, transform_indices = @transform_3, window_bounds = array<i64: 64>}, {pipeline_mode = #tpu.pipeline_mode<synchronous>, transform_indices = @transform_4, window_bounds = array<i64: 64, 64>}, {pipeline_mode = #tpu.pipeline_mode<synchronous>, transform_indices = @transform_5, window_bounds = array<i64: 64>}, {transform_indices = @transform_6, window_bounds = array<i64: 256, 64>}]} {
    %get3A = arith.constant 0 : index
    %get3A_0 = arith.constant 0 : index
    %get3A_1 = arith.constant 0 : index
    %get3A_2 = vector.load %arg1[%get3A, %get3A_0, %get3A_1] : memref<1x256x256xf32, #tpu.memory_space<vmem>>, vector<1x256x256xf32>
    %get3A_3 = vector.shape_cast %get3A_2 : vector<1x256x256xf32> to vector<256x256xf32>
    %get3A_4 = arith.constant 0 : index
    %get3A_5 = arith.constant 0 : index
    %get3A_6 = vector.load %arg2[%get3A_4, %get3A_5] : memref<2048x256xi32, #tpu.memory_space<vmem>>, vector<2048x256xi32>
    %iota3A = tpu.iota {dimensions = array<i32: 0>} : vector<128x4xi32>
    %iota3A_7 = tpu.iota {dimensions = array<i32: 1>} : vector<128x4xi32>
    %jit3A = arith.constant 32 : i32
    %div3A = vector.broadcast %jit3A : i32 to vector<128x4xi32>
    %div3A_8 = arith.divsi %iota3A, %div3A : vector<128x4xi32>
    %sign3A = arith.constant 0 : i32
    %sign3A_9 = vector.broadcast %sign3A : i32 to vector<128x4xi32>
    %sign3A_10 = arith.cmpi sgt, %iota3A, %sign3A_9 : vector<128x4xi32>
    %sign3A_11 = arith.extui %sign3A_10 : vector<128x4xi1> to vector<128x4xi32>
    %sign3A_12 = arith.constant 0 : i32
    %sign3A_13 = vector.broadcast %sign3A_12 : i32 to vector<128x4xi32>
    %sign3A_14 = arith.cmpi slt, %iota3A, %sign3A_13 : vector<128x4xi32>
    %sign3A_15 = arith.extui %sign3A_14 : vector<128x4xi1> to vector<128x4xi32>
    %sign3A_16 = arith.subi %sign3A_11, %sign3A_15 : vector<128x4xi32>
    %sign3A_17 = arith.constant 0 : i32
    %sign3A_18 = arith.cmpi sgt, %jit3A, %sign3A_17 : i32
    %sign3A_19 = arith.extui %sign3A_18 : i1 to i32
    %sign3A_20 = arith.constant 0 : i32
    %sign3A_21 = arith.cmpi slt, %jit3A, %sign3A_20 : i32
    %sign3A_22 = arith.extui %sign3A_21 : i1 to i32
    %sign3A_23 = arith.subi %sign3A_19, %sign3A_22 : i32
    %ne3A = vector.broadcast %sign3A_23 : i32 to vector<128x4xi32>
    %ne3A_24 = arith.cmpi ne, %sign3A_16, %ne3A : vector<128x4xi32>
    %rem3A = vector.broadcast %jit3A : i32 to vector<128x4xi32>
    %rem3A_25 = arith.remsi %iota3A, %rem3A : vector<128x4xi32>
    %ne3A_26 = arith.constant 0 : i32
    %ne3A_27 = vector.broadcast %ne3A_26 : i32 to vector<128x4xi32>
    %ne3A_28 = arith.cmpi ne, %rem3A_25, %ne3A_27 : vector<128x4xi32>
    %and3A = arith.andi %ne3A_24, %ne3A_28 : vector<128x4xi1>
    %sub3A = arith.constant 1 : i32
    %sub3A_29 = vector.broadcast %sub3A : i32 to vector<128x4xi32>
    %sub3A_30 = arith.subi %div3A_8, %sub3A_29 : vector<128x4xi32>
    %select_n3A = arith.select %and3A, %sub3A_30, %div3A_8 : vector<128x4xi1>, vector<128x4xi32>
    %eq3A = arith.cmpi eq, %select_n3A, %iota3A_7 : vector<128x4xi32>
    %convert_element_type3A = arith.extui %eq3A : vector<128x4xi1> to vector<128x4xi32>
    %convert_element_type3A_31 = arith.sitofp %convert_element_type3A : vector<128x4xi32> to vector<128x4xf32>
    %iota3A_32 = tpu.iota {dimensions = array<i32: 1>} : vector<4x128xi32>
    %iota3A_33 = tpu.iota {dimensions = array<i32: 0>} : vector<4x128xi32>
    %jit3A_34 = arith.constant 32 : i32
    %div3A_35 = vector.broadcast %jit3A_34 : i32 to vector<4x128xi32>
    %div3A_36 = arith.divsi %iota3A_32, %div3A_35 : vector<4x128xi32>
    %sign3A_37 = arith.constant 0 : i32
    %sign3A_38 = vector.broadcast %sign3A_37 : i32 to vector<4x128xi32>
    %sign3A_39 = arith.cmpi sgt, %iota3A_32, %sign3A_38 : vector<4x128xi32>
    %sign3A_40 = arith.extui %sign3A_39 : vector<4x128xi1> to vector<4x128xi32>
    %sign3A_41 = arith.constant 0 : i32
    %sign3A_42 = vector.broadcast %sign3A_41 : i32 to vector<4x128xi32>
    %sign3A_43 = arith.cmpi slt, %iota3A_32, %sign3A_42 : vector<4x128xi32>
    %sign3A_44 = arith.extui %sign3A_43 : vector<4x128xi1> to vector<4x128xi32>
    %sign3A_45 = arith.subi %sign3A_40, %sign3A_44 : vector<4x128xi32>
    %sign3A_46 = arith.constant 0 : i32
    %sign3A_47 = arith.cmpi sgt, %jit3A_34, %sign3A_46 : i32
    %sign3A_48 = arith.extui %sign3A_47 : i1 to i32
    %sign3A_49 = arith.constant 0 : i32
    %sign3A_50 = arith.cmpi slt, %jit3A_34, %sign3A_49 : i32
    %sign3A_51 = arith.extui %sign3A_50 : i1 to i32
    %sign3A_52 = arith.subi %sign3A_48, %sign3A_51 : i32
    %ne3A_53 = vector.broadcast %sign3A_52 : i32 to vector<4x128xi32>
    %ne3A_54 = arith.cmpi ne, %sign3A_45, %ne3A_53 : vector<4x128xi32>
    %rem3A_55 = vector.broadcast %jit3A_34 : i32 to vector<4x128xi32>
    %rem3A_56 = arith.remsi %iota3A_32, %rem3A_55 : vector<4x128xi32>
    %ne3A_57 = arith.constant 0 : i32
    %ne3A_58 = vector.broadcast %ne3A_57 : i32 to vector<4x128xi32>
    %ne3A_59 = arith.cmpi ne, %rem3A_56, %ne3A_58 : vector<4x128xi32>
    %and3A_60 = arith.andi %ne3A_54, %ne3A_59 : vector<4x128xi1>
    %sub3A_61 = arith.constant 1 : i32
    %sub3A_62 = vector.broadcast %sub3A_61 : i32 to vector<4x128xi32>
    %sub3A_63 = arith.subi %div3A_36, %sub3A_62 : vector<4x128xi32>
    %select_n3A_64 = arith.select %and3A_60, %sub3A_63, %div3A_36 : vector<4x128xi1>, vector<4x128xi32>
    %eq3A_65 = arith.cmpi eq, %select_n3A_64, %iota3A_33 : vector<4x128xi32>
    %convert_element_type3A_66 = arith.extui %eq3A_65 : vector<4x128xi1> to vector<4x128xi32>
    %convert_element_type3A_67 = arith.sitofp %convert_element_type3A_66 : vector<4x128xi32> to vector<4x128xf32>
    %iota3A_68 = tpu.iota {dimensions = array<i32: 0>} : vector<128x32xi32>
    %iota3A_69 = tpu.iota {dimensions = array<i32: 1>} : vector<128x32xi32>
    %jit3A_70 = arith.constant 32 : i32
    %eq3A_71 = arith.constant 0 : i32
    %eq3A_72 = arith.cmpi eq, %jit3A_70, %eq3A_71 : i32
    %jit3A_73 = arith.constant 1 : i32
    %select_n3A_74 = arith.select %eq3A_72, %jit3A_73, %jit3A_70 : i32
    %rem3A_75 = vector.broadcast %select_n3A_74 : i32 to vector<128x32xi32>
    %rem3A_76 = arith.remsi %iota3A_68, %rem3A_75 : vector<128x32xi32>
    %ne3A_77 = arith.constant 0 : i32
    %ne3A_78 = vector.broadcast %ne3A_77 : i32 to vector<128x32xi32>
    %ne3A_79 = arith.cmpi ne, %rem3A_76, %ne3A_78 : vector<128x32xi32>
    %lt3A = arith.constant 0 : i32
    %lt3A_80 = vector.broadcast %lt3A : i32 to vector<128x32xi32>
    %lt3A_81 = arith.cmpi slt, %rem3A_76, %lt3A_80 : vector<128x32xi32>
    %lt3A_82 = arith.constant 0 : i32
    %lt3A_83 = arith.cmpi slt, %select_n3A_74, %lt3A_82 : i32
    %ne3A_84 = vector.broadcast %lt3A_83 : i1 to vector<128x32xi1>
    %ne3A_85 = vector.broadcast %ne3A_84 : vector<128x32xi1> to vector<128x32xi1>
    %ne3A_86 = arith.xori %lt3A_81, %ne3A_85 : vector<128x32xi1>
    %and3A_87 = arith.andi %ne3A_86, %ne3A_79 : vector<128x32xi1>
    %add3A = vector.broadcast %select_n3A_74 : i32 to vector<128x32xi32>
    %add3A_88 = arith.addi %rem3A_76, %add3A : vector<128x32xi32>
    %select_n3A_89 = arith.select %and3A_87, %add3A_88, %rem3A_76 : vector<128x32xi1>, vector<128x32xi32>
    %eq3A_90 = arith.cmpi eq, %select_n3A_89, %iota3A_69 : vector<128x32xi32>
    %convert_element_type3A_91 = arith.extui %eq3A_90 : vector<128x32xi1> to vector<128x32xi32>
    %convert_element_type3A_92 = arith.sitofp %convert_element_type3A_91 : vector<128x32xi32> to vector<128x32xf32>
    %slice3A = vector.extract_strided_slice %get3A_3 {offsets = [0, 0], sizes = [256, 128], strides = [1, 1]} : vector<256x256xf32> to vector<256x128xf32>
    %broadcast_in_dim3A = vector.shape_cast %slice3A : vector<256x128xf32> to vector<256x1x128xf32>
    %broadcast_in_dim3A_93 = vector.shape_cast %broadcast_in_dim3A : vector<256x1x128xf32> to vector<256x1x128xf32>
    %broadcast_in_dim3A_94 = vector.broadcast %broadcast_in_dim3A_93 : vector<256x1x128xf32> to vector<256x8x128xf32>
    %reshape3A = vector.shape_cast %broadcast_in_dim3A_94 : vector<256x8x128xf32> to vector<2048x128xf32>
    %slice3A_95 = vector.extract_strided_slice %get3A_3 {offsets = [0, 128], sizes = [256, 128], strides = [1, 1]} : vector<256x256xf32> to vector<256x128xf32>
    %broadcast_in_dim3A_96 = vector.shape_cast %slice3A_95 : vector<256x128xf32> to vector<256x1x128xf32>
    %broadcast_in_dim3A_97 = vector.shape_cast %broadcast_in_dim3A_96 : vector<256x1x128xf32> to vector<256x1x128xf32>
    %broadcast_in_dim3A_98 = vector.broadcast %broadcast_in_dim3A_97 : vector<256x1x128xf32> to vector<256x8x128xf32>
    %reshape3A_99 = vector.shape_cast %broadcast_in_dim3A_98 : vector<256x8x128xf32> to vector<2048x128xf32>
    %slice3A_100 = vector.extract_strided_slice %get3A_6 {offsets = [0, 0], sizes = [2048, 128], strides = [1, 1]} : vector<2048x256xi32> to vector<2048x128xi32>
    %slice3A_101 = vector.extract_strided_slice %get3A_6 {offsets = [0, 128], sizes = [2048, 128], strides = [1, 1]} : vector<2048x256xi32> to vector<2048x128xi32>
    %shift_left3A = arith.constant 16 : i32
    %shift_left3A_102 = vector.broadcast %shift_left3A : i32 to vector<2048x128xi32>
    %shift_left3A_103 = arith.shli %slice3A_100, %shift_left3A_102 : vector<2048x128xi32>
    %bitcast_convert_type3A = tpu.bitcast %shift_left3A_103 : vector<2048x128xi32> -> vector<2048x128xf32>
    %mul3A = arith.mulf %reshape3A, %bitcast_convert_type3A : vector<2048x128xf32>
    %and3A_104 = arith.constant -65536 : i32
    %and3A_105 = vector.broadcast %and3A_104 : i32 to vector<2048x128xi32>
    %and3A_106 = arith.andi %slice3A_100, %and3A_105 : vector<2048x128xi32>
    %bitcast_convert_type3A_107 = tpu.bitcast %and3A_106 : vector<2048x128xi32> -> vector<2048x128xf32>
    %mul3A_108 = arith.mulf %reshape3A_99, %bitcast_convert_type3A_107 : vector<2048x128xf32>
    %add3A_109 = arith.addf %mul3A, %mul3A_108 : vector<2048x128xf32>
    %dot_general3A = arith.constant dense<0.000000e+00> : vector<2048x4xf32>
    %dot_general3A_110 = tpu.matmul %add3A_109, %convert_element_type3A_31, %dot_general3A {dimension_numbers = #tpu.dot_dimension_numbers<[1], [0], [0], [1], [0, 0, 1, 1], [], []>, transpose_lhs_hint = false} : vector<2048x128xf32>, vector<128x4xf32>, vector<2048x4xf32> -> vector<2048x4xf32>
    %div3A_111 = arith.constant 8.000000e+00 : f32
    %div3A_112 = vector.broadcast %div3A_111 : f32 to vector<2048x4xf32>
    %div3A_113 = arith.divf %dot_general3A_110, %div3A_112 : vector<2048x4xf32>
    %reshape3A_114 = vector.shape_cast %div3A_113 : vector<2048x4xf32> to vector<256x8x4xf32>
    %reduce_max3A = arith.constant dense<0xFF800000> : vector<256x8xf32>
    %reduce_max3A_115 = vector.multi_reduction <maximumf>, %reshape3A_114, %reduce_max3A [2] : vector<256x8x4xf32> to vector<256x8xf32>
    %broadcast_in_dim3A_116 = vector.shape_cast %reduce_max3A_115 : vector<256x8xf32> to vector<256x8x1xf32>
    %reduce_max3A_117 = arith.constant dense<0xFF800000> : vector<256x1xf32>
    %reduce_max3A_118 = vector.multi_reduction <maximumf>, %broadcast_in_dim3A_116, %reduce_max3A_117 [1] : vector<256x8x1xf32> to vector<256x1xf32>
    %broadcast_in_dim3A_119 = vector.shape_cast %reduce_max3A_118 : vector<256x1xf32> to vector<256x1x1xf32>
    %sub3A_120 = vector.broadcast %broadcast_in_dim3A_119 : vector<256x1x1xf32> to vector<256x8x4xf32>
    %sub3A_121 = arith.subf %reshape3A_114, %sub3A_120 : vector<256x8x4xf32>
    %exp3A = math.exp %sub3A_121 : vector<256x8x4xf32>
    %reduce_sum3A = arith.constant dense<0.000000e+00> : vector<256x8xf32>
    %reduce_sum3A_122 = vector.multi_reduction <add>, %exp3A, %reduce_sum3A [2] : vector<256x8x4xf32> to vector<256x8xf32>
    %broadcast_in_dim3A_123 = vector.shape_cast %reduce_sum3A_122 : vector<256x8xf32> to vector<256x8x1xf32>
    %reduce_sum3A_124 = arith.constant dense<0.000000e+00> : vector<256x1xf32>
    %reduce_sum3A_125 = vector.multi_reduction <add>, %broadcast_in_dim3A_123, %reduce_sum3A_124 [1] : vector<256x8x1xf32> to vector<256x1xf32>
    %broadcast_in_dim3A_126 = vector.shape_cast %reduce_sum3A_125 : vector<256x1xf32> to vector<256x1x1xf32>
    %div3A_127 = vector.broadcast %broadcast_in_dim3A_126 : vector<256x1x1xf32> to vector<256x8x4xf32>
    %div3A_128 = arith.divf %exp3A, %div3A_127 : vector<256x8x4xf32>
    %reshape3A_129 = vector.shape_cast %div3A_128 : vector<256x8x4xf32> to vector<2048x4xf32>
    %dot_general3A_130 = arith.constant dense<0.000000e+00> : vector<2048x128xf32>
    %dot_general3A_131 = tpu.matmul %reshape3A_129, %convert_element_type3A_67, %dot_general3A_130 {dimension_numbers = #tpu.dot_dimension_numbers<[1], [0], [0], [1], [0, 0, 1, 1], [], []>, transpose_lhs_hint = false} : vector<2048x4xf32>, vector<4x128xf32>, vector<2048x128xf32> -> vector<2048x128xf32>
    %shift_left3A_132 = arith.constant 16 : i32
    %shift_left3A_133 = vector.broadcast %shift_left3A_132 : i32 to vector<2048x128xi32>
    %shift_left3A_134 = arith.shli %slice3A_101, %shift_left3A_133 : vector<2048x128xi32>
    %bitcast_convert_type3A_135 = tpu.bitcast %shift_left3A_134 : vector<2048x128xi32> -> vector<2048x128xf32>
    %mul3A_136 = arith.mulf %dot_general3A_131, %bitcast_convert_type3A_135 : vector<2048x128xf32>
    %dot_general3A_137 = arith.constant dense<0.000000e+00> : vector<2048x32xf32>
    %dot_general3A_138 = tpu.matmul %mul3A_136, %convert_element_type3A_92, %dot_general3A_137 {dimension_numbers = #tpu.dot_dimension_numbers<[1], [0], [0], [1], [0, 0, 1, 1], [], []>, transpose_lhs_hint = false} : vector<2048x128xf32>, vector<128x32xf32>, vector<2048x32xf32> -> vector<2048x32xf32>
    %and3A_139 = arith.constant -65536 : i32
    %and3A_140 = vector.broadcast %and3A_139 : i32 to vector<2048x128xi32>
    %and3A_141 = arith.andi %slice3A_101, %and3A_140 : vector<2048x128xi32>
    %bitcast_convert_type3A_142 = tpu.bitcast %and3A_141 : vector<2048x128xi32> -> vector<2048x128xf32>
    %mul3A_143 = arith.mulf %dot_general3A_131, %bitcast_convert_type3A_142 : vector<2048x128xf32>
    %dot_general3A_144 = arith.constant dense<0.000000e+00> : vector<2048x32xf32>
    %dot_general3A_145 = tpu.matmul %mul3A_143, %convert_element_type3A_92, %dot_general3A_144 {dimension_numbers = #tpu.dot_dimension_numbers<[1], [0], [0], [1], [0, 0, 1, 1], [], []>, transpose_lhs_hint = false} : vector<2048x128xf32>, vector<128x32xf32>, vector<2048x32xf32> -> vector<2048x32xf32>
    %reshape3A_146 = vector.shape_cast %dot_general3A_138 : vector<2048x32xf32> to vector<256x8x32xf32>
    %reduce_sum3A_147 = arith.constant dense<0.000000e+00> : vector<256x32xf32>
    %reduce_sum3A_148 = vector.multi_reduction <add>, %reshape3A_146, %reduce_sum3A_147 [1] : vector<256x8x32xf32> to vector<256x32xf32>
    %reshape3A_149 = vector.shape_cast %dot_general3A_145 : vector<2048x32xf32> to vector<256x8x32xf32>
    %reduce_sum3A_150 = arith.constant dense<0.000000e+00> : vector<256x32xf32>
    %reduce_sum3A_151 = vector.multi_reduction <add>, %reshape3A_149, %reduce_sum3A_150 [1] : vector<256x8x32xf32> to vector<256x32xf32>
    %concatenate3A = tpu.concatenate %reduce_sum3A_148, %reduce_sum3A_151 in 1 : vector<256x32xf32>, vector<256x32xf32> -> vector<256x64xf32>
    %get3A_152 = arith.constant 0 : index
    %get3A_153 = arith.constant 0 : index
    %get3A_154 = vector.load %arg3[%get3A_152, %get3A_153] : memref<64x64xf32, #tpu.memory_space<vmem>>, vector<64x64xf32>
    %dot_general3A_155 = arith.constant dense<0.000000e+00> : vector<256x64xf32>
    %dot_general3A_156 = tpu.matmul %concatenate3A, %get3A_154, %dot_general3A_155 {dimension_numbers = #tpu.dot_dimension_numbers<[1], [0], [0], [1], [0, 0, 1, 1], [], []>, transpose_lhs_hint = false} : vector<256x64xf32>, vector<64x64xf32>, vector<256x64xf32> -> vector<256x64xf32>
    %get3A_157 = arith.constant 0 : index
    %get3A_158 = vector.load %arg4[%get3A_157] : memref<64xf32, #tpu.memory_space<vmem>>, vector<64xf32>
    %broadcast_in_dim3A_159 = vector.shape_cast %get3A_158 : vector<64xf32> to vector<1x64xf32>
    %add3A_160 = vector.broadcast %broadcast_in_dim3A_159 : vector<1x64xf32> to vector<256x64xf32>
    %add3A_161 = arith.addf %dot_general3A_156, %add3A_160 : vector<256x64xf32>
    %mul3A_162 = arith.constant 5.000000e-01 : f32
    %mul3A_163 = vector.broadcast %mul3A_162 : f32 to vector<256x64xf32>
    %mul3A_164 = arith.mulf %mul3A_163, %add3A_161 : vector<256x64xf32>
    %div3A_165 = arith.constant 1.41421354 : f32
    %div3A_166 = vector.broadcast %div3A_165 : f32 to vector<256x64xf32>
    %div3A_167 = arith.divf %add3A_161, %div3A_166 : vector<256x64xf32>
    %erf3A = math.erf %div3A_167 : vector<256x64xf32>
    %add3A_168 = arith.constant 1.000000e+00 : f32
    %add3A_169 = vector.broadcast %add3A_168 : f32 to vector<256x64xf32>
    %add3A_170 = arith.addf %add3A_169, %erf3A : vector<256x64xf32>
    %mul3A_171 = arith.mulf %mul3A_164, %add3A_170 : vector<256x64xf32>
    %get3A_172 = arith.constant 0 : index
    %get3A_173 = arith.constant 0 : index
    %get3A_174 = vector.load %arg5[%get3A_172, %get3A_173] : memref<64x64xf32, #tpu.memory_space<vmem>>, vector<64x64xf32>
    %dot_general3A_175 = arith.constant dense<0.000000e+00> : vector<256x64xf32>
    %dot_general3A_176 = tpu.matmul %mul3A_171, %get3A_174, %dot_general3A_175 {dimension_numbers = #tpu.dot_dimension_numbers<[1], [0], [0], [1], [0, 0, 1, 1], [], []>, transpose_lhs_hint = false} : vector<256x64xf32>, vector<64x64xf32>, vector<256x64xf32> -> vector<256x64xf32>
    %get3A_177 = arith.constant 0 : index
    %get3A_178 = vector.load %arg6[%get3A_177] : memref<64xf32, #tpu.memory_space<vmem>>, vector<64xf32>
    %broadcast_in_dim3A_179 = vector.shape_cast %get3A_178 : vector<64xf32> to vector<1x64xf32>
    %add3A_180 = vector.broadcast %broadcast_in_dim3A_179 : vector<1x64xf32> to vector<256x64xf32>
    %add3A_181 = arith.addf %dot_general3A_176, %add3A_180 : vector<256x64xf32>
    %swap3A = arith.constant 0 : index
    %swap3A_182 = arith.constant 0 : index
    %swap3A_183 = vector.load %arg7[%swap3A, %swap3A_182] : memref<256x64xf32, #tpu.memory_space<vmem>>, vector<256x64xf32>
    tpu.vector_store %arg7[%swap3A, %swap3A_182], %add3A_181 {strides = array<i32>} : memref<256x64xf32, #tpu.memory_space<vmem>>, vector<256x64xf32>,
    return
  }
  func.func @transform_0(%arg0: i32) -> (i32, i32, i32) {
    %c1_i32 = arith.constant 1 : i32
    %c0_i32 = arith.constant 0 : i32
    %c0_i32_0 = arith.constant 0 : i32
    return %c1_i32, %arg0, %c0_i32 : i32, i32, i32
  }
  func.func @transform_1(%arg0: i32) -> (i32, i32) {
    %c0_i32 = arith.constant 0 : i32
    %c0_i32_0 = arith.constant 0 : i32
    return %arg0, %c0_i32 : i32, i32
  }
  func.func @transform_2(%arg0: i32) -> (i32, i32) {
    %c0_i32 = arith.constant 0 : i32
    %c0_i32_0 = arith.constant 0 : i32
    %c0_i32_1 = arith.constant 0 : i32
    return %c0_i32, %c0_i32_0 : i32, i32
  }
  func.func @transform_3(%arg0: i32) -> i32 {
    %c0_i32 = arith.constant 0 : i32
    %c0_i32_0 = arith.constant 0 : i32
    return %c0_i32 : i32
  }
  func.func @transform_4(%arg0: i32) -> (i32, i32) {
    %c0_i32 = arith.constant 0 : i32
    %c0_i32_0 = arith.constant 0 : i32
    %c0_i32_1 = arith.constant 0 : i32
    return %c0_i32, %c0_i32_0 : i32, i32
  }
  func.func @transform_5(%arg0: i32) -> i32 {
    %c0_i32 = arith.constant 0 : i32
    %c0_i32_0 = arith.constant 0 : i32
    return %c0_i32 : i32
  }
  func.func @transform_6(%arg0: i32) -> (i32, i32) {
    %c0_i32 = arith.constant 0 : i32
    %c0_i32_0 = arith.constant 0 : i32
    return %arg0, %c0_i32 : i32, i32
  }
}

module attributes {stable_mosaic.version = 14 : i64} {
  func.func @_attn_body(%arg0: i32, %arg1: memref<1x256x256xf32, #tpu.memory_space<vmem>>, %arg2: memref<2048x256xi32, #tpu.memory_space<vmem>>, %arg3: memref<64x64xf32, #tpu.memory_space<vmem>>, %arg4: memref<64xf32, #tpu.memory_space<vmem>>, %arg5: memref<64x64xf32, #tpu.memory_space<vmem>>, %arg6: memref<64xf32, #tpu.memory_space<vmem>>, %arg7: memref<256x64xf32, #tpu.memory_space<vmem>>) attributes {dimension_semantics = [#tpu.dimension_semantics<arbitrary>], iteration_bounds = array<i64: 8>, scalar_prefetch = 0 : i64, scratch_operands = 0 : i64, tpu.core_type = #tpu.core_type<tc>, window_params = [{transform_indices = @transform_0, window_bounds = array<i64: 1, 256, 256>}, {transform_indices = @transform_1, window_bounds = array<i64: 2048, 256>}, {pipeline_mode = #tpu.pipeline_mode<synchronous>, transform_indices = @transform_2, window_bounds = array<i64: 64, 64>}, {pipeline_mode = #tpu.pipeline_mode<synchronous>, transform_indices = @transform_3, window_bounds = array<i64: 64>}, {pipeline_mode = #tpu.pipeline_mode<synchronous>, transform_indices = @transform_4, window_bounds = array<i64: 64, 64>}, {pipeline_mode = #tpu.pipeline_mode<synchronous>, transform_indices = @transform_5, window_bounds = array<i64: 64>}, {transform_indices = @transform_6, window_bounds = array<i64: 256, 64>}]} {
    %get3A = arith.constant 0 : index
    %get3A_0 = arith.constant 0 : index
    %get3A_1 = arith.constant 0 : index
    %get3A_2 = vector.load %arg1[%get3A, %get3A_0, %get3A_1] : memref<1x256x256xf32, #tpu.memory_space<vmem>>, vector<1x256x256xf32>
    %get3A_3 = vector.shape_cast %get3A_2 : vector<1x256x256xf32> to vector<256x256xf32>
    %get3A_4 = arith.constant 0 : index
    %get3A_5 = arith.constant 0 : index
    %get3A_6 = vector.load %arg2[%get3A_4, %get3A_5] : memref<2048x256xi32, #tpu.memory_space<vmem>>, vector<2048x256xi32>
    %iota3A = tpu.iota {dimensions = array<i32: 0>} : vector<128x4xi32>
    %iota3A_7 = tpu.iota {dimensions = array<i32: 1>} : vector<128x4xi32>
    %jit3A = arith.constant 32 : i32
    %div3A = vector.broadcast %jit3A : i32 to vector<128x4xi32>
    %div3A_8 = arith.divsi %iota3A, %div3A : vector<128x4xi32>
    %sign3A = arith.constant 0 : i32
    %sign3A_9 = vector.broadcast %sign3A : i32 to vector<128x4xi32>
    %sign3A_10 = arith.cmpi sgt, %iota3A, %sign3A_9 : vector<128x4xi32>
    %sign3A_11 = arith.extui %sign3A_10 : vector<128x4xi1> to vector<128x4xi32>
    %sign3A_12 = arith.constant 0 : i32
    %sign3A_13 = vector.broadcast %sign3A_12 : i32 to vector<128x4xi32>
    %sign3A_14 = arith.cmpi slt, %iota3A, %sign3A_13 : vector<128x4xi32>
    %sign3A_15 = arith.extui %sign3A_14 : vector<128x4xi1> to vector<128x4xi32>
    %sign3A_16 = arith.subi %sign3A_11, %sign3A_15 : vector<128x4xi32>
    %sign3A_17 = arith.constant 0 : i32
    %sign3A_18 = arith.cmpi sgt, %jit3A, %sign3A_17 : i32
    %sign3A_19 = arith.extui %sign3A_18 : i1 to i32
    %sign3A_20 = arith.constant 0 : i32
    %sign3A_21 = arith.cmpi slt, %jit3A, %sign3A_20 : i32
    %sign3A_22 = arith.extui %sign3A_21 : i1 to i32
    %sign3A_23 = arith.subi %sign3A_19, %sign3A_22 : i32
    %ne3A = vector.broadcast %sign3A_23 : i32 to vector<128x4xi32>
    %ne3A_24 = arith.cmpi ne, %sign3A_16, %ne3A : vector<128x4xi32>
    %rem3A = vector.broadcast %jit3A : i32 to vector<128x4xi32>
    %rem3A_25 = arith.remsi %iota3A, %rem3A : vector<128x4xi32>
    %ne3A_26 = arith.constant 0 : i32
    %ne3A_27 = vector.broadcast %ne3A_26 : i32 to vector<128x4xi32>
    %ne3A_28 = arith.cmpi ne, %rem3A_25, %ne3A_27 : vector<128x4xi32>
    %and3A = arith.andi %ne3A_24, %ne3A_28 : vector<128x4xi1>
    %sub3A = arith.constant 1 : i32
    %sub3A_29 = vector.broadcast %sub3A : i32 to vector<128x4xi32>
    %sub3A_30 = arith.subi %div3A_8, %sub3A_29 : vector<128x4xi32>
    %select_n3A = arith.select %and3A, %sub3A_30, %div3A_8 : vector<128x4xi1>, vector<128x4xi32>
    %eq3A = arith.cmpi eq, %select_n3A, %iota3A_7 : vector<128x4xi32>
    %convert_element_type3A = arith.extui %eq3A : vector<128x4xi1> to vector<128x4xi32>
    %convert_element_type3A_31 = arith.sitofp %convert_element_type3A : vector<128x4xi32> to vector<128x4xf32>
    %iota3A_32 = tpu.iota {dimensions = array<i32: 1>} : vector<4x128xi32>
    %iota3A_33 = tpu.iota {dimensions = array<i32: 0>} : vector<4x128xi32>
    %jit3A_34 = arith.constant 32 : i32
    %div3A_35 = vector.broadcast %jit3A_34 : i32 to vector<4x128xi32>
    %div3A_36 = arith.divsi %iota3A_32, %div3A_35 : vector<4x128xi32>
    %sign3A_37 = arith.constant 0 : i32
    %sign3A_38 = vector.broadcast %sign3A_37 : i32 to vector<4x128xi32>
    %sign3A_39 = arith.cmpi sgt, %iota3A_32, %sign3A_38 : vector<4x128xi32>
    %sign3A_40 = arith.extui %sign3A_39 : vector<4x128xi1> to vector<4x128xi32>
    %sign3A_41 = arith.constant 0 : i32
    %sign3A_42 = vector.broadcast %sign3A_41 : i32 to vector<4x128xi32>
    %sign3A_43 = arith.cmpi slt, %iota3A_32, %sign3A_42 : vector<4x128xi32>
    %sign3A_44 = arith.extui %sign3A_43 : vector<4x128xi1> to vector<4x128xi32>
    %sign3A_45 = arith.subi %sign3A_40, %sign3A_44 : vector<4x128xi32>
    %sign3A_46 = arith.constant 0 : i32
    %sign3A_47 = arith.cmpi sgt, %jit3A_34, %sign3A_46 : i32
    %sign3A_48 = arith.extui %sign3A_47 : i1 to i32
    %sign3A_49 = arith.constant 0 : i32
    %sign3A_50 = arith.cmpi slt, %jit3A_34, %sign3A_49 : i32
    %sign3A_51 = arith.extui %sign3A_50 : i1 to i32
    %sign3A_52 = arith.subi %sign3A_48, %sign3A_51 : i32
    %ne3A_53 = vector.broadcast %sign3A_52 : i32 to vector<4x128xi32>
    %ne3A_54 = arith.cmpi ne, %sign3A_45, %ne3A_53 : vector<4x128xi32>
    %rem3A_55 = vector.broadcast %jit3A_34 : i32 to vector<4x128xi32>
    %rem3A_56 = arith.remsi %iota3A_32, %rem3A_55 : vector<4x128xi32>
    %ne3A_57 = arith.constant 0 : i32
    %ne3A_58 = vector.broadcast %ne3A_57 : i32 to vector<4x128xi32>
    %ne3A_59 = arith.cmpi ne, %rem3A_56, %ne3A_58 : vector<4x128xi32>
    %and3A_60 = arith.andi %ne3A_54, %ne3A_59 : vector<4x128xi1>
    %sub3A_61 = arith.constant 1 : i32
    %sub3A_62 = vector.broadcast %sub3A_61 : i32 to vector<4x128xi32>
    %sub3A_63 = arith.subi %div3A_36, %sub3A_62 : vector<4x128xi32>
    %select_n3A_64 = arith.select %and3A_60, %sub3A_63, %div3A_36 : vector<4x128xi1>, vector<4x128xi32>
    %eq3A_65 = arith.cmpi eq, %select_n3A_64, %iota3A_33 : vector<4x128xi32>
    %convert_element_type3A_66 = arith.extui %eq3A_65 : vector<4x128xi1> to vector<4x128xi32>
    %convert_element_type3A_67 = arith.sitofp %convert_element_type3A_66 : vector<4x128xi32> to vector<4x128xf32>
    %iota3A_68 = tpu.iota {dimensions = array<i32: 0>} : vector<128x32xi32>
    %iota3A_69 = tpu.iota {dimensions = array<i32: 1>} : vector<128x32xi32>
    %jit3A_70 = arith.constant 32 : i32
    %eq3A_71 = arith.constant 0 : i32
    %eq3A_72 = arith.cmpi eq, %jit3A_70, %eq3A_71 : i32
    %jit3A_73 = arith.constant 1 : i32
    %select_n3A_74 = arith.select %eq3A_72, %jit3A_73, %jit3A_70 : i32
    %rem3A_75 = vector.broadcast %select_n3A_74 : i32 to vector<128x32xi32>
    %rem3A_76 = arith.remsi %iota3A_68, %rem3A_75 : vector<128x32xi32>
    %ne3A_77 = arith.constant 0 : i32
    %ne3A_78 = vector.broadcast %ne3A_77 : i32 to vector<128x32xi32>
    %ne3A_79 = arith.cmpi ne, %rem3A_76, %ne3A_78 : vector<128x32xi32>
    %lt3A = arith.constant 0 : i32
    %lt3A_80 = vector.broadcast %lt3A : i32 to vector<128x32xi32>
    %lt3A_81 = arith.cmpi slt, %rem3A_76, %lt3A_80 : vector<128x32xi32>
    %lt3A_82 = arith.constant 0 : i32
    %lt3A_83 = arith.cmpi slt, %select_n3A_74, %lt3A_82 : i32
    %ne3A_84 = vector.broadcast %lt3A_83 : i1 to vector<128x32xi1>
    %ne3A_85 = vector.broadcast %ne3A_84 : vector<128x32xi1> to vector<128x32xi1>
    %ne3A_86 = arith.xori %lt3A_81, %ne3A_85 : vector<128x32xi1>
    %and3A_87 = arith.andi %ne3A_86, %ne3A_79 : vector<128x32xi1>
    %add3A = vector.broadcast %select_n3A_74 : i32 to vector<128x32xi32>
    %add3A_88 = arith.addi %rem3A_76, %add3A : vector<128x32xi32>
    %select_n3A_89 = arith.select %and3A_87, %add3A_88, %rem3A_76 : vector<128x32xi1>, vector<128x32xi32>
    %eq3A_90 = arith.cmpi eq, %select_n3A_89, %iota3A_69 : vector<128x32xi32>
    %convert_element_type3A_91 = arith.extui %eq3A_90 : vector<128x32xi1> to vector<128x32xi32>
    %convert_element_type3A_92 = arith.sitofp %convert_element_type3A_91 : vector<128x32xi32> to vector<128x32xf32>
    %slice3A = vector.extract_strided_slice %get3A_3 {offsets = [0, 0], sizes = [256, 128], strides = [1, 1]} : vector<256x256xf32> to vector<256x128xf32>
    %broadcast_in_dim3A = vector.shape_cast %slice3A : vector<256x128xf32> to vector<256x1x128xf32>
    %broadcast_in_dim3A_93 = vector.shape_cast %broadcast_in_dim3A : vector<256x1x128xf32> to vector<256x1x128xf32>
    %broadcast_in_dim3A_94 = vector.broadcast %broadcast_in_dim3A_93 : vector<256x1x128xf32> to vector<256x8x128xf32>
    %reshape3A = vector.shape_cast %broadcast_in_dim3A_94 : vector<256x8x128xf32> to vector<2048x128xf32>
    %slice3A_95 = vector.extract_strided_slice %get3A_3 {offsets = [0, 128], sizes = [256, 128], strides = [1, 1]} : vector<256x256xf32> to vector<256x128xf32>
    %broadcast_in_dim3A_96 = vector.shape_cast %slice3A_95 : vector<256x128xf32> to vector<256x1x128xf32>
    %broadcast_in_dim3A_97 = vector.shape_cast %broadcast_in_dim3A_96 : vector<256x1x128xf32> to vector<256x1x128xf32>
    %broadcast_in_dim3A_98 = vector.broadcast %broadcast_in_dim3A_97 : vector<256x1x128xf32> to vector<256x8x128xf32>
    %reshape3A_99 = vector.shape_cast %broadcast_in_dim3A_98 : vector<256x8x128xf32> to vector<2048x128xf32>
    %slice3A_100 = vector.extract_strided_slice %get3A_6 {offsets = [0, 0], sizes = [2048, 128], strides = [1, 1]} : vector<2048x256xi32> to vector<2048x128xi32>
    %slice3A_101 = vector.extract_strided_slice %get3A_6 {offsets = [0, 128], sizes = [2048, 128], strides = [1, 1]} : vector<2048x256xi32> to vector<2048x128xi32>
    %shift_left3A = arith.constant 16 : i32
    %shift_left3A_102 = vector.broadcast %shift_left3A : i32 to vector<2048x128xi32>
    %shift_left3A_103 = arith.shli %slice3A_100, %shift_left3A_102 : vector<2048x128xi32>
    %bitcast_convert_type3A = tpu.bitcast %shift_left3A_103 : vector<2048x128xi32> -> vector<2048x128xf32>
    %mul3A = arith.mulf %reshape3A, %bitcast_convert_type3A : vector<2048x128xf32>
    %and3A_104 = arith.constant -65536 : i32
    %and3A_105 = vector.broadcast %and3A_104 : i32 to vector<2048x128xi32>
    %and3A_106 = arith.andi %slice3A_100, %and3A_105 : vector<2048x128xi32>
    %bitcast_convert_type3A_107 = tpu.bitcast %and3A_106 : vector<2048x128xi32> -> vector<2048x128xf32>
    %mul3A_108 = arith.mulf %reshape3A_99, %bitcast_convert_type3A_107 : vector<2048x128xf32>
    %add3A_109 = arith.addf %mul3A, %mul3A_108 : vector<2048x128xf32>
    %dot_general3A = arith.constant dense<0.000000e+00> : vector<2048x4xf32>
    %dot_general3A_110 = tpu.matmul %add3A_109, %convert_element_type3A_31, %dot_general3A {dimension_numbers = #tpu.dot_dimension_numbers<[1], [0], [0], [1], [0, 0, 1, 1], [], []>, transpose_lhs_hint = false} : vector<2048x128xf32>, vector<128x4xf32>, vector<2048x4xf32> -> vector<2048x4xf32>
    %div3A_111 = arith.constant 8.000000e+00 : f32
    %div3A_112 = vector.broadcast %div3A_111 : f32 to vector<2048x4xf32>
    %div3A_113 = arith.divf %dot_general3A_110, %div3A_112 : vector<2048x4xf32>
    %reshape3A_114 = vector.shape_cast %div3A_113 : vector<2048x4xf32> to vector<256x8x4xf32>
    %reduce_max3A = arith.constant dense<0xFF800000> : vector<256x8xf32>
    %reduce_max3A_115 = vector.multi_reduction <maximumf>, %reshape3A_114, %reduce_max3A [2] : vector<256x8x4xf32> to vector<256x8xf32>
    %broadcast_in_dim3A_116 = vector.shape_cast %reduce_max3A_115 : vector<256x8xf32> to vector<256x8x1xf32>
    %reduce_max3A_117 = arith.constant dense<0xFF800000> : vector<256x1xf32>
    %reduce_max3A_118 = vector.multi_reduction <maximumf>, %broadcast_in_dim3A_116, %reduce_max3A_117 [1] : vector<256x8x1xf32> to vector<256x1xf32>
    %broadcast_in_dim3A_119 = vector.shape_cast %reduce_max3A_118 : vector<256x1xf32> to vector<256x1x1xf32>
    %sub3A_120 = vector.broadcast %broadcast_in_dim3A_119 : vector<256x1x1xf32> to vector<256x8x4xf32>
    %sub3A_121 = arith.subf %reshape3A_114, %sub3A_120 : vector<256x8x4xf32>
    %exp3A = math.exp %sub3A_121 : vector<256x8x4xf32>
    %reduce_sum3A = arith.constant dense<0.000000e+00> : vector<256x8xf32>
    %reduce_sum3A_122 = vector.multi_reduction <add>, %exp3A, %reduce_sum3A [2] : vector<256x8x4xf32> to vector<256x8xf32>
    %broadcast_in_dim3A_123 = vector.shape_cast %reduce_sum3A_122 : vector<256x8xf32> to vector<256x8x1xf32>
    %reduce_sum3A_124 = arith.constant dense<0.000000e+00> : vector<256x1xf32>
    %reduce_sum3A_125 = vector.multi_reduction <add>, %broadcast_in_dim3A_123, %reduce_sum3A_124 [1] : vector<256x8x1xf32> to vector<256x1xf32>
    %broadcast_in_dim3A_126 = vector.shape_cast %reduce_sum3A_125 : vector<256x1xf32> to vector<256x1x1xf32>
    %div3A_127 = vector.broadcast %broadcast_in_dim3A_126 : vector<256x1x1xf32> to vector<256x8x4xf32>
    %div3A_128 = arith.divf %exp3A, %div3A_127 : vector<256x8x4xf32>
    %reshape3A_129 = vector.shape_cast %div3A_128 : vector<256x8x4xf32> to vector<2048x4xf32>
    %dot_general3A_130 = arith.constant dense<0.000000e+00> : vector<2048x128xf32>
    %dot_general3A_131 = tpu.matmul %reshape3A_129, %convert_element_type3A_67, %dot_general3A_130 {dimension_numbers = #tpu.dot_dimension_numbers<[1], [0], [0], [1], [0, 0, 1, 1], [], []>, transpose_lhs_hint = false} : vector<2048x4xf32>, vector<4x128xf32>, vector<2048x128xf32> -> vector<2048x128xf32>
    %shift_left3A_132 = arith.constant 16 : i32
    %shift_left3A_133 = vector.broadcast %shift_left3A_132 : i32 to vector<2048x128xi32>
    %shift_left3A_134 = arith.shli %slice3A_101, %shift_left3A_133 : vector<2048x128xi32>
    %bitcast_convert_type3A_135 = tpu.bitcast %shift_left3A_134 : vector<2048x128xi32> -> vector<2048x128xf32>
    %mul3A_136 = arith.mulf %dot_general3A_131, %bitcast_convert_type3A_135 : vector<2048x128xf32>
    %dot_general3A_137 = arith.constant dense<0.000000e+00> : vector<2048x32xf32>
    %dot_general3A_138 = tpu.matmul %mul3A_136, %convert_element_type3A_92, %dot_general3A_137 {dimension_numbers = #tpu.dot_dimension_numbers<[1], [0], [0], [1], [0, 0, 1, 1], [], []>, transpose_lhs_hint = false} : vector<2048x128xf32>, vector<128x32xf32>, vector<2048x32xf32> -> vector<2048x32xf32>
    %and3A_139 = arith.constant -65536 : i32
    %and3A_140 = vector.broadcast %and3A_139 : i32 to vector<2048x128xi32>
    %and3A_141 = arith.andi %slice3A_101, %and3A_140 : vector<2048x128xi32>
    %bitcast_convert_type3A_142 = tpu.bitcast %and3A_141 : vector<2048x128xi32> -> vector<2048x128xf32>
    %mul3A_143 = arith.mulf %dot_general3A_131, %bitcast_convert_type3A_142 : vector<2048x128xf32>
    %dot_general3A_144 = arith.constant dense<0.000000e+00> : vector<2048x32xf32>
    %dot_general3A_145 = tpu.matmul %mul3A_143, %convert_element_type3A_92, %dot_general3A_144 {dimension_numbers = #tpu.dot_dimension_numbers<[1], [0], [0], [1], [0, 0, 1, 1], [], []>, transpose_lhs_hint = false} : vector<2048x128xf32>, vector<128x32xf32>, vector<2048x32xf32> -> vector<2048x32xf32>
    %reshape3A_146 = vector.shape_cast %dot_general3A_138 : vector<2048x32xf32> to vector<256x8x32xf32>
    %reduce_sum3A_147 = arith.constant dense<0.000000e+00> : vector<256x32xf32>
    %reduce_sum3A_148 = vector.multi_reduction <add>, %reshape3A_146, %reduce_sum3A_147 [1] : vector<256x8x32xf32> to vector<256x32xf32>
    %reshape3A_149 = vector.shape_cast %dot_general3A_145 : vector<2048x32xf32> to vector<256x8x32xf32>
    %reduce_sum3A_150 = arith.constant dense<0.000000e+00> : vector<256x32xf32>
    %reduce_sum3A_151 = vector.multi_reduction <add>, %reshape3A_149, %reduce_sum3A_150 [1] : vector<256x8x32xf32> to vector<256x32xf32>
    %concatenate3A = tpu.concatenate %reduce_sum3A_148, %reduce_sum3A_151 in 1 : vector<256x32xf32>, vector<256x32xf32> -> vector<256x64xf32>
    %get3A_152 = arith.constant 0 : index
    %get3A_153 = arith.constant 0 : index
    %get3A_154 = vector.load %arg3[%get3A_152, %get3A_153] : memref<64x64xf32, #tpu.memory_space<vmem>>, vector<64x64xf32>
    %dot_general3A_155 = arith.constant dense<0.000000e+00> : vector<256x64xf32>
    %dot_general3A_156 = tpu.matmul %concatenate3A, %get3A_154, %dot_general3A_155 {dimension_numbers = #tpu.dot_dimension_numbers<[1], [0], [0], [1], [0, 0, 1, 1], [], []>, transpose_lhs_hint = false} : vector<256x64xf32>, vector<64x64xf32>, vector<256x64xf32> -> vector<256x64xf32>
    %get3A_157 = arith.constant 0 : index
    %get3A_158 = vector.load %arg4[%get3A_157] : memref<64xf32, #tpu.memory_space<vmem>>, vector<64xf32>
    %broadcast_in_dim3A_159 = vector.shape_cast %get3A_158 : vector<64xf32> to vector<1x64xf32>
    %add3A_160 = vector.broadcast %broadcast_in_dim3A_159 : vector<1x64xf32> to vector<256x64xf32>
    %add3A_161 = arith.addf %dot_general3A_156, %add3A_160 : vector<256x64xf32>
    %mul3A_162 = arith.constant 5.000000e-01 : f32
    %mul3A_163 = vector.broadcast %mul3A_162 : f32 to vector<256x64xf32>
    %mul3A_164 = arith.mulf %mul3A_163, %add3A_161 : vector<256x64xf32>
    %div3A_165 = arith.constant 1.41421354 : f32
    %div3A_166 = vector.broadcast %div3A_165 : f32 to vector<256x64xf32>
    %div3A_167 = arith.divf %add3A_161, %div3A_166 : vector<256x64xf32>
    %erf3A = math.erf %div3A_167 : vector<256x64xf32>
    %add3A_168 = arith.constant 1.000000e+00 : f32
    %add3A_169 = vector.broadcast %add3A_168 : f32 to vector<256x64xf32>
    %add3A_170 = arith.addf %add3A_169, %erf3A : vector<256x64xf32>
    %mul3A_171 = arith.mulf %mul3A_164, %add3A_170 : vector<256x64xf32>
    %get3A_172 = arith.constant 0 : index
    %get3A_173 = arith.constant 0 : index
    %get3A_174 = vector.load %arg5[%get3A_172, %get3A_173] : memref<64x64xf32, #tpu.memory_space<vmem>>, vector<64x64xf32>
    %dot_general3A_175 = arith.constant dense<0.000000e+00> : vector<256x64xf32>
    %dot_general3A_176 = tpu.matmul %mul3A_171, %get3A_174, %dot_general3A_175 {dimension_numbers = #tpu.dot_dimension_numbers<[1], [0], [0], [1], [0, 0, 1, 1], [], []>, transpose_lhs_hint = false} : vector<256x64xf32>, vector<64x64xf32>, vector<256x64xf32> -> vector<256x64xf32>
    %get3A_177 = arith.constant 0 : index
    %get3A_178 = vector.load %arg6[%get3A_177] : memref<64xf32, #tpu.memory_space<vmem>>, vector<64xf32>
    %broadcast_in_dim3A_179 = vector.shape_cast %get3A_178 : vector<64xf32> to vector<1x64xf32>
    %add3A_180 = vector.broadcast %broadcast_in_dim3A_179 : vector<1x64xf32> to vector<256x64xf32>
    %add3A_181 = arith.addf %dot_general3A_176, %add3A_180 : vector<256x64xf32>
    %swap3A = arith.constant 0 : index
    %swap3A_182 = arith.constant 0 : index
    %swap3A_183 = vector.load %arg7[%swap3A, %swap3A_182] : memref<256x64xf32, #tpu.memory_space<vmem>>, vector<256x64xf32>
    tpu.vector_store %arg7[%swap3A, %swap3A_182], %add3A_181 {strides = array<i32>} : memref<256x64xf32, #tpu.memory_space<vmem>>, vector<256x64xf32>,
    return
  }
  func.func @transform_0(%arg0: i32) -> (i32, i32, i32) {
    %c0_i32 = arith.constant 0 : i32
    %c0_i32_0 = arith.constant 0 : i32
    %c0_i32_1 = arith.constant 0 : i32
    return %c0_i32, %arg0, %c0_i32_0 : i32, i32, i32
  }
  func.func @transform_1(%arg0: i32) -> (i32, i32) {
    %c0_i32 = arith.constant 0 : i32
    %c0_i32_0 = arith.constant 0 : i32
    return %arg0, %c0_i32 : i32, i32
  }
  func.func @transform_2(%arg0: i32) -> (i32, i32) {
    %c0_i32 = arith.constant 0 : i32
    %c0_i32_0 = arith.constant 0 : i32
    %c0_i32_1 = arith.constant 0 : i32
    return %c0_i32, %c0_i32_0 : i32, i32
  }
  func.func @transform_3(%arg0: i32) -> i32 {
    %c0_i32 = arith.constant 0 : i32
    %c0_i32_0 = arith.constant 0 : i32
    return %c0_i32 : i32
  }
  func.func @transform_4(%arg0: i32) -> (i32, i32) {
    %c0_i32 = arith.constant 0 : i32
    %c0_i32_0 = arith.constant 0 : i32
    %c0_i32_1 = arith.constant 0 : i32
    return %c0_i32, %c0_i32_0 : i32, i32
  }
  func.func @transform_5(%arg0: i32) -> i32 {
    %c0_i32 = arith.constant 0 : i32
    %c0_i32_0 = arith.constant 0 : i32
    return %c0_i32 : i32
  }
  func.func @transform_6(%arg0: i32) -> (i32, i32) {
    %c0_i32 = arith.constant 0 : i32
    %c0_i32_0 = arith.constant 0 : i32
    return %arg0, %c0_i32 : i32, i32
  }
}

</mosaic_0001>

<sc_bundles>
// kernel: kernel.12.cloned.1.call-start
scs
__scs_entry_jumppad:
0x0: {  	(pc) =	sbr.rel $0x88, $3  }
0x1: {  	(tag) =	ssettag $0x0;
	lr =	simm.s32 $0x1  }
0x2: {  	[smem:$0x3F95] =	sst lr;
	_ =	strace $0xD0000000  }
0x3: {  	_ = 	snop  }
0x4: {  	_ = 	snop  }
0x5: {  	_ = 	snop  }
0x6: {  	_ = 	snop  }
0x7: {  	_ = 	snop  }
__scs_overlays_trampoline_lowered:
0x8: {  	[smem:$0x3FA4] =	sst s0  }
0x9: {  	[smem:$0x3FA5] =	sst s1  }
0xa: {  	[smem:$0x3FA6] =	sst s2  }
0xb: {  	[smem:$0x3FA7] =	sst s3  }
0xc: {  	[smem:$0x3FA8] =	sst s4  }
0xd: {  	[smem:$0x3FA9] =	sst s5  }
0xe: {  	[smem:$0x3FAA] =	sst s6  }
0xf: {  	[smem:$0x3FAB] =	sst s7  }
0x10: {  	[smem:$0x3FAC] =	sst s8  }
0x11: {  	[smem:$0x3FAD] =	sst s9;
	s0 =	simm.s32 @!p0 $0x0  }
0x12: {  	s1 =	sld [smem:$0x3F93];
	s0 =	simm.s32 @p0 $0x1  }
0x13: {  	[smem:$0x3FAE] =	sst s0;
	s0 =	simm.s32 @!p1 $0x0  }
0x14: {  	s2 =	sld [smem:$0x3F92];
	s0 =	simm.s32 @p1 $0x1  }
0x15: {  	[smem:$0x3FAF] =	sst s0;
	s0 =	simm.s32 @!p2 $0x0  }
0x16: {  	s3 =	sld [smem:$0x3FDB];
	s0 =	simm.s32 @p2 $0x1  }
0x17: {  	s4 =	simm.s32 $0x1BF5;
	[smem:$0x3FB1] =	sst s0  }
0x18: {  	s0 =	sld [smem:$0x3F94];
	_ =	swait.ge [sflag:s4], $0x0  }
0x19: {  	s7 =	sld [smem:$0x3F95]  }
0x1a: {  	s8 =	sadd.s32 $0xFFFFE003, lr  }
0x1b: {  	s9 =	sadd.s32 $0xFFFFFEF7, lr;
	s5 =	simm.s32 $0xFFFFFFFF;
	p2 =	slt.u32 s8, $0xFFFFF086  }
0x1c: {  	p1 =	slt.u32 s9, $0xF7A;
	s5 =	simm.s32 @!p2 $0x0  }
0x1d: {  	s5 =	simm.s32 @p1 $0x1;
	p0 =	seq.s32 s7, s2  }
0x1e: {  	s7 =	smul.u32 @!p0 $0xF7A, s2;
	p2 =	seq.s32 @!p0 s5, $0x0  }
0x1f: {  	s9 =	smul.u32 $0xF7A, s1;
	s8 =	simm.s32 @!p0 $0x1BF5;
	p2 =	por !p2, p0  }
0x20: {  	[sflag:s8] =	ssyncset.s32 @!p0 $0xFFFFF086;
	s6 =	sadd.s32 @!p0 s3, s7;
	s7 =	simm.s32 @!p0 $0x108  }
0x21: {  	s3 =	sadd.s32 s3, s9;
	s6 =	sadd.s32 @!p0 $0x88, s6;
	s7 =	simm.s32 @p2 $0x1082  }
0x22: {  	[simem:s7], [sflag:s8] =	dma.local @!p0 [hbm:s6], $0xF7A  }
0x23: {  	s9 =	sor.u32 $0xD0000000, s2;
	s6 =	simm.s32 $0x108;
	_ =	swait.ge @!p0 [sflag:s8], $0x0  }
0x24: {  	s3 =	sadd.s32 $0x88, s3;
	s6 =	simm.s32 @!p1 $0x1082;
	[sflag:s4] =	ssyncset.s32 $0xFFFFF086  }
0x25: {  	[simem:s6], [sflag:s4] =	dma.local [hbm:s3], $0xF7A  }
0x26: {  	[smem:$0x3F95] =	sst s1;
	(tag) =	ssettag s2;
	_ =	strace s9  }
0x27: {  	s1 =	sld [smem:$0x3FA5]  }
0x28: {  	s2 =	sld [smem:$0x3FA6]  }
0x29: {  	s4 =	sld [smem:$0x3FA8]  }
0x2a: {  	p0 =	seq.s32 s5, $0x0;
	s5 =	sld [smem:$0x3FA9]  }
0x2b: {  	s6 =	sld [smem:$0x3FAA]  }
0x2c: {  	s7 =	sld [smem:$0x3FAB]  }
0x2d: {  	s3 =	simm.s32 $0x108;
	s8 =	sld [smem:$0x3FAC]  }
0x2e: {  	s3 =	simm.s32 @!p0 $0x1082;
	s9 =	sld [smem:$0x3FAD]  }
0x2f: {  	lr =	sadd.s32 s0, s3;
	s0 =	sld [smem:$0x3FA4]  }
0x30: {  	s3 =	sld [smem:$0x3FA7]  }
0x31: {  	[smem:$0x3FB0] =	sst s10  }
0x32: {  	s10 =	sld [smem:$0x3FAE];
	_ =	sdelay $0x3  }
0x33: {  	p0 =	seq.s32 s10, $0x1;
	s10 =	sld [smem:$0x3FB0];
	_ =	sdelay $0x3  }
0x34: {  	[smem:$0x3FB0] =	sst s10  }
0x35: {  	s10 =	sld [smem:$0x3FAF];
	_ =	sdelay $0x3  }
0x36: {  	p1 =	seq.s32 s10, $0x1;
	s10 =	sld [smem:$0x3FB0];
	_ =	sdelay $0x3  }
0x37: {  	[smem:$0x3FB0] =	sst s10  }
0x38: {  	s10 =	sld [smem:$0x3FB1]  }
0x39: {  	_ = 	snop;
	(pc) =	sbr.ind lr, $3  }
0x3a: {  	_ = 	snop  }
0x3b: {  	_ = 	snop  }
0x3c: {  	p2 =	seq.s32 s10, $0x1;
	s10 =	sld [smem:$0x3FB0]  }
0x3d: {  	_ =	shalt  }
0x3e: {  	_ =	shalt  }
0x3f: {  	_ =	shalt  }
0x40: {  	_ =	shalt  }
0x41: {  	_ =	shalt  }
0x42: {  	_ =	shalt  }
0x43: {  	_ =	shalt  }
0x44: {  	_ =	shalt  }
0x45: {  	_ =	shalt  }
0x46: {  	_ =	shalt  }
0x47: {  	_ =	shalt  }
0x48: {  	_ =	shalt  }
0x49: {  	_ =	shalt  }
0x4a: {  	_ =	shalt  }
0x4b: {  	_ =	shalt  }
0x4c: {  	_ =	shalt  }
0x4d: {  	_ =	shalt  }
0x4e: {  	_ =	shalt  }
0x4f: {  	_ =	shalt  }
0x50: {  	_ =	shalt  }
0x51: {  	_ =	shalt  }
0x52: {  	_ =	shalt  }
0x53: {  	_ =	shalt  }
0x54: {  	_ =	shalt  }
0x55: {  	_ =	shalt  }
0x56: {  	_ =	shalt  }
0x57: {  	_ =	shalt  }
0x58: {  	_ =	shalt  }
0x59: {  	_ =	shalt  }
0x5a: {  	_ =	shalt  }
0x5b: {  	_ =	shalt  }
0x5c: {  	_ =	shalt  }
0x5d: {  	_ =	shalt  }
0x5e: {  	_ =	shalt  }
0x5f: {  	_ =	shalt  }
0x60: {  	_ =	shalt  }
0x61: {  	_ =	shalt  }
0x62: {  	_ =	shalt  }
0x63: {  	_ =	shalt  }
0x64: {  	_ =	shalt  }
0x65: {  	_ =	shalt  }
0x66: {  	_ =	shalt  }
0x67: {  	_ =	shalt  }
0x68: {  	_ =	shalt  }
0x69: {  	_ =	shalt  }
0x6a: {  	_ =	shalt  }
0x6b: {  	_ =	shalt  }
0x6c: {  	_ =	shalt  }
0x6d: {  	_ =	shalt  }
0x6e: {  	_ =	shalt  }
0x6f: {  	_ =	shalt  }
0x70: {  	_ =	shalt  }
0x71: {  	_ =	shalt  }
0x72: {  	_ =	shalt  }
0x73: {  	_ =	shalt  }
0x74: {  	_ =	shalt  }
0x75: {  	_ =	shalt  }
0x76: {  	_ =	shalt  }
0x77: {  	_ =	shalt  }
0x78: {  	_ =	shalt  }
0x79: {  	_ =	shalt  }
0x7a: {  	_ =	shalt  }
0x7b: {  	_ =	shalt  }
0x7c: {  	_ =	shalt  }
0x7d: {  	_ =	shalt  }
0x7e: {  	_ =	shalt  }
0x7f: {  	_ =	shalt  }
0x80: {  	_ =	shalt  }
0x81: {  	_ =	shalt  }
0x82: {  	_ =	shalt  }
0x83: {  	_ =	shalt  }
0x84: {  	_ =	shalt  }
0x85: {  	_ =	shalt  }
0x86: {  	_ =	shalt  }
0x87: {  	_ =	shalt  }
.Lfunc_end0:
.L_simem_size_0:
called_computation_lowered:
.L_overlay_start_0:
0x88: {  	s2 =	sld [smem:$0x3FD9]  }
0x89: {  	s3 =	sld [smem:$0x3FFE];
	_ =	sdelay $0x1  }
0x8a: {  	s1 =	srdreg.scid  }
0x8b: {  	s0 =	sand.u32 $0x1, s1  }
0x8c: {  	s17 =	sshll.u32 s0, $0xA;
	s2 =	sadd.s32 s3, s2  }
0x8d: {  	s2 =	sadd.s32 s2, s17  }
0x8e: {  	[smem:$0x3FBC] =	sst s2  }
0x8f: {  	_ = 	snop  }
0x90: {  	(tm) =	ssettm $0x1  }
0x91: {  	s18 =	sld [smem:$0x3FFB];
	_ =	sdelay $0x3  }
0x92: {  	_ =	strace s18  }
0x93: {  	s2 =	sld [smem:$0x3FFC];
	_ =	sdelay $0x3  }
0x94: {  	_ =	strace s2  }
0x95: {  	s2 =	sld [smem:$0x3FFD];
	_ =	sdelay $0x3  }
0x96: {  	_ =	strace s2  }
0x97: {  	_ =	strace $0x8FFFFFFF  }
0x98: {  	s19 =	sld [smem:$0x3FDB];
	_ =	sdelay $0x1  }
0x99: {  	s20 =	simm.s32 $_scs_section_size  }
0x9a: {  	s4 =	simm.s32 $_size__tile_overlayer_lowered;
	s5 =	simm.s32 $_tile_overlayer_lowered  }
0x9b: {  	s6 =	simm.s32 $0x1BFF;
	s21 =	sshll.u32 s5, $0x1;
	s3 =	sadd.s32 s20, s19  }
0x9c: {  	s22 =	simm.s32 $0x0;
	s4 =	sshll.u32 s4, $0x1;
	s5 =	sadd.s32 s21, s3  }
0x9d: {  	[timem:s22], [sflag:s6] =	dma.local [hbm:s5], s4  }
0x9e: {  	_ =	swait.ge [sflag:s6], s4  }
0x9f: {  	s4 =	ssub.s32 $0x0, s4;
	[sflag:s6] =	ssyncset.done $0x0  }
0xa0: {  	[sflag:s6] =	ssyncadd.s32 s4;
	_ =	sdelay $0x1  }
0xa1: {  	s23 =	simm.s32 $0x1B8B  }
0xa2: {  	_ =	swait.ge [sflag:s23], $0x1  }
0xa3: {  	[sflag:s23] =	ssyncset.done $0x0  }
0xa4: {  	[sflag:s23] =	ssyncadd.s32 $0xFFFFFFFF  }
0xa5: {  	s4 =	sld [smem:$0x0]  }
0xa6: {  	s5 =	sand.u32 $0xFFFFFFFE, s1  }
0xa7: {  	p0 =	sne.s32 s1, s5  }
0xa8: {  	s5 =	sshll.u32 @p0 s5, $0xE  }
0xa9: {  	s5 =	sadd.s32 @p0 $0x11B8D, s5;
	s6 =	sshll.u32 @p0 s4, $0x11  }
0xaa: {  	s5 =	sor.u32 @p0 s6, s5  }
0xab: {  	[sflag:s5] =	ssyncadd.remote.s32 @p0 $0x1;
	_ =	sdelay $0x1  }
0xac: {  	s5 =	simm.s32 @p0 $0x1B8D  }
0xad: {  	_ =	swait.eq @p0 [sflag:s5], $0x1  }
0xae: {  	[sflag:s5] =	ssyncadd.s32 @p0 $0xFFFFFFFF  }
0xaf: {  	s6 =	sshll.u32 @!p0 s1, $0xE  }
0xb0: {  	s6 =	sor.u32 @!p0 $0x4000, s6;
	s5 =	simm.s32 @!p0 $0x1B8D  }
0xb1: {  	s4 =	sshll.u32 @!p0 s4, $0x11;
	s6 =	sadd.s32 @!p0 $0x11B8D, s6;
	_ =	swait.eq @!p0 [sflag:s5], $0x1  }
0xb2: {  	s4 =	sor.u32 @!p0 s4, s6;
	[sflag:s5] =	ssyncadd.s32 @!p0 $0xFFFFFFFF  }
0xb3: {  	s25 =	simm.s32 $0x1B8E;
	s24 =	sld [smem:$0x3FFE];
	[sflag:s4] =	ssyncadd.remote.s32 @!p0 $0x1  }
0xb4: {  	s26 =	simm.s32 $execute0_lowered;
	[smem:$0x3FD2] =	sst s25  }
0xb5: {  	s5 =	sshll.u32 s26, $0x1;
	_ =	strace $0x8000004F;
	[dreg:$0x1] =	wrdreg $0xFFFFFFFF  }
0xb6: {  	s28 =	simm.s32 $_size_execute0_lowered;
	s3 =	sadd.s32 s3, s5;
	[dreg:$0x0] =	wrdreg $0x0  }
0xb7: {  	s5 =	sshll.u32 s28, $0x1;
	[dreg:$0x2] =	wrdreg s3  }
0xb8: {  	[dreg:$0x3] =	wrdreg s5  }
0xb9: {  	[dreg:$0x4] =	wrdreg $0xC0  }
0xba: {  	_ =	task [dreg:s22], $0x5FFFF  }
0xbb: {  	[dreg:$0x1] =	wrdreg $0xFFFFFFFF  }
0xbc: {  	[dreg:$0x0] =	wrdreg $0x60  }
0xbd: {  	[dreg:$0x2] =	wrdreg s24  }
0xbe: {  	[dreg:$0x3] =	wrdreg $0x9  }
0xbf: {  	_ =	task.clear_ibuf [dreg:s22], $0x4FFFF;
	_ =	strace $0x9000004F  }
0xc0: {  	s29 =	simm.s32 $0x9;
	_ =	strace $0x80000051  }
0xc1: {  	_ =	swait.ge [sflag:s29], $0x1  }
0xc2: {  	[sflag:s29] =	ssyncadd.s32 $0xFFFFFFFF  }
0xc3: {  	_ =	strace $0x90000051  }
0xc4: {  	_ =	sfence  }
0xc5: {  	s30 =	sld [smem:$0x0];
	_ =	sdelay $0x2  }
0xc6: {  	s31 =	sshll.u32 s1, $0xD;
	s1 =	sshrl.u32 s1, $0x2  }
0xc7: {  	s4 =	sand.u32 $0x4000, s31;
	s1 =	sadd.s32 s1, s30  }
0xc8: {  	s0 =	sor.u32 s4, s0;
	s1 =	sshll.u32 s1, $0x11  }
0xc9: {  	s0 =	sor.u32 s1, s0  }
0xca: {  	s0 =	sadd.s32 $0x8F2B, s0  }
0xcb: {  	[sflag:s0] =	ssyncadd.remote.s32 $0x1  }
0xcc: {  	_ =	sfence.sel $0xFFFF  }
0xcd: {  	[dreg:$0x0] =	wrdreg $0xFFFFFFFF;
	(pc) =	sbr.abs _section_cstart, $3  }
0xce: {  	[dreg:$0x1] =	wrdreg $0xFFFFFFFF  }
0xcf: {  	_ =	task.clear_ibuf [dreg:s22], $0x2FFFF;
	_ =	strace $0x9FFFFFFF  }
0xd0: {  	(tm) =	ssettm $0x7FFFFFFF  }
0xd1: {  	_ =	shalt  }
tec
execute0_lowered:
.L_overlay_start_1:
0x0: {  	(tag) =	ssettag $0x1  }
0x1: {  	s4 =	rddreg [dreg:$0x0]  }
0x2: {  	s0 =	rddreg [dreg:$0x1];
	s2 =	simm.s32 $0x0;
	s3 =	srdreg.scid  }
0x3: {  	s1 =	stileid.u32;
	s10 =	simm.s32 $0x1080;
	s11 =	simm.s32 $0x1880  }
0x4: {  	s12 =	simm.s32 $0x2080;
	s13 =	simm.s32 $0x2880;
	s14 =	simm.s32 $0x3080  }
0x5: {  	s15 =	simm.s32 $0x3880;
	s16 =	simm.s32 $0x4080;
	s17 =	simm.s32 $0x4880  }
0x6: {  	s18 =	simm.s32 $0x5080;
	s19 =	simm.s32 $0x5880;
	s20 =	simm.s32 $0x6080  }
0x7: {  	s21 =	simm.s32 $0x6880;
	s22 =	simm.s32 $0x7080;
	s23 =	simm.s32 $0x7880  }
0x8: {  	s24 =	simm.s32 $0x1;
	s25 =	simm.s32 $0x0;
	[smem:$0x7FF] =	sst s2  }
0x9: {  	s5 =	sand.u32 $0x1, s3;
	s6 =	sshll.u32 s1, $0xA;
	s3 =	sadd.s32 $0x4400, s4  }
0xa: {  	s8 =	sshll.u32 s1, $0xF;
	_ =	strace $0x80000050;
	s7 =	sshll.u32 s5, $0x9  }
0xb: {  	s31 =	ssub.s32 $0x2, s5;
	s8 =	sadd.s32 s8, s4;
	s5 =	sshll.u32 s5, $0xE  }
0xc: {  	s6 =	sor.u32 s7, s6;
	s9 =	sshrl.u32 s31, $0x1;
	s5 =	sadd.s32 s5, s8  }
0xd: {  	v2 =	vlaneseq.u32;
	s8 =	simm.s32 $0x80;
	s6 =	sshrl.u32 s6, $0x3;
	s7 =	ssub.s32 s31, s9  }
0xe: {  	vm0 =	vmmov $0xffff;
	v1 =	vshrl.u32 v2, $0x3;
	s5 =	sadd.s32 $0x1C4C00, s5;
	s9 =	simm.s32 $0x880;
	s6 =	sadd.s32 s6, s4  }
0xf: {  	v0 =	vand.u32 $0x7, v2;
	v2 =	vor.u32 $0x8, v2;
	v1 =	vmul.u32 $0x8, v1;
	s4 =	smax.u32 s7, $0x1;
	s7 =	simm.s32 $0x2;
	s6 =	sadd.s32 $0x1C4400, s6  }
.LBB2_1:
0x10: {  	s26 =	smov.u32 s5;
	s28 =	simm.s32 $0x0  }
.LBB2_2:
0x11: {  	s29 =	sadd.s32 s28, s6  }
0x12: {  	[tilespmem:s2], [sflag:$0x2] =	stream.linear.gather [hbm4b:s29+s2], $0x80, $0x38;
	[tilespmem:$0x8080] =	vst v63  }
0x13: {  	_ =	swait.ge [sflag:s7], $0x80  }
0x14: {  	[sflag:s7] =	ssyncset.done $0x0  }
0x15: {  	[sflag:s7] =	ssyncadd.s32 $0xFFFFFF80  }
0x16: {  	v3 =	vld [tilespmem:$0x0];
	_ =	sdelay $0x4  }
0x17: {  	v4 =	vshll.u32 v3, $0x1  }
0x18: {  	v3 =	vand.u32 $0x7, v3;
	v4 =	vand.u32 $0xFFFFFFF0, v4  }
0x19: {  	v3 =	vor.u32 v3, v4  }
0x1a: {  	v4 =	vperm.xlane v3, v0;
	_ =	sdelay $0x1  }
0x1b: {  	v3 =	vperm.xlane v3, v2;
	v4 =	vadd.s32 v1, v4;
	_ =	sdelay $0x1  }
0x1c: {  	v3 =	vadd.s32 v1, v3;
	_ =	sdelay $0x2  }
0x1d: {  	[tilespmem:s8], [sflag:$0x1] =	stream.indirect_vreg.gather [hbm4b:s3+s2], $0x80, v4, vm0, $0xb8;
	[tilespmem:$0x8080] =	vst v63  }
0x1e: {  	_ = 	snop  }
0x1f: {  	[tilespmem:s9], [sflag:$0x1] =	stream.indirect_vreg.gather [hbm4b:s3+s2], $0x80, v3, vm0, $0xb8;
	[tilespmem:$0x8080] =	vst v63  }
0x20: {  	v3 =	vld [tilespmem:$0x10];
	_ =	sdelay $0x4  }
0x21: {  	v57 =	vshll.u32 v3, $0x1  }
0x22: {  	v3 =	vand.u32 $0x7, v3;
	v4 =	vand.u32 $0xFFFFFFF0, v57  }
0x23: {  	v3 =	vor.u32 v3, v4  }
0x24: {  	v4 =	vperm.xlane v3, v0;
	_ =	sdelay $0x1  }
0x25: {  	v3 =	vperm.xlane v3, v2;
	v4 =	vadd.s32 v1, v4;
	_ =	sdelay $0x1  }
0x26: {  	v3 =	vadd.s32 v1, v3;
	_ =	sdelay $0x2  }
0x27: {  	[tilespmem:s10], [sflag:$0x1] =	stream.indirect_vreg.gather [hbm4b:s3+s2], $0x80, v4, vm0, $0xb8;
	[tilespmem:$0x8080] =	vst v63  }
0x28: {  	_ = 	snop  }
0x29: {  	[tilespmem:s11], [sflag:$0x1] =	stream.indirect_vreg.gather [hbm4b:s3+s2], $0x80, v3, vm0, $0xb8;
	[tilespmem:$0x8080] =	vst v63  }
0x2a: {  	v3 =	vld [tilespmem:$0x20];
	_ =	sdelay $0x4  }
0x2b: {  	v58 =	vshll.u32 v3, $0x1  }
0x2c: {  	v3 =	vand.u32 $0x7, v3;
	v4 =	vand.u32 $0xFFFFFFF0, v58  }
0x2d: {  	v3 =	vor.u32 v3, v4  }
0x2e: {  	v4 =	vperm.xlane v3, v0;
	_ =	sdelay $0x1  }
0x2f: {  	v3 =	vperm.xlane v3, v2;
	v4 =	vadd.s32 v1, v4;
	_ =	sdelay $0x1  }
0x30: {  	v3 =	vadd.s32 v1, v3;
	_ =	sdelay $0x2  }
0x31: {  	[tilespmem:s12], [sflag:$0x1] =	stream.indirect_vreg.gather [hbm4b:s3+s2], $0x80, v4, vm0, $0xb8;
	[tilespmem:$0x8080] =	vst v63  }
0x32: {  	_ = 	snop  }
0x33: {  	[tilespmem:s13], [sflag:$0x1] =	stream.indirect_vreg.gather [hbm4b:s3+s2], $0x80, v3, vm0, $0xb8;
	[tilespmem:$0x8080] =	vst v63  }
0x34: {  	v3 =	vld [tilespmem:$0x30];
	_ =	sdelay $0x4  }
0x35: {  	v59 =	vshll.u32 v3, $0x1  }
0x36: {  	v3 =	vand.u32 $0x7, v3;
	v4 =	vand.u32 $0xFFFFFFF0, v59  }
0x37: {  	v3 =	vor.u32 v3, v4  }
0x38: {  	v4 =	vperm.xlane v3, v0;
	_ =	sdelay $0x1  }
0x39: {  	v3 =	vperm.xlane v3, v2;
	v4 =	vadd.s32 v1, v4;
	_ =	sdelay $0x1  }
0x3a: {  	v3 =	vadd.s32 v1, v3;
	_ =	sdelay $0x2  }
0x3b: {  	[tilespmem:s14], [sflag:$0x1] =	stream.indirect_vreg.gather [hbm4b:s3+s2], $0x80, v4, vm0, $0xb8;
	[tilespmem:$0x8080] =	vst v63  }
0x3c: {  	_ = 	snop  }
0x3d: {  	[tilespmem:s15], [sflag:$0x1] =	stream.indirect_vreg.gather [hbm4b:s3+s2], $0x80, v3, vm0, $0xb8;
	[tilespmem:$0x8080] =	vst v63  }
0x3e: {  	v3 =	vld [tilespmem:$0x40];
	_ =	sdelay $0x4  }
0x3f: {  	v60 =	vshll.u32 v3, $0x1  }
0x40: {  	v3 =	vand.u32 $0x7, v3;
	v4 =	vand.u32 $0xFFFFFFF0, v60  }
0x41: {  	v3 =	vor.u32 v3, v4  }
0x42: {  	v4 =	vperm.xlane v3, v0;
	_ =	sdelay $0x1  }
0x43: {  	v3 =	vperm.xlane v3, v2;
	v4 =	vadd.s32 v1, v4;
	_ =	sdelay $0x1  }
0x44: {  	v3 =	vadd.s32 v1, v3;
	_ =	sdelay $0x2  }
0x45: {  	[tilespmem:s16], [sflag:$0x1] =	stream.indirect_vreg.gather [hbm4b:s3+s2], $0x80, v4, vm0, $0xb8;
	[tilespmem:$0x8080] =	vst v63  }
0x46: {  	_ = 	snop  }
0x47: {  	[tilespmem:s17], [sflag:$0x1] =	stream.indirect_vreg.gather [hbm4b:s3+s2], $0x80, v3, vm0, $0xb8;
	[tilespmem:$0x8080] =	vst v63  }
0x48: {  	v3 =	vld [tilespmem:$0x50];
	_ =	sdelay $0x4  }
0x49: {  	v61 =	vshll.u32 v3, $0x1  }
0x4a: {  	v3 =	vand.u32 $0x7, v3;
	v4 =	vand.u32 $0xFFFFFFF0, v61  }
0x4b: {  	v3 =	vor.u32 v3, v4  }
0x4c: {  	v4 =	vperm.xlane v3, v0;
	_ =	sdelay $0x1  }
0x4d: {  	v3 =	vperm.xlane v3, v2;
	v4 =	vadd.s32 v1, v4;
	_ =	sdelay $0x1  }
0x4e: {  	v3 =	vadd.s32 v1, v3;
	_ =	sdelay $0x2  }
0x4f: {  	[tilespmem:s18], [sflag:$0x1] =	stream.indirect_vreg.gather [hbm4b:s3+s2], $0x80, v4, vm0, $0xb8;
	[tilespmem:$0x8080] =	vst v63  }
0x50: {  	_ = 	snop  }
0x51: {  	[tilespmem:s19], [sflag:$0x1] =	stream.indirect_vreg.gather [hbm4b:s3+s2], $0x80, v3, vm0, $0xb8;
	[tilespmem:$0x8080] =	vst v63  }
0x52: {  	v3 =	vld [tilespmem:$0x60];
	_ =	sdelay $0x4  }
0x53: {  	v62 =	vshll.u32 v3, $0x1  }
0x54: {  	v3 =	vand.u32 $0x7, v3;
	v4 =	vand.u32 $0xFFFFFFF0, v62  }
0x55: {  	v3 =	vor.u32 v3, v4  }
0x56: {  	v4 =	vperm.xlane v3, v0;
	_ =	sdelay $0x1  }
0x57: {  	v3 =	vperm.xlane v3, v2;
	v4 =	vadd.s32 v1, v4;
	_ =	sdelay $0x1  }
0x58: {  	v3 =	vadd.s32 v1, v3;
	_ =	sdelay $0x2  }
0x59: {  	[tilespmem:s20], [sflag:$0x1] =	stream.indirect_vreg.gather [hbm4b:s3+s2], $0x80, v4, vm0, $0xb8;
	[tilespmem:$0x8080] =	vst v63  }
0x5a: {  	_ = 	snop  }
0x5b: {  	[tilespmem:s21], [sflag:$0x1] =	stream.indirect_vreg.gather [hbm4b:s3+s2], $0x80, v3, vm0, $0xb8;
	[tilespmem:$0x8080] =	vst v63  }
0x5c: {  	v3 =	vld [tilespmem:$0x70];
	_ =	sdelay $0x4  }
0x5d: {  	v63 =	vshll.u32 v3, $0x1  }
0x5e: {  	v3 =	vand.u32 $0x7, v3;
	v4 =	vand.u32 $0xFFFFFFF0, v63  }
0x5f: {  	v3 =	vor.u32 v3, v4  }
0x60: {  	v4 =	vperm.xlane v3, v0;
	_ =	sdelay $0x1  }
0x61: {  	v3 =	vperm.xlane v3, v2;
	v4 =	vadd.s32 v1, v4;
	_ =	sdelay $0x1  }
0x62: {  	v3 =	vadd.s32 v1, v3;
	_ =	sdelay $0x2  }
0x63: {  	[tilespmem:s22], [sflag:$0x1] =	stream.indirect_vreg.gather [hbm4b:s3+s2], $0x80, v4, vm0, $0xb8;
	[tilespmem:$0x8080] =	vst v63  }
0x64: {  	_ = 	snop  }
0x65: {  	[tilespmem:s23], [sflag:$0x1] =	stream.indirect_vreg.gather [hbm4b:s3+s2], $0x80, v3, vm0, $0xb8;
	[tilespmem:$0x8080] =	vst v63  }
0x66: {  	_ =	swait.ge [sflag:s24], $0x8000  }
0x67: {  	p0 =	sne.s32 s28, $0x30;
	[sflag:s24] =	ssyncset.done $0x0  }
.Ltmp0:
0x68: {  	[sflag:s24] =	ssyncadd.s32 $0xFFFF8000;
	(pc) =	sbr.rel @p0 .LBB2_2-.Ltmp0, $4  }
0x69: {  	[hbm4b:s26+s2] =	stream.linear.scatter [tilespmem:s8], [sflag:$0x2], $0x8000, $0x38;
	[tilespmem:$0x8080] =	vst v63  }
0x6a: {  	_ =	swait.ge [sflag:s7], $0x8000  }
0x6b: {  	[sflag:s7] =	ssyncset.done $0x0  }
0x6c: {  	s28 =	sadd.s32 $0x10, s28;
	s26 =	sadd.s32 $0x1000, s26;
	[sflag:s7] =	ssyncadd.s32 $0xFFFF8000  }
0x6d: {  	s25 =	sadd.s32 $0x1, s25  }
0x6e: {  	p0 =	sne.s32 s25, s4  }
.Ltmp1:
0x6f: {  	_ = 	snop;
	(pc) =	sbr.rel @p0 .LBB2_1-.Ltmp1, $1  }
0x70: {  	_ =	sdelay $0x3  }
0x71: {  	_ =	sfence.sel $0x180000  }
0x72: {  	[bflag:$0x0] =	sbarrier.arrive $0xFFFF  }
0x73: {  	p0 =	sne.s32 s1, $0x0;
	_ =	strace $0x90000050  }
0x74: {  	s0 =	sadd.s32 @!p0 $0x100000, s0;
	[bflag:$0x2] =	sbarrier.arrive $0xFFFF  }
0x75: {  	[sflag:s0] =	ssyncadd.tile.s32 @!p0 $0x1;
	_ =	shalt  }
.Lfunc_end2:
_tile_overlayer_lowered:
.L_overlay_start_2:
0x76: {  	(tag) =	ssettag $0x2  }
0x77: {  	s0 =	rddreg [dreg:$0x0];
	s2 =	stileid.u32  }
0x78: {  	s1 =	rddreg [dreg:$0x1];
	p0 =	sne.s32 s2, $0x0  }
0x79: {  	s3 =	rddreg [dreg:$0x2];
	[bflag:$0x3] =	sbarrier.arrive $0xFFFF;
	s2 =	simm.s32 @!p0 $0x1C02  }
0x7a: {  	[timem:s3], [sflag:s2] =	dma.local @!p0 [hbm:s0], s1  }
0x7b: {  	s0 =	simm.s32 @!p0 $0x2  }
0x7c: {  	_ =	swait.ge @!p0 [sflag:s0], s1  }
0x7d: {  	s1 =	ssub.s32 @!p0 $0x0, s1;
	[sflag:s0] =	ssyncset.done @!p0 $0x0  }
0x7e: {  	[sflag:s0] =	ssyncadd.s32 @!p0 s1  }
0x7f: {  	[bflag:$0x3] =	sbarrier.arrive $0xFFFF  }
0x80: {  	_ =	shalt  }

// kernel: kernel.15.cloned.1.call-start
scs
__scs_entry_jumppad:
0x0: {  	(pc) =	sbr.rel $0x88, $3  }
0x1: {  	(tag) =	ssettag $0x0;
	lr =	simm.s32 $0x1  }
0x2: {  	[smem:$0x3F95] =	sst lr;
	_ =	strace $0xD0000000  }
0x3: {  	_ = 	snop  }
0x4: {  	_ = 	snop  }
0x5: {  	_ = 	snop  }
0x6: {  	_ = 	snop  }
0x7: {  	_ = 	snop  }
__scs_overlays_trampoline_lowered:
0x8: {  	[smem:$0x3FA4] =	sst s0  }
0x9: {  	[smem:$0x3FA5] =	sst s1  }
0xa: {  	[smem:$0x3FA6] =	sst s2  }
0xb: {  	[smem:$0x3FA7] =	sst s3  }
0xc: {  	[smem:$0x3FA8] =	sst s4  }
0xd: {  	[smem:$0x3FA9] =	sst s5  }
0xe: {  	[smem:$0x3FAA] =	sst s6  }
0xf: {  	[smem:$0x3FAB] =	sst s7  }
0x10: {  	[smem:$0x3FAC] =	sst s8  }
0x11: {  	[smem:$0x3FAD] =	sst s9;
	s0 =	simm.s32 @!p0 $0x0  }
0x12: {  	s1 =	sld [smem:$0x3F93];
	s0 =	simm.s32 @p0 $0x1  }
0x13: {  	[smem:$0x3FAE] =	sst s0;
	s0 =	simm.s32 @!p1 $0x0  }
0x14: {  	s2 =	sld [smem:$0x3F92];
	s0 =	simm.s32 @p1 $0x1  }
0x15: {  	[smem:$0x3FAF] =	sst s0;
	s0 =	simm.s32 @!p2 $0x0  }
0x16: {  	s3 =	sld [smem:$0x3FDB];
	s0 =	simm.s32 @p2 $0x1  }
0x17: {  	s4 =	simm.s32 $0x1BF5;
	[smem:$0x3FB1] =	sst s0  }
0x18: {  	s0 =	sld [smem:$0x3F94];
	_ =	swait.ge [sflag:s4], $0x0  }
0x19: {  	s7 =	sld [smem:$0x3F95]  }
0x1a: {  	s8 =	sadd.s32 $0xFFFFE003, lr  }
0x1b: {  	s9 =	sadd.s32 $0xFFFFFEF7, lr;
	s5 =	simm.s32 $0xFFFFFFFF;
	p2 =	slt.u32 s8, $0xFFFFF086  }
0x1c: {  	p1 =	slt.u32 s9, $0xF7A;
	s5 =	simm.s32 @!p2 $0x0  }
0x1d: {  	s5 =	simm.s32 @p1 $0x1;
	p0 =	seq.s32 s7, s2  }
0x1e: {  	s7 =	smul.u32 @!p0 $0xF7A, s2;
	p2 =	seq.s32 @!p0 s5, $0x0  }
0x1f: {  	s9 =	smul.u32 $0xF7A, s1;
	s8 =	simm.s32 @!p0 $0x1BF5;
	p2 =	por !p2, p0  }
0x20: {  	[sflag:s8] =	ssyncset.s32 @!p0 $0xFFFFF086;
	s6 =	sadd.s32 @!p0 s3, s7;
	s7 =	simm.s32 @!p0 $0x108  }
0x21: {  	s3 =	sadd.s32 s3, s9;
	s6 =	sadd.s32 @!p0 $0x88, s6;
	s7 =	simm.s32 @p2 $0x1082  }
0x22: {  	[simem:s7], [sflag:s8] =	dma.local @!p0 [hbm:s6], $0xF7A  }
0x23: {  	s9 =	sor.u32 $0xD0000000, s2;
	s6 =	simm.s32 $0x108;
	_ =	swait.ge @!p0 [sflag:s8], $0x0  }
0x24: {  	s3 =	sadd.s32 $0x88, s3;
	s6 =	simm.s32 @!p1 $0x1082;
	[sflag:s4] =	ssyncset.s32 $0xFFFFF086  }
0x25: {  	[simem:s6], [sflag:s4] =	dma.local [hbm:s3], $0xF7A  }
0x26: {  	[smem:$0x3F95] =	sst s1;
	(tag) =	ssettag s2;
	_ =	strace s9  }
0x27: {  	s1 =	sld [smem:$0x3FA5]  }
0x28: {  	s2 =	sld [smem:$0x3FA6]  }
0x29: {  	s4 =	sld [smem:$0x3FA8]  }
0x2a: {  	p0 =	seq.s32 s5, $0x0;
	s5 =	sld [smem:$0x3FA9]  }
0x2b: {  	s6 =	sld [smem:$0x3FAA]  }
0x2c: {  	s7 =	sld [smem:$0x3FAB]  }
0x2d: {  	s3 =	simm.s32 $0x108;
	s8 =	sld [smem:$0x3FAC]  }
0x2e: {  	s3 =	simm.s32 @!p0 $0x1082;
	s9 =	sld [smem:$0x3FAD]  }
0x2f: {  	lr =	sadd.s32 s0, s3;
	s0 =	sld [smem:$0x3FA4]  }
0x30: {  	s3 =	sld [smem:$0x3FA7]  }
0x31: {  	[smem:$0x3FB0] =	sst s10  }
0x32: {  	s10 =	sld [smem:$0x3FAE];
	_ =	sdelay $0x3  }
0x33: {  	p0 =	seq.s32 s10, $0x1;
	s10 =	sld [smem:$0x3FB0];
	_ =	sdelay $0x3  }
0x34: {  	[smem:$0x3FB0] =	sst s10  }
0x35: {  	s10 =	sld [smem:$0x3FAF];
	_ =	sdelay $0x3  }
0x36: {  	p1 =	seq.s32 s10, $0x1;
	s10 =	sld [smem:$0x3FB0];
	_ =	sdelay $0x3  }
0x37: {  	[smem:$0x3FB0] =	sst s10  }
0x38: {  	s10 =	sld [smem:$0x3FB1]  }
0x39: {  	_ = 	snop;
	(pc) =	sbr.ind lr, $3  }
0x3a: {  	_ = 	snop  }
0x3b: {  	_ = 	snop  }
0x3c: {  	p2 =	seq.s32 s10, $0x1;
	s10 =	sld [smem:$0x3FB0]  }
0x3d: {  	_ =	shalt  }
0x3e: {  	_ =	shalt  }
0x3f: {  	_ =	shalt  }
0x40: {  	_ =	shalt  }
0x41: {  	_ =	shalt  }
0x42: {  	_ =	shalt  }
0x43: {  	_ =	shalt  }
0x44: {  	_ =	shalt  }
0x45: {  	_ =	shalt  }
0x46: {  	_ =	shalt  }
0x47: {  	_ =	shalt  }
0x48: {  	_ =	shalt  }
0x49: {  	_ =	shalt  }
0x4a: {  	_ =	shalt  }
0x4b: {  	_ =	shalt  }
0x4c: {  	_ =	shalt  }
0x4d: {  	_ =	shalt  }
0x4e: {  	_ =	shalt  }
0x4f: {  	_ =	shalt  }
0x50: {  	_ =	shalt  }
0x51: {  	_ =	shalt  }
0x52: {  	_ =	shalt  }
0x53: {  	_ =	shalt  }
0x54: {  	_ =	shalt  }
0x55: {  	_ =	shalt  }
0x56: {  	_ =	shalt  }
0x57: {  	_ =	shalt  }
0x58: {  	_ =	shalt  }
0x59: {  	_ =	shalt  }
0x5a: {  	_ =	shalt  }
0x5b: {  	_ =	shalt  }
0x5c: {  	_ =	shalt  }
0x5d: {  	_ =	shalt  }
0x5e: {  	_ =	shalt  }
0x5f: {  	_ =	shalt  }
0x60: {  	_ =	shalt  }
0x61: {  	_ =	shalt  }
0x62: {  	_ =	shalt  }
0x63: {  	_ =	shalt  }
0x64: {  	_ =	shalt  }
0x65: {  	_ =	shalt  }
0x66: {  	_ =	shalt  }
0x67: {  	_ =	shalt  }
0x68: {  	_ =	shalt  }
0x69: {  	_ =	shalt  }
0x6a: {  	_ =	shalt  }
0x6b: {  	_ =	shalt  }
0x6c: {  	_ =	shalt  }
0x6d: {  	_ =	shalt  }
0x6e: {  	_ =	shalt  }
0x6f: {  	_ =	shalt  }
0x70: {  	_ =	shalt  }
0x71: {  	_ =	shalt  }
0x72: {  	_ =	shalt  }
0x73: {  	_ =	shalt  }
0x74: {  	_ =	shalt  }
0x75: {  	_ =	shalt  }
0x76: {  	_ =	shalt  }
0x77: {  	_ =	shalt  }
0x78: {  	_ =	shalt  }
0x79: {  	_ =	shalt  }
0x7a: {  	_ =	shalt  }
0x7b: {  	_ =	shalt  }
0x7c: {  	_ =	shalt  }
0x7d: {  	_ =	shalt  }
0x7e: {  	_ =	shalt  }
0x7f: {  	_ =	shalt  }
0x80: {  	_ =	shalt  }
0x81: {  	_ =	shalt  }
0x82: {  	_ =	shalt  }
0x83: {  	_ =	shalt  }
0x84: {  	_ =	shalt  }
0x85: {  	_ =	shalt  }
0x86: {  	_ =	shalt  }
0x87: {  	_ =	shalt  }
.Lfunc_end0:
.L_simem_size_0:
called_computation.1_lowered:
.L_overlay_start_0:
0x88: {  	s2 =	sld [smem:$0x3FD9]  }
0x89: {  	s3 =	sld [smem:$0x3FFE];
	_ =	sdelay $0x1  }
0x8a: {  	s1 =	srdreg.scid  }
0x8b: {  	s0 =	sand.u32 $0x1, s1  }
0x8c: {  	s17 =	sshll.u32 s0, $0xA;
	s2 =	sadd.s32 s3, s2  }
0x8d: {  	s2 =	sadd.s32 s2, s17  }
0x8e: {  	[smem:$0x3FBC] =	sst s2  }
0x8f: {  	_ = 	snop  }
0x90: {  	s18 =	sld [smem:$0x3FD0];
	(tm) =	ssettm $0x1  }
0x91: {  	s19 =	sld [smem:$0x3FFB];
	_ =	sdelay $0x3  }
0x92: {  	_ =	strace s19  }
0x93: {  	s2 =	sld [smem:$0x3FFC];
	_ =	sdelay $0x3  }
0x94: {  	_ =	strace s2  }
0x95: {  	s2 =	sld [smem:$0x3FFD];
	_ =	sdelay $0x3  }
0x96: {  	_ =	strace s2  }
0x97: {  	_ =	strace $0x8FFFFFFF  }
0x98: {  	s20 =	sld [smem:$0x3FDB];
	_ =	sdelay $0x1  }
0x99: {  	s4 =	simm.s32 $_scs_section_size  }
0x9a: {  	s5 =	simm.s32 $_size__tile_overlayer_lowered;
	s6 =	simm.s32 $_tile_overlayer_lowered  }
0x9b: {  	s7 =	simm.s32 $0x1BFF;
	s21 =	sshll.u32 s6, $0x1;
	s4 =	sadd.s32 s4, s20  }
0x9c: {  	s22 =	simm.s32 $0x0;
	s5 =	sshll.u32 s5, $0x1;
	s6 =	sadd.s32 s21, s4  }
0x9d: {  	[timem:s22], [sflag:s7] =	dma.local [hbm:s6], s5  }
0x9e: {  	_ =	swait.ge [sflag:s7], s5  }
0x9f: {  	s5 =	ssub.s32 $0x0, s5;
	[sflag:s7] =	ssyncset.done $0x0  }
0xa0: {  	[sflag:s7] =	ssyncadd.s32 s5;
	_ =	sdelay $0x1  }
0xa1: {  	s23 =	simm.s32 $0x1B8B  }
0xa2: {  	_ =	swait.ge [sflag:s23], $0x1  }
0xa3: {  	[sflag:s23] =	ssyncset.done $0x0  }
0xa4: {  	[sflag:s23] =	ssyncadd.s32 $0xFFFFFFFF  }
0xa5: {  	s5 =	sld [smem:$0x0]  }
0xa6: {  	s6 =	sand.u32 $0xFFFFFFFE, s1  }
0xa7: {  	p0 =	sne.s32 s1, s6  }
0xa8: {  	s6 =	sshll.u32 @p0 s6, $0xE  }
0xa9: {  	s6 =	sadd.s32 @p0 $0x11B8D, s6;
	s7 =	sshll.u32 @p0 s5, $0x11  }
0xaa: {  	s6 =	sor.u32 @p0 s7, s6  }
0xab: {  	[sflag:s6] =	ssyncadd.remote.s32 @p0 $0x1;
	_ =	sdelay $0x1  }
0xac: {  	s6 =	simm.s32 @p0 $0x1B8D  }
0xad: {  	_ =	swait.eq @p0 [sflag:s6], $0x1  }
0xae: {  	[sflag:s6] =	ssyncadd.s32 @p0 $0xFFFFFFFF  }
0xaf: {  	s7 =	sshll.u32 @!p0 s1, $0xE  }
0xb0: {  	s7 =	sor.u32 @!p0 $0x4000, s7;
	s6 =	simm.s32 @!p0 $0x1B8D  }
0xb1: {  	s5 =	sshll.u32 @!p0 s5, $0x11;
	s7 =	sadd.s32 @!p0 $0x11B8D, s7;
	_ =	swait.eq @!p0 [sflag:s6], $0x1  }
0xb2: {  	s5 =	sor.u32 @!p0 s5, s7;
	[sflag:s6] =	ssyncadd.s32 @!p0 $0xFFFFFFFF  }
0xb3: {  	s25 =	simm.s32 $0x1B8E;
	s24 =	sld [smem:$0x3FFE];
	[sflag:s5] =	ssyncadd.remote.s32 @!p0 $0x1  }
0xb4: {  	s26 =	simm.s32 $execute0_lowered;
	[smem:$0x3FD2] =	sst s25  }
0xb5: {  	s6 =	sshll.u32 s26, $0x1;
	_ =	strace $0x8000004C;
	[dreg:$0x1] =	wrdreg $0xFFFFFFFF  }
0xb6: {  	s28 =	simm.s32 $_size_execute0_lowered;
	s4 =	sadd.s32 s4, s6;
	[dreg:$0x0] =	wrdreg $0x0  }
0xb7: {  	s6 =	sshll.u32 s28, $0x1;
	[dreg:$0x2] =	wrdreg s4  }
0xb8: {  	[dreg:$0x3] =	wrdreg s6  }
0xb9: {  	[dreg:$0x4] =	wrdreg $0xC0  }
0xba: {  	_ =	task [dreg:s22], $0x5FFFF  }
0xbb: {  	[dreg:$0x1] =	wrdreg $0xFFFFFFFF  }
0xbc: {  	[dreg:$0x0] =	wrdreg $0x60  }
0xbd: {  	[dreg:$0x2] =	wrdreg s24  }
0xbe: {  	[dreg:$0x3] =	wrdreg s18  }
0xbf: {  	[dreg:$0x4] =	wrdreg $0xA  }
0xc0: {  	_ =	task.clear_ibuf [dreg:s22], $0x5FFFF;
	_ =	strace $0x9000004C  }
0xc1: {  	s29 =	simm.s32 $0xA;
	_ =	strace $0x8000004E  }
0xc2: {  	_ =	swait.ge [sflag:s29], $0x1  }
0xc3: {  	[sflag:s29] =	ssyncadd.s32 $0xFFFFFFFF  }
0xc4: {  	_ =	strace $0x9000004E  }
0xc5: {  	_ =	sfence  }
0xc6: {  	s30 =	sld [smem:$0x0];
	_ =	sdelay $0x2  }
0xc7: {  	s31 =	sshll.u32 s1, $0xD;
	s1 =	sshrl.u32 s1, $0x2  }
0xc8: {  	s4 =	sand.u32 $0x4000, s31;
	s1 =	sadd.s32 s1, s30  }
0xc9: {  	s0 =	sor.u32 s4, s0;
	s1 =	sshll.u32 s1, $0x11  }
0xca: {  	s0 =	sor.u32 s1, s0  }
0xcb: {  	s0 =	sadd.s32 $0x8F2B, s0  }
0xcc: {  	[sflag:s0] =	ssyncadd.remote.s32 $0x1  }
0xcd: {  	_ =	sfence.sel $0xFFFF  }
0xce: {  	[dreg:$0x0] =	wrdreg $0xFFFFFFFF;
	(pc) =	sbr.abs _section_cstart, $3  }
0xcf: {  	[dreg:$0x1] =	wrdreg $0xFFFFFFFF  }
0xd0: {  	_ =	task.clear_ibuf [dreg:s22], $0x2FFFF;
	_ =	strace $0x9FFFFFFF  }
0xd1: {  	(tm) =	ssettm $0x7FFFFFFF  }
tec
execute0_lowered:
.L_overlay_start_1:
0x0: {  	(tag) =	ssettag $0x1  }
0x1: {  	s4 =	rddreg [dreg:$0x0]  }
0x2: {  	s6 =	rddreg [dreg:$0x1]  }
0x3: {  	s0 =	rddreg [dreg:$0x2];
	s2 =	simm.s32 $0x0  }
0x4: {  	s1 =	stileid.u32;
	s3 =	srdreg.scid;
	s11 =	simm.s32 $0x1880  }
0x5: {  	s12 =	simm.s32 $0x2080;
	s13 =	simm.s32 $0x2880;
	s14 =	simm.s32 $0x3080  }
0x6: {  	s15 =	simm.s32 $0x3880;
	s16 =	simm.s32 $0x4080;
	s17 =	simm.s32 $0x4880  }
0x7: {  	s18 =	simm.s32 $0x5080;
	s19 =	simm.s32 $0x5880;
	s20 =	simm.s32 $0x6080  }
0x8: {  	s21 =	simm.s32 $0x6880;
	s22 =	simm.s32 $0x7080;
	s23 =	simm.s32 $0x7880  }
0x9: {  	s24 =	simm.s32 $0x1;
	s25 =	simm.s32 $0x0;
	[smem:$0x7FF] =	sst s2  }
0xa: {  	s5 =	sshll.u32 s1, $0xF;
	s7 =	sand.u32 $0x1, s3;
	s3 =	sadd.s32 $0x4400, s4  }
0xb: {  	s9 =	sshll.u32 s1, $0xA;
	_ =	strace $0x8000004D;
	s5 =	sadd.s32 s5, s4  }
0xc: {  	s29 =	ssub.s32 $0x2, s7;
	s10 =	sshll.u32 s7, $0x9;
	s7 =	sshll.u32 s7, $0xE  }
0xd: {  	s8 =	sshrl.u32 s29, $0x1;
	s30 =	sor.u32 s10, s9;
	s5 =	sadd.s32 s7, s5  }
0xe: {  	v2 =	vlaneseq.u32;
	s7 =	simm.s32 $0x2;
	s9 =	simm.s32 $0x880;
	s10 =	simm.s32 $0x1080  }
0xf: {  	vm0 =	vmmov $0xffff;
	v1 =	vshrl.u32 v2, $0x3;
	s4 =	ssub.s32 s29, s8;
	s31 =	sshrl.u32 s30, $0x3;
	s5 =	sadd.s32 $0x144400, s5  }
0x10: {  	v0 =	vand.u32 $0x7, v2;
	v2 =	vor.u32 $0x8, v2;
	v1 =	vmul.u32 $0x8, v1;
	s8 =	simm.s32 $0x80;
	s4 =	smax.u32 s4, $0x1;
	s6 =	sadd.s32 s31, s6  }
.LBB2_1:
0x11: {  	s26 =	smov.u32 s5;
	s28 =	simm.s32 $0x0  }
.LBB2_2:
0x12: {  	s29 =	sadd.s32 s28, s6  }
0x13: {  	[tilespmem:s2], [sflag:$0x2] =	stream.linear.gather [hbm4b:s29+s2], $0x80, $0x38;
	[tilespmem:$0x8080] =	vst v63  }
0x14: {  	_ =	swait.ge [sflag:s7], $0x80  }
0x15: {  	[sflag:s7] =	ssyncset.done $0x0  }
0x16: {  	[sflag:s7] =	ssyncadd.s32 $0xFFFFFF80  }
0x17: {  	v3 =	vld [tilespmem:$0x0];
	_ =	sdelay $0x4  }
0x18: {  	v4 =	vshll.u32 v3, $0x1  }
0x19: {  	v3 =	vand.u32 $0x7, v3;
	v4 =	vand.u32 $0xFFFFFFF0, v4  }
0x1a: {  	v3 =	vor.u32 v3, v4  }
0x1b: {  	v4 =	vperm.xlane v3, v0;
	_ =	sdelay $0x1  }
0x1c: {  	v3 =	vperm.xlane v3, v2;
	v4 =	vadd.s32 v1, v4;
	_ =	sdelay $0x1  }
0x1d: {  	v3 =	vadd.s32 v1, v3;
	_ =	sdelay $0x2  }
0x1e: {  	[tilespmem:s8], [sflag:$0x1] =	stream.indirect_vreg.gather [hbm4b:s3+s2], $0x80, v4, vm0, $0xb8;
	[tilespmem:$0x8080] =	vst v63  }
0x1f: {  	_ = 	snop  }
0x20: {  	[tilespmem:s9], [sflag:$0x1] =	stream.indirect_vreg.gather [hbm4b:s3+s2], $0x80, v3, vm0, $0xb8;
	[tilespmem:$0x8080] =	vst v63  }
0x21: {  	v3 =	vld [tilespmem:$0x10];
	_ =	sdelay $0x4  }
0x22: {  	v57 =	vshll.u32 v3, $0x1  }
0x23: {  	v3 =	vand.u32 $0x7, v3;
	v4 =	vand.u32 $0xFFFFFFF0, v57  }
0x24: {  	v3 =	vor.u32 v3, v4  }
0x25: {  	v4 =	vperm.xlane v3, v0;
	_ =	sdelay $0x1  }
0x26: {  	v3 =	vperm.xlane v3, v2;
	v4 =	vadd.s32 v1, v4;
	_ =	sdelay $0x1  }
0x27: {  	v3 =	vadd.s32 v1, v3;
	_ =	sdelay $0x2  }
0x28: {  	[tilespmem:s10], [sflag:$0x1] =	stream.indirect_vreg.gather [hbm4b:s3+s2], $0x80, v4, vm0, $0xb8;
	[tilespmem:$0x8080] =	vst v63  }
0x29: {  	_ = 	snop  }
0x2a: {  	[tilespmem:s11], [sflag:$0x1] =	stream.indirect_vreg.gather [hbm4b:s3+s2], $0x80, v3, vm0, $0xb8;
	[tilespmem:$0x8080] =	vst v63  }
0x2b: {  	v3 =	vld [tilespmem:$0x20];
	_ =	sdelay $0x4  }
0x2c: {  	v58 =	vshll.u32 v3, $0x1  }
0x2d: {  	v3 =	vand.u32 $0x7, v3;
	v4 =	vand.u32 $0xFFFFFFF0, v58  }
0x2e: {  	v3 =	vor.u32 v3, v4  }
0x2f: {  	v4 =	vperm.xlane v3, v0;
	_ =	sdelay $0x1  }
0x30: {  	v3 =	vperm.xlane v3, v2;
	v4 =	vadd.s32 v1, v4;
	_ =	sdelay $0x1  }
0x31: {  	v3 =	vadd.s32 v1, v3;
	_ =	sdelay $0x2  }
0x32: {  	[tilespmem:s12], [sflag:$0x1] =	stream.indirect_vreg.gather [hbm4b:s3+s2], $0x80, v4, vm0, $0xb8;
	[tilespmem:$0x8080] =	vst v63  }
0x33: {  	_ = 	snop  }
0x34: {  	[tilespmem:s13], [sflag:$0x1] =	stream.indirect_vreg.gather [hbm4b:s3+s2], $0x80, v3, vm0, $0xb8;
	[tilespmem:$0x8080] =	vst v63  }
0x35: {  	v3 =	vld [tilespmem:$0x30];
	_ =	sdelay $0x4  }
0x36: {  	v59 =	vshll.u32 v3, $0x1  }
0x37: {  	v3 =	vand.u32 $0x7, v3;
	v4 =	vand.u32 $0xFFFFFFF0, v59  }
0x38: {  	v3 =	vor.u32 v3, v4  }
0x39: {  	v4 =	vperm.xlane v3, v0;
	_ =	sdelay $0x1  }
0x3a: {  	v3 =	vperm.xlane v3, v2;
	v4 =	vadd.s32 v1, v4;
	_ =	sdelay $0x1  }
0x3b: {  	v3 =	vadd.s32 v1, v3;
	_ =	sdelay $0x2  }
0x3c: {  	[tilespmem:s14], [sflag:$0x1] =	stream.indirect_vreg.gather [hbm4b:s3+s2], $0x80, v4, vm0, $0xb8;
	[tilespmem:$0x8080] =	vst v63  }
0x3d: {  	_ = 	snop  }
0x3e: {  	[tilespmem:s15], [sflag:$0x1] =	stream.indirect_vreg.gather [hbm4b:s3+s2], $0x80, v3, vm0, $0xb8;
	[tilespmem:$0x8080] =	vst v63  }
0x3f: {  	v3 =	vld [tilespmem:$0x40];
	_ =	sdelay $0x4  }
0x40: {  	v60 =	vshll.u32 v3, $0x1  }
0x41: {  	v3 =	vand.u32 $0x7, v3;
	v4 =	vand.u32 $0xFFFFFFF0, v60  }
0x42: {  	v3 =	vor.u32 v3, v4  }
0x43: {  	v4 =	vperm.xlane v3, v0;
	_ =	sdelay $0x1  }
0x44: {  	v3 =	vperm.xlane v3, v2;
	v4 =	vadd.s32 v1, v4;
	_ =	sdelay $0x1  }
0x45: {  	v3 =	vadd.s32 v1, v3;
	_ =	sdelay $0x2  }
0x46: {  	[tilespmem:s16], [sflag:$0x1] =	stream.indirect_vreg.gather [hbm4b:s3+s2], $0x80, v4, vm0, $0xb8;
	[tilespmem:$0x8080] =	vst v63  }
0x47: {  	_ = 	snop  }
0x48: {  	[tilespmem:s17], [sflag:$0x1] =	stream.indirect_vreg.gather [hbm4b:s3+s2], $0x80, v3, vm0, $0xb8;
	[tilespmem:$0x8080] =	vst v63  }
0x49: {  	v3 =	vld [tilespmem:$0x50];
	_ =	sdelay $0x4  }
0x4a: {  	v61 =	vshll.u32 v3, $0x1  }
0x4b: {  	v3 =	vand.u32 $0x7, v3;
	v4 =	vand.u32 $0xFFFFFFF0, v61  }
0x4c: {  	v3 =	vor.u32 v3, v4  }
0x4d: {  	v4 =	vperm.xlane v3, v0;
	_ =	sdelay $0x1  }
0x4e: {  	v3 =	vperm.xlane v3, v2;
	v4 =	vadd.s32 v1, v4;
	_ =	sdelay $0x1  }
0x4f: {  	v3 =	vadd.s32 v1, v3;
	_ =	sdelay $0x2  }
0x50: {  	[tilespmem:s18], [sflag:$0x1] =	stream.indirect_vreg.gather [hbm4b:s3+s2], $0x80, v4, vm0, $0xb8;
	[tilespmem:$0x8080] =	vst v63  }
0x51: {  	_ = 	snop  }
0x52: {  	[tilespmem:s19], [sflag:$0x1] =	stream.indirect_vreg.gather [hbm4b:s3+s2], $0x80, v3, vm0, $0xb8;
	[tilespmem:$0x8080] =	vst v63  }
0x53: {  	v3 =	vld [tilespmem:$0x60];
	_ =	sdelay $0x4  }
0x54: {  	v62 =	vshll.u32 v3, $0x1  }
0x55: {  	v3 =	vand.u32 $0x7, v3;
	v4 =	vand.u32 $0xFFFFFFF0, v62  }
0x56: {  	v3 =	vor.u32 v3, v4  }
0x57: {  	v4 =	vperm.xlane v3, v0;
	_ =	sdelay $0x1  }
0x58: {  	v3 =	vperm.xlane v3, v2;
	v4 =	vadd.s32 v1, v4;
	_ =	sdelay $0x1  }
0x59: {  	v3 =	vadd.s32 v1, v3;
	_ =	sdelay $0x2  }
0x5a: {  	[tilespmem:s20], [sflag:$0x1] =	stream.indirect_vreg.gather [hbm4b:s3+s2], $0x80, v4, vm0, $0xb8;
	[tilespmem:$0x8080] =	vst v63  }
0x5b: {  	_ = 	snop  }
0x5c: {  	[tilespmem:s21], [sflag:$0x1] =	stream.indirect_vreg.gather [hbm4b:s3+s2], $0x80, v3, vm0, $0xb8;
	[tilespmem:$0x8080] =	vst v63  }
0x5d: {  	v3 =	vld [tilespmem:$0x70];
	_ =	sdelay $0x4  }
0x5e: {  	v63 =	vshll.u32 v3, $0x1  }
0x5f: {  	v3 =	vand.u32 $0x7, v3;
	v4 =	vand.u32 $0xFFFFFFF0, v63  }
0x60: {  	v3 =	vor.u32 v3, v4  }
0x61: {  	v4 =	vperm.xlane v3, v0;
	_ =	sdelay $0x1  }
0x62: {  	v3 =	vperm.xlane v3, v2;
	v4 =	vadd.s32 v1, v4;
	_ =	sdelay $0x1  }
0x63: {  	v3 =	vadd.s32 v1, v3;
	_ =	sdelay $0x2  }
0x64: {  	[tilespmem:s22], [sflag:$0x1] =	stream.indirect_vreg.gather [hbm4b:s3+s2], $0x80, v4, vm0, $0xb8;
	[tilespmem:$0x8080] =	vst v63  }
0x65: {  	_ = 	snop  }
0x66: {  	[tilespmem:s23], [sflag:$0x1] =	stream.indirect_vreg.gather [hbm4b:s3+s2], $0x80, v3, vm0, $0xb8;
	[tilespmem:$0x8080] =	vst v63  }
0x67: {  	_ =	swait.ge [sflag:s24], $0x8000  }
0x68: {  	p0 =	sne.s32 s28, $0x30;
	[sflag:s24] =	ssyncset.done $0x0  }
.Ltmp0:
0x69: {  	[sflag:s24] =	ssyncadd.s32 $0xFFFF8000;
	(pc) =	sbr.rel @p0 .LBB2_2-.Ltmp0, $4  }
0x6a: {  	[hbm4b:s26+s2] =	stream.linear.scatter [tilespmem:s8], [sflag:$0x2], $0x8000, $0x38;
	[tilespmem:$0x8080] =	vst v63  }
0x6b: {  	_ =	swait.ge [sflag:s7], $0x8000  }
0x6c: {  	[sflag:s7] =	ssyncset.done $0x0  }
0x6d: {  	s28 =	sadd.s32 $0x10, s28;
	s26 =	sadd.s32 $0x1000, s26;
	[sflag:s7] =	ssyncadd.s32 $0xFFFF8000  }
0x6e: {  	s25 =	sadd.s32 $0x1, s25  }
0x6f: {  	p0 =	sne.s32 s25, s4  }
.Ltmp1:
0x70: {  	_ = 	snop;
	(pc) =	sbr.rel @p0 .LBB2_1-.Ltmp1, $1  }
0x71: {  	_ =	sdelay $0x3  }
0x72: {  	_ =	sfence.sel $0x180000  }
0x73: {  	[bflag:$0x0] =	sbarrier.arrive $0xFFFF  }
0x74: {  	p0 =	sne.s32 s1, $0x0;
	_ =	strace $0x9000004D  }
0x75: {  	s0 =	sadd.s32 @!p0 $0x100000, s0;
	[bflag:$0x2] =	sbarrier.arrive $0xFFFF  }
0x76: {  	[sflag:s0] =	ssyncadd.tile.s32 @!p0 $0x1;
	_ =	shalt  }
.Lfunc_end2:
_tile_overlayer_lowered:
.L_overlay_start_2:
0x77: {  	(tag) =	ssettag $0x2  }
0x78: {  	s0 =	rddreg [dreg:$0x0];
	s2 =	stileid.u32  }
0x79: {  	s1 =	rddreg [dreg:$0x1];
	p0 =	sne.s32 s2, $0x0  }
0x7a: {  	s3 =	rddreg [dreg:$0x2];
	[bflag:$0x3] =	sbarrier.arrive $0xFFFF;
	s2 =	simm.s32 @!p0 $0x1C02  }
0x7b: {  	[timem:s3], [sflag:s2] =	dma.local @!p0 [hbm:s0], s1  }
0x7c: {  	s0 =	simm.s32 @!p0 $0x2  }
0x7d: {  	_ =	swait.ge @!p0 [sflag:s0], s1  }
0x7e: {  	s1 =	ssub.s32 @!p0 $0x0, s1;
	[sflag:s0] =	ssyncset.done @!p0 $0x0  }
0x7f: {  	[sflag:s0] =	ssyncadd.s32 @!p0 s1  }
0x80: {  	[bflag:$0x3] =	sbarrier.arrive $0xFFFF  }
0x81: {  	_ =	shalt  }

// kernel: kernel.18.cloned.1.call-start
scs
__scs_entry_jumppad:
0x0: {  	(pc) =	sbr.rel $0x88, $3  }
0x1: {  	(tag) =	ssettag $0x0;
	lr =	simm.s32 $0x1  }
0x2: {  	[smem:$0x3F95] =	sst lr;
	_ =	strace $0xD0000000  }
0x3: {  	_ = 	snop  }
0x4: {  	_ = 	snop  }
0x5: {  	_ = 	snop  }
0x6: {  	_ = 	snop  }
0x7: {  	_ = 	snop  }
__scs_overlays_trampoline_lowered:
0x8: {  	[smem:$0x3FA4] =	sst s0  }
0x9: {  	[smem:$0x3FA5] =	sst s1  }
0xa: {  	[smem:$0x3FA6] =	sst s2  }
0xb: {  	[smem:$0x3FA7] =	sst s3  }
0xc: {  	[smem:$0x3FA8] =	sst s4  }
0xd: {  	[smem:$0x3FA9] =	sst s5  }
0xe: {  	[smem:$0x3FAA] =	sst s6  }
0xf: {  	[smem:$0x3FAB] =	sst s7  }
0x10: {  	[smem:$0x3FAC] =	sst s8  }
0x11: {  	[smem:$0x3FAD] =	sst s9;
	s0 =	simm.s32 @!p0 $0x0  }
0x12: {  	s1 =	sld [smem:$0x3F93];
	s0 =	simm.s32 @p0 $0x1  }
0x13: {  	[smem:$0x3FAE] =	sst s0;
	s0 =	simm.s32 @!p1 $0x0  }
0x14: {  	s2 =	sld [smem:$0x3F92];
	s0 =	simm.s32 @p1 $0x1  }
0x15: {  	[smem:$0x3FAF] =	sst s0;
	s0 =	simm.s32 @!p2 $0x0  }
0x16: {  	s3 =	sld [smem:$0x3FDB];
	s0 =	simm.s32 @p2 $0x1  }
0x17: {  	s4 =	simm.s32 $0x1BF5;
	[smem:$0x3FB1] =	sst s0  }
0x18: {  	s0 =	sld [smem:$0x3F94];
	_ =	swait.ge [sflag:s4], $0x0  }
0x19: {  	s7 =	sld [smem:$0x3F95]  }
0x1a: {  	s8 =	sadd.s32 $0xFFFFE003, lr  }
0x1b: {  	s9 =	sadd.s32 $0xFFFFFEF7, lr;
	s5 =	simm.s32 $0xFFFFFFFF;
	p2 =	slt.u32 s8, $0xFFFFF086  }
0x1c: {  	p1 =	slt.u32 s9, $0xF7A;
	s5 =	simm.s32 @!p2 $0x0  }
0x1d: {  	s5 =	simm.s32 @p1 $0x1;
	p0 =	seq.s32 s7, s2  }
0x1e: {  	s7 =	smul.u32 @!p0 $0xF7A, s2;
	p2 =	seq.s32 @!p0 s5, $0x0  }
0x1f: {  	s9 =	smul.u32 $0xF7A, s1;
	s8 =	simm.s32 @!p0 $0x1BF5;
	p2 =	por !p2, p0  }
0x20: {  	[sflag:s8] =	ssyncset.s32 @!p0 $0xFFFFF086;
	s6 =	sadd.s32 @!p0 s3, s7;
	s7 =	simm.s32 @!p0 $0x108  }
0x21: {  	s3 =	sadd.s32 s3, s9;
	s6 =	sadd.s32 @!p0 $0x88, s6;
	s7 =	simm.s32 @p2 $0x1082  }
0x22: {  	[simem:s7], [sflag:s8] =	dma.local @!p0 [hbm:s6], $0xF7A  }
0x23: {  	s9 =	sor.u32 $0xD0000000, s2;
	s6 =	simm.s32 $0x108;
	_ =	swait.ge @!p0 [sflag:s8], $0x0  }
0x24: {  	s3 =	sadd.s32 $0x88, s3;
	s6 =	simm.s32 @!p1 $0x1082;
	[sflag:s4] =	ssyncset.s32 $0xFFFFF086  }
0x25: {  	[simem:s6], [sflag:s4] =	dma.local [hbm:s3], $0xF7A  }
0x26: {  	[smem:$0x3F95] =	sst s1;
	(tag) =	ssettag s2;
	_ =	strace s9  }
0x27: {  	s1 =	sld [smem:$0x3FA5]  }
0x28: {  	s2 =	sld [smem:$0x3FA6]  }
0x29: {  	s4 =	sld [smem:$0x3FA8]  }
0x2a: {  	p0 =	seq.s32 s5, $0x0;
	s5 =	sld [smem:$0x3FA9]  }
0x2b: {  	s6 =	sld [smem:$0x3FAA]  }
0x2c: {  	s7 =	sld [smem:$0x3FAB]  }
0x2d: {  	s3 =	simm.s32 $0x108;
	s8 =	sld [smem:$0x3FAC]  }
0x2e: {  	s3 =	simm.s32 @!p0 $0x1082;
	s9 =	sld [smem:$0x3FAD]  }
0x2f: {  	lr =	sadd.s32 s0, s3;
	s0 =	sld [smem:$0x3FA4]  }
0x30: {  	s3 =	sld [smem:$0x3FA7]  }
0x31: {  	[smem:$0x3FB0] =	sst s10  }
0x32: {  	s10 =	sld [smem:$0x3FAE];
	_ =	sdelay $0x3  }
0x33: {  	p0 =	seq.s32 s10, $0x1;
	s10 =	sld [smem:$0x3FB0];
	_ =	sdelay $0x3  }
0x34: {  	[smem:$0x3FB0] =	sst s10  }
0x35: {  	s10 =	sld [smem:$0x3FAF];
	_ =	sdelay $0x3  }
0x36: {  	p1 =	seq.s32 s10, $0x1;
	s10 =	sld [smem:$0x3FB0];
	_ =	sdelay $0x3  }
0x37: {  	[smem:$0x3FB0] =	sst s10  }
0x38: {  	s10 =	sld [smem:$0x3FB1]  }
0x39: {  	_ = 	snop;
	(pc) =	sbr.ind lr, $3  }
0x3a: {  	_ = 	snop  }
0x3b: {  	_ = 	snop  }
0x3c: {  	p2 =	seq.s32 s10, $0x1;
	s10 =	sld [smem:$0x3FB0]  }
0x3d: {  	_ =	shalt  }
0x3e: {  	_ =	shalt  }
0x3f: {  	_ =	shalt  }
0x40: {  	_ =	shalt  }
0x41: {  	_ =	shalt  }
0x42: {  	_ =	shalt  }
0x43: {  	_ =	shalt  }
0x44: {  	_ =	shalt  }
0x45: {  	_ =	shalt  }
0x46: {  	_ =	shalt  }
0x47: {  	_ =	shalt  }
0x48: {  	_ =	shalt  }
0x49: {  	_ =	shalt  }
0x4a: {  	_ =	shalt  }
0x4b: {  	_ =	shalt  }
0x4c: {  	_ =	shalt  }
0x4d: {  	_ =	shalt  }
0x4e: {  	_ =	shalt  }
0x4f: {  	_ =	shalt  }
0x50: {  	_ =	shalt  }
0x51: {  	_ =	shalt  }
0x52: {  	_ =	shalt  }
0x53: {  	_ =	shalt  }
0x54: {  	_ =	shalt  }
0x55: {  	_ =	shalt  }
0x56: {  	_ =	shalt  }
0x57: {  	_ =	shalt  }
0x58: {  	_ =	shalt  }
0x59: {  	_ =	shalt  }
0x5a: {  	_ =	shalt  }
0x5b: {  	_ =	shalt  }
0x5c: {  	_ =	shalt  }
0x5d: {  	_ =	shalt  }
0x5e: {  	_ =	shalt  }
0x5f: {  	_ =	shalt  }
0x60: {  	_ =	shalt  }
0x61: {  	_ =	shalt  }
0x62: {  	_ =	shalt  }
0x63: {  	_ =	shalt  }
0x64: {  	_ =	shalt  }
0x65: {  	_ =	shalt  }
0x66: {  	_ =	shalt  }
0x67: {  	_ =	shalt  }
0x68: {  	_ =	shalt  }
0x69: {  	_ =	shalt  }
0x6a: {  	_ =	shalt  }
0x6b: {  	_ =	shalt  }
0x6c: {  	_ =	shalt  }
0x6d: {  	_ =	shalt  }
0x6e: {  	_ =	shalt  }
0x6f: {  	_ =	shalt  }
0x70: {  	_ =	shalt  }
0x71: {  	_ =	shalt  }
0x72: {  	_ =	shalt  }
0x73: {  	_ =	shalt  }
0x74: {  	_ =	shalt  }
0x75: {  	_ =	shalt  }
0x76: {  	_ =	shalt  }
0x77: {  	_ =	shalt  }
0x78: {  	_ =	shalt  }
0x79: {  	_ =	shalt  }
0x7a: {  	_ =	shalt  }
0x7b: {  	_ =	shalt  }
0x7c: {  	_ =	shalt  }
0x7d: {  	_ =	shalt  }
0x7e: {  	_ =	shalt  }
0x7f: {  	_ =	shalt  }
0x80: {  	_ =	shalt  }
0x81: {  	_ =	shalt  }
0x82: {  	_ =	shalt  }
0x83: {  	_ =	shalt  }
0x84: {  	_ =	shalt  }
0x85: {  	_ =	shalt  }
0x86: {  	_ =	shalt  }
0x87: {  	_ =	shalt  }
.Lfunc_end0:
.L_simem_size_0:
called_computation.2_lowered:
.L_overlay_start_0:
0x88: {  	s2 =	sld [smem:$0x3FD9]  }
0x89: {  	s3 =	sld [smem:$0x3FFE];
	_ =	sdelay $0x1  }
0x8a: {  	s1 =	srdreg.scid  }
0x8b: {  	s0 =	sand.u32 $0x1, s1  }
0x8c: {  	s17 =	sshll.u32 s0, $0xA;
	s2 =	sadd.s32 s3, s2  }
0x8d: {  	s2 =	sadd.s32 s2, s17  }
0x8e: {  	[smem:$0x3FBC] =	sst s2  }
0x8f: {  	_ = 	snop  }
0x90: {  	(tm) =	ssettm $0x1  }
0x91: {  	s18 =	sld [smem:$0x3FFB];
	_ =	sdelay $0x3  }
0x92: {  	_ =	strace s18  }
0x93: {  	s2 =	sld [smem:$0x3FFC];
	_ =	sdelay $0x3  }
0x94: {  	_ =	strace s2  }
0x95: {  	s2 =	sld [smem:$0x3FFD];
	_ =	sdelay $0x3  }
0x96: {  	_ =	strace s2  }
0x97: {  	_ =	strace $0x8FFFFFFF  }
0x98: {  	s19 =	sld [smem:$0x3FDB];
	_ =	sdelay $0x1  }
0x99: {  	s20 =	simm.s32 $_scs_section_size  }
0x9a: {  	s4 =	simm.s32 $_size__tile_overlayer_lowered;
	s5 =	simm.s32 $_tile_overlayer_lowered  }
0x9b: {  	s6 =	simm.s32 $0x1BFF;
	s21 =	sshll.u32 s5, $0x1;
	s3 =	sadd.s32 s20, s19  }
0x9c: {  	s22 =	simm.s32 $0x0;
	s4 =	sshll.u32 s4, $0x1;
	s5 =	sadd.s32 s21, s3  }
0x9d: {  	[timem:s22], [sflag:s6] =	dma.local [hbm:s5], s4  }
0x9e: {  	_ =	swait.ge [sflag:s6], s4  }
0x9f: {  	s4 =	ssub.s32 $0x0, s4;
	[sflag:s6] =	ssyncset.done $0x0  }
0xa0: {  	[sflag:s6] =	ssyncadd.s32 s4;
	_ =	sdelay $0x1  }
0xa1: {  	s23 =	simm.s32 $0x1B8B  }
0xa2: {  	_ =	swait.ge [sflag:s23], $0x1  }
0xa3: {  	[sflag:s23] =	ssyncset.done $0x0  }
0xa4: {  	[sflag:s23] =	ssyncadd.s32 $0xFFFFFFFF  }
0xa5: {  	s4 =	sld [smem:$0x0]  }
0xa6: {  	s5 =	sand.u32 $0xFFFFFFFE, s1  }
0xa7: {  	p0 =	sne.s32 s1, s5  }
0xa8: {  	s5 =	sshll.u32 @p0 s5, $0xE  }
0xa9: {  	s5 =	sadd.s32 @p0 $0x11B8D, s5;
	s6 =	sshll.u32 @p0 s4, $0x11  }
0xaa: {  	s5 =	sor.u32 @p0 s6, s5  }
0xab: {  	[sflag:s5] =	ssyncadd.remote.s32 @p0 $0x1;
	_ =	sdelay $0x1  }
0xac: {  	s5 =	simm.s32 @p0 $0x1B8D  }
0xad: {  	_ =	swait.eq @p0 [sflag:s5], $0x1  }
0xae: {  	[sflag:s5] =	ssyncadd.s32 @p0 $0xFFFFFFFF  }
0xaf: {  	s6 =	sshll.u32 @!p0 s1, $0xE  }
0xb0: {  	s6 =	sor.u32 @!p0 $0x4000, s6;
	s5 =	simm.s32 @!p0 $0x1B8D  }
0xb1: {  	s4 =	sshll.u32 @!p0 s4, $0x11;
	s6 =	sadd.s32 @!p0 $0x11B8D, s6;
	_ =	swait.eq @!p0 [sflag:s5], $0x1  }
0xb2: {  	s4 =	sor.u32 @!p0 s4, s6;
	[sflag:s5] =	ssyncadd.s32 @!p0 $0xFFFFFFFF  }
0xb3: {  	s25 =	simm.s32 $0x1B8E;
	s24 =	sld [smem:$0x3FFE];
	[sflag:s4] =	ssyncadd.remote.s32 @!p0 $0x1  }
0xb4: {  	s26 =	simm.s32 $execute0_lowered;
	[smem:$0x3FD2] =	sst s25  }
0xb5: {  	s5 =	sshll.u32 s26, $0x1;
	_ =	strace $0x80000049;
	[dreg:$0x1] =	wrdreg $0xFFFFFFFF  }
0xb6: {  	s28 =	simm.s32 $_size_execute0_lowered;
	s3 =	sadd.s32 s3, s5;
	[dreg:$0x0] =	wrdreg $0x0  }
0xb7: {  	s5 =	sshll.u32 s28, $0x1;
	[dreg:$0x2] =	wrdreg s3  }
0xb8: {  	[dreg:$0x3] =	wrdreg s5  }
0xb9: {  	[dreg:$0x4] =	wrdreg $0xC0  }
0xba: {  	_ =	task [dreg:s22], $0x5FFFF  }
0xbb: {  	[dreg:$0x1] =	wrdreg $0xFFFFFFFF  }
0xbc: {  	[dreg:$0x0] =	wrdreg $0x60  }
0xbd: {  	[dreg:$0x2] =	wrdreg s24  }
0xbe: {  	[dreg:$0x3] =	wrdreg $0xB  }
0xbf: {  	_ =	task.clear_ibuf [dreg:s22], $0x4FFFF;
	_ =	strace $0x90000049  }
0xc0: {  	s29 =	simm.s32 $0xB;
	_ =	strace $0x8000004B  }
0xc1: {  	_ =	swait.ge [sflag:s29], $0x1  }
0xc2: {  	[sflag:s29] =	ssyncadd.s32 $0xFFFFFFFF  }
0xc3: {  	_ =	strace $0x9000004B  }
0xc4: {  	_ =	sfence  }
0xc5: {  	s30 =	sld [smem:$0x0];
	_ =	sdelay $0x2  }
0xc6: {  	s31 =	sshll.u32 s1, $0xD;
	s1 =	sshrl.u32 s1, $0x2  }
0xc7: {  	s4 =	sand.u32 $0x4000, s31;
	s1 =	sadd.s32 s1, s30  }
0xc8: {  	s0 =	sor.u32 s4, s0;
	s1 =	sshll.u32 s1, $0x11  }
0xc9: {  	s0 =	sor.u32 s1, s0  }
0xca: {  	s0 =	sadd.s32 $0x8F2B, s0  }
0xcb: {  	[sflag:s0] =	ssyncadd.remote.s32 $0x1  }
0xcc: {  	_ =	sfence.sel $0xFFFF  }
0xcd: {  	[dreg:$0x0] =	wrdreg $0xFFFFFFFF;
	(pc) =	sbr.abs _section_cstart, $3  }
0xce: {  	[dreg:$0x1] =	wrdreg $0xFFFFFFFF  }
0xcf: {  	_ =	task.clear_ibuf [dreg:s22], $0x2FFFF;
	_ =	strace $0x9FFFFFFF  }
0xd0: {  	(tm) =	ssettm $0x7FFFFFFF  }
0xd1: {  	_ =	shalt  }
tec
execute0_lowered:
.L_overlay_start_1:
0x0: {  	(tag) =	ssettag $0x1  }
0x1: {  	s4 =	rddreg [dreg:$0x0]  }
0x2: {  	s0 =	rddreg [dreg:$0x1];
	s2 =	simm.s32 $0x0;
	s3 =	srdreg.scid  }
0x3: {  	s1 =	stileid.u32;
	s10 =	simm.s32 $0x1080;
	s11 =	simm.s32 $0x1880  }
0x4: {  	s12 =	simm.s32 $0x2080;
	s13 =	simm.s32 $0x2880;
	s14 =	simm.s32 $0x3080  }
0x5: {  	s15 =	simm.s32 $0x3880;
	s16 =	simm.s32 $0x4080;
	s17 =	simm.s32 $0x4880  }
0x6: {  	s18 =	simm.s32 $0x5080;
	s19 =	simm.s32 $0x5880;
	s20 =	simm.s32 $0x6080  }
0x7: {  	s21 =	simm.s32 $0x6880;
	s22 =	simm.s32 $0x7080;
	s23 =	simm.s32 $0x7880  }
0x8: {  	s24 =	simm.s32 $0x1;
	s25 =	simm.s32 $0x0;
	[smem:$0x7FF] =	sst s2  }
0x9: {  	s5 =	sand.u32 $0x1, s3;
	s6 =	sshll.u32 s1, $0xA;
	s3 =	sadd.s32 $0x4400, s4  }
0xa: {  	s8 =	sshll.u32 s1, $0xF;
	_ =	strace $0x8000004A;
	s7 =	sshll.u32 s5, $0x9  }
0xb: {  	s31 =	ssub.s32 $0x2, s5;
	s8 =	sadd.s32 s8, s4;
	s5 =	sshll.u32 s5, $0xE  }
0xc: {  	s6 =	sor.u32 s7, s6;
	s9 =	sshrl.u32 s31, $0x1;
	s5 =	sadd.s32 s5, s8  }
0xd: {  	v2 =	vlaneseq.u32;
	s8 =	simm.s32 $0x80;
	s6 =	sshrl.u32 s6, $0x3;
	s7 =	ssub.s32 s31, s9  }
0xe: {  	vm0 =	vmmov $0xffff;
	v1 =	vshrl.u32 v2, $0x3;
	s5 =	sadd.s32 $0xC4400, s5;
	s9 =	simm.s32 $0x880;
	s6 =	sadd.s32 s6, s4  }
0xf: {  	v0 =	vand.u32 $0x7, v2;
	v2 =	vor.u32 $0x8, v2;
	v1 =	vmul.u32 $0x8, v1;
	s4 =	smax.u32 s7, $0x1;
	s7 =	simm.s32 $0x2;
	s6 =	sadd.s32 $0x3C00, s6  }
.LBB2_1:
0x10: {  	s26 =	smov.u32 s5;
	s28 =	simm.s32 $0x0  }
.LBB2_2:
0x11: {  	s29 =	sadd.s32 s28, s6  }
0x12: {  	[tilespmem:s2], [sflag:$0x2] =	stream.linear.gather [hbm4b:s29+s2], $0x80, $0x38;
	[tilespmem:$0x8080] =	vst v63  }
0x13: {  	_ =	swait.ge [sflag:s7], $0x80  }
0x14: {  	[sflag:s7] =	ssyncset.done $0x0  }
0x15: {  	[sflag:s7] =	ssyncadd.s32 $0xFFFFFF80  }
0x16: {  	v3 =	vld [tilespmem:$0x0];
	_ =	sdelay $0x4  }
0x17: {  	v4 =	vshll.u32 v3, $0x1  }
0x18: {  	v3 =	vand.u32 $0x7, v3;
	v4 =	vand.u32 $0xFFFFFFF0, v4  }
0x19: {  	v3 =	vor.u32 v3, v4  }
0x1a: {  	v4 =	vperm.xlane v3, v0;
	_ =	sdelay $0x1  }
0x1b: {  	v3 =	vperm.xlane v3, v2;
	v4 =	vadd.s32 v1, v4;
	_ =	sdelay $0x1  }
0x1c: {  	v3 =	vadd.s32 v1, v3;
	_ =	sdelay $0x2  }
0x1d: {  	[tilespmem:s8], [sflag:$0x1] =	stream.indirect_vreg.gather [hbm4b:s3+s2], $0x80, v4, vm0, $0xb8;
	[tilespmem:$0x8080] =	vst v63  }
0x1e: {  	_ = 	snop  }
0x1f: {  	[tilespmem:s9], [sflag:$0x1] =	stream.indirect_vreg.gather [hbm4b:s3+s2], $0x80, v3, vm0, $0xb8;
	[tilespmem:$0x8080] =	vst v63  }
0x20: {  	v3 =	vld [tilespmem:$0x10];
	_ =	sdelay $0x4  }
0x21: {  	v57 =	vshll.u32 v3, $0x1  }
0x22: {  	v3 =	vand.u32 $0x7, v3;
	v4 =	vand.u32 $0xFFFFFFF0, v57  }
0x23: {  	v3 =	vor.u32 v3, v4  }
0x24: {  	v4 =	vperm.xlane v3, v0;
	_ =	sdelay $0x1  }
0x25: {  	v3 =	vperm.xlane v3, v2;
	v4 =	vadd.s32 v1, v4;
	_ =	sdelay $0x1  }
0x26: {  	v3 =	vadd.s32 v1, v3;
	_ =	sdelay $0x2  }
0x27: {  	[tilespmem:s10], [sflag:$0x1] =	stream.indirect_vreg.gather [hbm4b:s3+s2], $0x80, v4, vm0, $0xb8;
	[tilespmem:$0x8080] =	vst v63  }
0x28: {  	_ = 	snop  }
0x29: {  	[tilespmem:s11], [sflag:$0x1] =	stream.indirect_vreg.gather [hbm4b:s3+s2], $0x80, v3, vm0, $0xb8;
	[tilespmem:$0x8080] =	vst v63  }
0x2a: {  	v3 =	vld [tilespmem:$0x20];
	_ =	sdelay $0x4  }
0x2b: {  	v58 =	vshll.u32 v3, $0x1  }
0x2c: {  	v3 =	vand.u32 $0x7, v3;
	v4 =	vand.u32 $0xFFFFFFF0, v58  }
0x2d: {  	v3 =	vor.u32 v3, v4  }
0x2e: {  	v4 =	vperm.xlane v3, v0;
	_ =	sdelay $0x1  }
0x2f: {  	v3 =	vperm.xlane v3, v2;
	v4 =	vadd.s32 v1, v4;
	_ =	sdelay $0x1  }
0x30: {  	v3 =	vadd.s32 v1, v3;
	_ =	sdelay $0x2  }
0x31: {  	[tilespmem:s12], [sflag:$0x1] =	stream.indirect_vreg.gather [hbm4b:s3+s2], $0x80, v4, vm0, $0xb8;
	[tilespmem:$0x8080] =	vst v63  }
0x32: {  	_ = 	snop  }
0x33: {  	[tilespmem:s13], [sflag:$0x1] =	stream.indirect_vreg.gather [hbm4b:s3+s2], $0x80, v3, vm0, $0xb8;
	[tilespmem:$0x8080] =	vst v63  }
0x34: {  	v3 =	vld [tilespmem:$0x30];
	_ =	sdelay $0x4  }
0x35: {  	v59 =	vshll.u32 v3, $0x1  }
0x36: {  	v3 =	vand.u32 $0x7, v3;
	v4 =	vand.u32 $0xFFFFFFF0, v59  }
0x37: {  	v3 =	vor.u32 v3, v4  }
0x38: {  	v4 =	vperm.xlane v3, v0;
	_ =	sdelay $0x1  }
0x39: {  	v3 =	vperm.xlane v3, v2;
	v4 =	vadd.s32 v1, v4;
	_ =	sdelay $0x1  }
0x3a: {  	v3 =	vadd.s32 v1, v3;
	_ =	sdelay $0x2  }
0x3b: {  	[tilespmem:s14], [sflag:$0x1] =	stream.indirect_vreg.gather [hbm4b:s3+s2], $0x80, v4, vm0, $0xb8;
	[tilespmem:$0x8080] =	vst v63  }
0x3c: {  	_ = 	snop  }
0x3d: {  	[tilespmem:s15], [sflag:$0x1] =	stream.indirect_vreg.gather [hbm4b:s3+s2], $0x80, v3, vm0, $0xb8;
	[tilespmem:$0x8080] =	vst v63  }
0x3e: {  	v3 =	vld [tilespmem:$0x40];
	_ =	sdelay $0x4  }
0x3f: {  	v60 =	vshll.u32 v3, $0x1  }
0x40: {  	v3 =	vand.u32 $0x7, v3;
	v4 =	vand.u32 $0xFFFFFFF0, v60  }
0x41: {  	v3 =	vor.u32 v3, v4  }
0x42: {  	v4 =	vperm.xlane v3, v0;
	_ =	sdelay $0x1  }
0x43: {  	v3 =	vperm.xlane v3, v2;
	v4 =	vadd.s32 v1, v4;
	_ =	sdelay $0x1  }
0x44: {  	v3 =	vadd.s32 v1, v3;
	_ =	sdelay $0x2  }
0x45: {  	[tilespmem:s16], [sflag:$0x1] =	stream.indirect_vreg.gather [hbm4b:s3+s2], $0x80, v4, vm0, $0xb8;
	[tilespmem:$0x8080] =	vst v63  }
0x46: {  	_ = 	snop  }
0x47: {  	[tilespmem:s17], [sflag:$0x1] =	stream.indirect_vreg.gather [hbm4b:s3+s2], $0x80, v3, vm0, $0xb8;
	[tilespmem:$0x8080] =	vst v63  }
0x48: {  	v3 =	vld [tilespmem:$0x50];
	_ =	sdelay $0x4  }
0x49: {  	v61 =	vshll.u32 v3, $0x1  }
0x4a: {  	v3 =	vand.u32 $0x7, v3;
	v4 =	vand.u32 $0xFFFFFFF0, v61  }
0x4b: {  	v3 =	vor.u32 v3, v4  }
0x4c: {  	v4 =	vperm.xlane v3, v0;
	_ =	sdelay $0x1  }
0x4d: {  	v3 =	vperm.xlane v3, v2;
	v4 =	vadd.s32 v1, v4;
	_ =	sdelay $0x1  }
0x4e: {  	v3 =	vadd.s32 v1, v3;
	_ =	sdelay $0x2  }
0x4f: {  	[tilespmem:s18], [sflag:$0x1] =	stream.indirect_vreg.gather [hbm4b:s3+s2], $0x80, v4, vm0, $0xb8;
	[tilespmem:$0x8080] =	vst v63  }
0x50: {  	_ = 	snop  }
0x51: {  	[tilespmem:s19], [sflag:$0x1] =	stream.indirect_vreg.gather [hbm4b:s3+s2], $0x80, v3, vm0, $0xb8;
	[tilespmem:$0x8080] =	vst v63  }
0x52: {  	v3 =	vld [tilespmem:$0x60];
	_ =	sdelay $0x4  }
0x53: {  	v62 =	vshll.u32 v3, $0x1  }
0x54: {  	v3 =	vand.u32 $0x7, v3;
	v4 =	vand.u32 $0xFFFFFFF0, v62  }
0x55: {  	v3 =	vor.u32 v3, v4  }
0x56: {  	v4 =	vperm.xlane v3, v0;
	_ =	sdelay $0x1  }
0x57: {  	v3 =	vperm.xlane v3, v2;
	v4 =	vadd.s32 v1, v4;
	_ =	sdelay $0x1  }
0x58: {  	v3 =	vadd.s32 v1, v3;
	_ =	sdelay $0x2  }
0x59: {  	[tilespmem:s20], [sflag:$0x1] =	stream.indirect_vreg.gather [hbm4b:s3+s2], $0x80, v4, vm0, $0xb8;
	[tilespmem:$0x8080] =	vst v63  }
0x5a: {  	_ = 	snop  }
0x5b: {  	[tilespmem:s21], [sflag:$0x1] =	stream.indirect_vreg.gather [hbm4b:s3+s2], $0x80, v3, vm0, $0xb8;
	[tilespmem:$0x8080] =	vst v63  }
0x5c: {  	v3 =	vld [tilespmem:$0x70];
	_ =	sdelay $0x4  }
0x5d: {  	v63 =	vshll.u32 v3, $0x1  }
0x5e: {  	v3 =	vand.u32 $0x7, v3;
	v4 =	vand.u32 $0xFFFFFFF0, v63  }
0x5f: {  	v3 =	vor.u32 v3, v4  }
0x60: {  	v4 =	vperm.xlane v3, v0;
	_ =	sdelay $0x1  }
0x61: {  	v3 =	vperm.xlane v3, v2;
	v4 =	vadd.s32 v1, v4;
	_ =	sdelay $0x1  }
0x62: {  	v3 =	vadd.s32 v1, v3;
	_ =	sdelay $0x2  }
0x63: {  	[tilespmem:s22], [sflag:$0x1] =	stream.indirect_vreg.gather [hbm4b:s3+s2], $0x80, v4, vm0, $0xb8;
	[tilespmem:$0x8080] =	vst v63  }
0x64: {  	_ = 	snop  }
0x65: {  	[tilespmem:s23], [sflag:$0x1] =	stream.indirect_vreg.gather [hbm4b:s3+s2], $0x80, v3, vm0, $0xb8;
	[tilespmem:$0x8080] =	vst v63  }
0x66: {  	_ =	swait.ge [sflag:s24], $0x8000  }
0x67: {  	p0 =	sne.s32 s28, $0x30;
	[sflag:s24] =	ssyncset.done $0x0  }
.Ltmp0:
0x68: {  	[sflag:s24] =	ssyncadd.s32 $0xFFFF8000;
	(pc) =	sbr.rel @p0 .LBB2_2-.Ltmp0, $4  }
0x69: {  	[hbm4b:s26+s2] =	stream.linear.scatter [tilespmem:s8], [sflag:$0x2], $0x8000, $0x38;
	[tilespmem:$0x8080] =	vst v63  }
0x6a: {  	_ =	swait.ge [sflag:s7], $0x8000  }
0x6b: {  	[sflag:s7] =	ssyncset.done $0x0  }
0x6c: {  	s28 =	sadd.s32 $0x10, s28;
	s26 =	sadd.s32 $0x1000, s26;
	[sflag:s7] =	ssyncadd.s32 $0xFFFF8000  }
0x6d: {  	s25 =	sadd.s32 $0x1, s25  }
0x6e: {  	p0 =	sne.s32 s25, s4  }
.Ltmp1:
0x6f: {  	_ = 	snop;
	(pc) =	sbr.rel @p0 .LBB2_1-.Ltmp1, $1  }
0x70: {  	_ =	sdelay $0x3  }
0x71: {  	_ =	sfence.sel $0x180000  }
0x72: {  	[bflag:$0x0] =	sbarrier.arrive $0xFFFF  }
0x73: {  	p0 =	sne.s32 s1, $0x0;
	_ =	strace $0x9000004A  }
0x74: {  	s0 =	sadd.s32 @!p0 $0x100000, s0;
	[bflag:$0x2] =	sbarrier.arrive $0xFFFF  }
0x75: {  	[sflag:s0] =	ssyncadd.tile.s32 @!p0 $0x1;
	_ =	shalt  }
.Lfunc_end2:
_tile_overlayer_lowered:
.L_overlay_start_2:
0x76: {  	(tag) =	ssettag $0x2  }
0x77: {  	s0 =	rddreg [dreg:$0x0];
	s2 =	stileid.u32  }
0x78: {  	s1 =	rddreg [dreg:$0x1];
	p0 =	sne.s32 s2, $0x0  }
0x79: {  	s3 =	rddreg [dreg:$0x2];
	[bflag:$0x3] =	sbarrier.arrive $0xFFFF;
	s2 =	simm.s32 @!p0 $0x1C02  }
0x7a: {  	[timem:s3], [sflag:s2] =	dma.local @!p0 [hbm:s0], s1  }
0x7b: {  	s0 =	simm.s32 @!p0 $0x2  }
0x7c: {  	_ =	swait.ge @!p0 [sflag:s0], s1  }
0x7d: {  	s1 =	ssub.s32 @!p0 $0x0, s1;
	[sflag:s0] =	ssyncset.done @!p0 $0x0  }
0x7e: {  	[sflag:s0] =	ssyncadd.s32 @!p0 s1  }
0x7f: {  	[bflag:$0x3] =	sbarrier.arrive $0xFFFF  }
0x80: {  	_ =	shalt  }

// kernel: kernel.21.cloned.1.call-start
scs
__scs_entry_jumppad:
0x0: {  	(pc) =	sbr.rel $0x88, $3  }
0x1: {  	(tag) =	ssettag $0x0;
	lr =	simm.s32 $0x1  }
0x2: {  	[smem:$0x3F95] =	sst lr;
	_ =	strace $0xD0000000  }
0x3: {  	_ = 	snop  }
0x4: {  	_ = 	snop  }
0x5: {  	_ = 	snop  }
0x6: {  	_ = 	snop  }
0x7: {  	_ = 	snop  }
__scs_overlays_trampoline_lowered:
0x8: {  	[smem:$0x3FA4] =	sst s0  }
0x9: {  	[smem:$0x3FA5] =	sst s1  }
0xa: {  	[smem:$0x3FA6] =	sst s2  }
0xb: {  	[smem:$0x3FA7] =	sst s3  }
0xc: {  	[smem:$0x3FA8] =	sst s4  }
0xd: {  	[smem:$0x3FA9] =	sst s5  }
0xe: {  	[smem:$0x3FAA] =	sst s6  }
0xf: {  	[smem:$0x3FAB] =	sst s7  }
0x10: {  	[smem:$0x3FAC] =	sst s8  }
0x11: {  	[smem:$0x3FAD] =	sst s9;
	s0 =	simm.s32 @!p0 $0x0  }
0x12: {  	s1 =	sld [smem:$0x3F93];
	s0 =	simm.s32 @p0 $0x1  }
0x13: {  	[smem:$0x3FAE] =	sst s0;
	s0 =	simm.s32 @!p1 $0x0  }
0x14: {  	s2 =	sld [smem:$0x3F92];
	s0 =	simm.s32 @p1 $0x1  }
0x15: {  	[smem:$0x3FAF] =	sst s0;
	s0 =	simm.s32 @!p2 $0x0  }
0x16: {  	s3 =	sld [smem:$0x3FDB];
	s0 =	simm.s32 @p2 $0x1  }
0x17: {  	s4 =	simm.s32 $0x1BF5;
	[smem:$0x3FB1] =	sst s0  }
0x18: {  	s0 =	sld [smem:$0x3F94];
	_ =	swait.ge [sflag:s4], $0x0  }
0x19: {  	s7 =	sld [smem:$0x3F95]  }
0x1a: {  	s8 =	sadd.s32 $0xFFFFE003, lr  }
0x1b: {  	s9 =	sadd.s32 $0xFFFFFEF7, lr;
	s5 =	simm.s32 $0xFFFFFFFF;
	p2 =	slt.u32 s8, $0xFFFFF086  }
0x1c: {  	p1 =	slt.u32 s9, $0xF7A;
	s5 =	simm.s32 @!p2 $0x0  }
0x1d: {  	s5 =	simm.s32 @p1 $0x1;
	p0 =	seq.s32 s7, s2  }
0x1e: {  	s7 =	smul.u32 @!p0 $0xF7A, s2;
	p2 =	seq.s32 @!p0 s5, $0x0  }
0x1f: {  	s9 =	smul.u32 $0xF7A, s1;
	s8 =	simm.s32 @!p0 $0x1BF5;
	p2 =	por !p2, p0  }
0x20: {  	[sflag:s8] =	ssyncset.s32 @!p0 $0xFFFFF086;
	s6 =	sadd.s32 @!p0 s3, s7;
	s7 =	simm.s32 @!p0 $0x108  }
0x21: {  	s3 =	sadd.s32 s3, s9;
	s6 =	sadd.s32 @!p0 $0x88, s6;
	s7 =	simm.s32 @p2 $0x1082  }
0x22: {  	[simem:s7], [sflag:s8] =	dma.local @!p0 [hbm:s6], $0xF7A  }
0x23: {  	s9 =	sor.u32 $0xD0000000, s2;
	s6 =	simm.s32 $0x108;
	_ =	swait.ge @!p0 [sflag:s8], $0x0  }
0x24: {  	s3 =	sadd.s32 $0x88, s3;
	s6 =	simm.s32 @!p1 $0x1082;
	[sflag:s4] =	ssyncset.s32 $0xFFFFF086  }
0x25: {  	[simem:s6], [sflag:s4] =	dma.local [hbm:s3], $0xF7A  }
0x26: {  	[smem:$0x3F95] =	sst s1;
	(tag) =	ssettag s2;
	_ =	strace s9  }
0x27: {  	s1 =	sld [smem:$0x3FA5]  }
0x28: {  	s2 =	sld [smem:$0x3FA6]  }
0x29: {  	s4 =	sld [smem:$0x3FA8]  }
0x2a: {  	p0 =	seq.s32 s5, $0x0;
	s5 =	sld [smem:$0x3FA9]  }
0x2b: {  	s6 =	sld [smem:$0x3FAA]  }
0x2c: {  	s7 =	sld [smem:$0x3FAB]  }
0x2d: {  	s3 =	simm.s32 $0x108;
	s8 =	sld [smem:$0x3FAC]  }
0x2e: {  	s3 =	simm.s32 @!p0 $0x1082;
	s9 =	sld [smem:$0x3FAD]  }
0x2f: {  	lr =	sadd.s32 s0, s3;
	s0 =	sld [smem:$0x3FA4]  }
0x30: {  	s3 =	sld [smem:$0x3FA7]  }
0x31: {  	[smem:$0x3FB0] =	sst s10  }
0x32: {  	s10 =	sld [smem:$0x3FAE];
	_ =	sdelay $0x3  }
0x33: {  	p0 =	seq.s32 s10, $0x1;
	s10 =	sld [smem:$0x3FB0];
	_ =	sdelay $0x3  }
0x34: {  	[smem:$0x3FB0] =	sst s10  }
0x35: {  	s10 =	sld [smem:$0x3FAF];
	_ =	sdelay $0x3  }
0x36: {  	p1 =	seq.s32 s10, $0x1;
	s10 =	sld [smem:$0x3FB0];
	_ =	sdelay $0x3  }
0x37: {  	[smem:$0x3FB0] =	sst s10  }
0x38: {  	s10 =	sld [smem:$0x3FB1]  }
0x39: {  	_ = 	snop;
	(pc) =	sbr.ind lr, $3  }
0x3a: {  	_ = 	snop  }
0x3b: {  	_ = 	snop  }
0x3c: {  	p2 =	seq.s32 s10, $0x1;
	s10 =	sld [smem:$0x3FB0]  }
0x3d: {  	_ =	shalt  }
0x3e: {  	_ =	shalt  }
0x3f: {  	_ =	shalt  }
0x40: {  	_ =	shalt  }
0x41: {  	_ =	shalt  }
0x42: {  	_ =	shalt  }
0x43: {  	_ =	shalt  }
0x44: {  	_ =	shalt  }
0x45: {  	_ =	shalt  }
0x46: {  	_ =	shalt  }
0x47: {  	_ =	shalt  }
0x48: {  	_ =	shalt  }
0x49: {  	_ =	shalt  }
0x4a: {  	_ =	shalt  }
0x4b: {  	_ =	shalt  }
0x4c: {  	_ =	shalt  }
0x4d: {  	_ =	shalt  }
0x4e: {  	_ =	shalt  }
0x4f: {  	_ =	shalt  }
0x50: {  	_ =	shalt  }
0x51: {  	_ =	shalt  }
0x52: {  	_ =	shalt  }
0x53: {  	_ =	shalt  }
0x54: {  	_ =	shalt  }
0x55: {  	_ =	shalt  }
0x56: {  	_ =	shalt  }
0x57: {  	_ =	shalt  }
0x58: {  	_ =	shalt  }
0x59: {  	_ =	shalt  }
0x5a: {  	_ =	shalt  }
0x5b: {  	_ =	shalt  }
0x5c: {  	_ =	shalt  }
0x5d: {  	_ =	shalt  }
0x5e: {  	_ =	shalt  }
0x5f: {  	_ =	shalt  }
0x60: {  	_ =	shalt  }
0x61: {  	_ =	shalt  }
0x62: {  	_ =	shalt  }
0x63: {  	_ =	shalt  }
0x64: {  	_ =	shalt  }
0x65: {  	_ =	shalt  }
0x66: {  	_ =	shalt  }
0x67: {  	_ =	shalt  }
0x68: {  	_ =	shalt  }
0x69: {  	_ =	shalt  }
0x6a: {  	_ =	shalt  }
0x6b: {  	_ =	shalt  }
0x6c: {  	_ =	shalt  }
0x6d: {  	_ =	shalt  }
0x6e: {  	_ =	shalt  }
0x6f: {  	_ =	shalt  }
0x70: {  	_ =	shalt  }
0x71: {  	_ =	shalt  }
0x72: {  	_ =	shalt  }
0x73: {  	_ =	shalt  }
0x74: {  	_ =	shalt  }
0x75: {  	_ =	shalt  }
0x76: {  	_ =	shalt  }
0x77: {  	_ =	shalt  }
0x78: {  	_ =	shalt  }
0x79: {  	_ =	shalt  }
0x7a: {  	_ =	shalt  }
0x7b: {  	_ =	shalt  }
0x7c: {  	_ =	shalt  }
0x7d: {  	_ =	shalt  }
0x7e: {  	_ =	shalt  }
0x7f: {  	_ =	shalt  }
0x80: {  	_ =	shalt  }
0x81: {  	_ =	shalt  }
0x82: {  	_ =	shalt  }
0x83: {  	_ =	shalt  }
0x84: {  	_ =	shalt  }
0x85: {  	_ =	shalt  }
0x86: {  	_ =	shalt  }
0x87: {  	_ =	shalt  }
.Lfunc_end0:
.L_simem_size_0:
called_computation.3_lowered:
.L_overlay_start_0:
0x88: {  	s2 =	sld [smem:$0x3FD9]  }
0x89: {  	s3 =	sld [smem:$0x3FFE];
	_ =	sdelay $0x1  }
0x8a: {  	s1 =	srdreg.scid  }
0x8b: {  	s0 =	sand.u32 $0x1, s1  }
0x8c: {  	s16 =	sshll.u32 s0, $0xA;
	s2 =	sadd.s32 s3, s2  }
0x8d: {  	s2 =	sadd.s32 s2, s16  }
0x8e: {  	[smem:$0x3FBC] =	sst s2  }
0x8f: {  	_ = 	snop  }
0x90: {  	(tm) =	ssettm $0x1  }
0x91: {  	s17 =	sld [smem:$0x3FFB];
	_ =	sdelay $0x3  }
0x92: {  	_ =	strace s17  }
0x93: {  	s2 =	sld [smem:$0x3FFC];
	_ =	sdelay $0x3  }
0x94: {  	_ =	strace s2  }
0x95: {  	s2 =	sld [smem:$0x3FFD];
	_ =	sdelay $0x3  }
0x96: {  	_ =	strace s2  }
0x97: {  	_ =	strace $0x8FFFFFFF  }
0x98: {  	s18 =	sld [smem:$0x3FDB];
	_ =	sdelay $0x1  }
0x99: {  	s19 =	simm.s32 $_scs_section_size  }
0x9a: {  	s4 =	simm.s32 $_size__tile_overlayer_lowered;
	s5 =	simm.s32 $_tile_overlayer_lowered  }
0x9b: {  	s22 =	simm.s32 $0x1BFF;
	s21 =	sshll.u32 s5, $0x1;
	s2 =	sadd.s32 s19, s18  }
0x9c: {  	s6 =	simm.s32 $0x0;
	s20 =	sshll.u32 s4, $0x1;
	s4 =	sadd.s32 s21, s2  }
0x9d: {  	[timem:s6], [sflag:s22] =	dma.local [hbm:s4], s20  }
0x9e: {  	_ =	swait.ge [sflag:s22], s20  }
0x9f: {  	s3 =	ssub.s32 $0x0, s20;
	[sflag:s22] =	ssyncset.done $0x0  }
0xa0: {  	[sflag:s22] =	ssyncadd.s32 s3;
	_ =	sdelay $0x1  }
0xa1: {  	s23 =	simm.s32 $0x1B8B  }
0xa2: {  	_ =	swait.ge [sflag:s23], $0x1  }
0xa3: {  	[sflag:s23] =	ssyncset.done $0x0  }
0xa4: {  	s25 =	simm.s32 $0x1B8E;
	s24 =	sld [smem:$0x3FFE];
	[sflag:s23] =	ssyncadd.s32 $0xFFFFFFFF  }
0xa5: {  	s26 =	simm.s32 $execute0_lowered;
	[smem:$0x3FD2] =	sst s25  }
0xa6: {  	s4 =	sshll.u32 s26, $0x1;
	_ =	strace $0x80000046;
	[dreg:$0x1] =	wrdreg $0xFFFFFFFF  }
0xa7: {  	s28 =	simm.s32 $_size_execute0_lowered;
	s2 =	sadd.s32 s2, s4;
	[dreg:$0x0] =	wrdreg $0x0  }
0xa8: {  	s4 =	sshll.u32 s28, $0x1;
	[dreg:$0x2] =	wrdreg s2  }
0xa9: {  	[dreg:$0x3] =	wrdreg s4  }
0xaa: {  	[dreg:$0x4] =	wrdreg $0xC0  }
0xab: {  	_ =	task [dreg:s6], $0x5FFFF  }
0xac: {  	[dreg:$0x1] =	wrdreg $0xFFFFFFFF  }
0xad: {  	[dreg:$0x0] =	wrdreg $0x60  }
0xae: {  	[dreg:$0x2] =	wrdreg s24  }
0xaf: {  	[dreg:$0x3] =	wrdreg $0xC  }
0xb0: {  	_ =	task.clear_ibuf [dreg:s6], $0x4FFFF;
	_ =	strace $0x90000046  }
0xb1: {  	s29 =	simm.s32 $0xC;
	_ =	strace $0x80000048  }
0xb2: {  	_ =	swait.ge [sflag:s29], $0x1  }
0xb3: {  	[sflag:s29] =	ssyncadd.s32 $0xFFFFFFFF  }
0xb4: {  	_ =	strace $0x90000048  }
0xb5: {  	_ =	sfence  }
0xb6: {  	s30 =	sld [smem:$0x0];
	_ =	sdelay $0x2  }
0xb7: {  	s31 =	sshll.u32 s1, $0xD;
	s1 =	sshrl.u32 s1, $0x2  }
0xb8: {  	s3 =	sand.u32 $0x4000, s31;
	s1 =	sadd.s32 s1, s30  }
0xb9: {  	s0 =	sor.u32 s3, s0;
	s1 =	sshll.u32 s1, $0x11  }
0xba: {  	s0 =	sor.u32 s1, s0  }
0xbb: {  	s0 =	sadd.s32 $0x8F2B, s0  }
0xbc: {  	[sflag:s0] =	ssyncadd.remote.s32 $0x1  }
0xbd: {  	_ =	sfence.sel $0xFFFF  }
0xbe: {  	[dreg:$0x0] =	wrdreg $0xFFFFFFFF;
	(pc) =	sbr.abs _section_cstart, $3  }
0xbf: {  	[dreg:$0x1] =	wrdreg $0xFFFFFFFF  }
0xc0: {  	_ =	task.clear_ibuf [dreg:s6], $0x2FFFF;
	_ =	strace $0x9FFFFFFF  }
0xc1: {  	(tm) =	ssettm $0x7FFFFFFF  }
tec
execute0_lowered:
.L_overlay_start_1:
0x0: {  	(tag) =	ssettag $0x1  }
0x1: {  	s4 =	rddreg [dreg:$0x0]  }
0x2: {  	s0 =	rddreg [dreg:$0x1];
	s2 =	simm.s32 $0x0;
	s3 =	srdreg.scid  }
0x3: {  	s1 =	stileid.u32;
	s10 =	simm.s32 $0x1080;
	s11 =	simm.s32 $0x1880  }
0x4: {  	s12 =	simm.s32 $0x2080;
	s13 =	simm.s32 $0x2880;
	s14 =	simm.s32 $0x3080  }
0x5: {  	s15 =	simm.s32 $0x3880;
	s16 =	simm.s32 $0x4080;
	s17 =	simm.s32 $0x4880  }
0x6: {  	s18 =	simm.s32 $0x5080;
	s19 =	simm.s32 $0x5880;
	s20 =	simm.s32 $0x6080  }
0x7: {  	s21 =	simm.s32 $0x6880;
	s22 =	simm.s32 $0x7080;
	s23 =	simm.s32 $0x7880  }
0x8: {  	s24 =	simm.s32 $0x1;
	s25 =	simm.s32 $0x0;
	[smem:$0x7FF] =	sst s2  }
0x9: {  	s5 =	sand.u32 $0x1, s3;
	s6 =	sshll.u32 s1, $0xA;
	s3 =	sadd.s32 $0x4400, s4  }
0xa: {  	s8 =	sshll.u32 s1, $0xF;
	_ =	strace $0x80000047;
	s7 =	sshll.u32 s5, $0x9  }
0xb: {  	s31 =	ssub.s32 $0x2, s5;
	s8 =	sadd.s32 s8, s4;
	s5 =	sshll.u32 s5, $0xE  }
0xc: {  	s6 =	sor.u32 s7, s6;
	s9 =	sshrl.u32 s31, $0x1;
	s5 =	sadd.s32 s5, s8  }
0xd: {  	v2 =	vlaneseq.u32;
	s8 =	simm.s32 $0x80;
	s6 =	sshrl.u32 s6, $0x3;
	s7 =	ssub.s32 s31, s9  }
0xe: {  	vm0 =	vmmov $0xffff;
	v1 =	vshrl.u32 v2, $0x3;
	s5 =	sadd.s32 $0x44400, s5;
	s9 =	simm.s32 $0x880;
	s6 =	sadd.s32 s6, s4  }
0xf: {  	v0 =	vand.u32 $0x7, v2;
	v2 =	vor.u32 $0x8, v2;
	v1 =	vmul.u32 $0x8, v1;
	s4 =	smax.u32 s7, $0x1;
	s7 =	simm.s32 $0x2;
	s6 =	sadd.s32 $0x3400, s6  }
.LBB2_1:
0x10: {  	s26 =	smov.u32 s5;
	s28 =	simm.s32 $0x0  }
.LBB2_2:
0x11: {  	s29 =	sadd.s32 s28, s6  }
0x12: {  	[tilespmem:s2], [sflag:$0x2] =	stream.linear.gather [hbm4b:s29+s2], $0x80, $0x38;
	[tilespmem:$0x8080] =	vst v63  }
0x13: {  	_ =	swait.ge [sflag:s7], $0x80  }
0x14: {  	[sflag:s7] =	ssyncset.done $0x0  }
0x15: {  	[sflag:s7] =	ssyncadd.s32 $0xFFFFFF80  }
0x16: {  	v3 =	vld [tilespmem:$0x0];
	_ =	sdelay $0x4  }
0x17: {  	v4 =	vshll.u32 v3, $0x1  }
0x18: {  	v3 =	vand.u32 $0x7, v3;
	v4 =	vand.u32 $0xFFFFFFF0, v4  }
0x19: {  	v3 =	vor.u32 v3, v4  }
0x1a: {  	v4 =	vperm.xlane v3, v0;
	_ =	sdelay $0x1  }
0x1b: {  	v3 =	vperm.xlane v3, v2;
	v4 =	vadd.s32 v1, v4;
	_ =	sdelay $0x1  }
0x1c: {  	v3 =	vadd.s32 v1, v3;
	_ =	sdelay $0x2  }
0x1d: {  	[tilespmem:s8], [sflag:$0x1] =	stream.indirect_vreg.gather [hbm4b:s3+s2], $0x80, v4, vm0, $0xb8;
	[tilespmem:$0x8080] =	vst v63  }
0x1e: {  	_ = 	snop  }
0x1f: {  	[tilespmem:s9], [sflag:$0x1] =	stream.indirect_vreg.gather [hbm4b:s3+s2], $0x80, v3, vm0, $0xb8;
	[tilespmem:$0x8080] =	vst v63  }
0x20: {  	v3 =	vld [tilespmem:$0x10];
	_ =	sdelay $0x4  }
0x21: {  	v57 =	vshll.u32 v3, $0x1  }
0x22: {  	v3 =	vand.u32 $0x7, v3;
	v4 =	vand.u32 $0xFFFFFFF0, v57  }
0x23: {  	v3 =	vor.u32 v3, v4  }
0x24: {  	v4 =	vperm.xlane v3, v0;
	_ =	sdelay $0x1  }
0x25: {  	v3 =	vperm.xlane v3, v2;
	v4 =	vadd.s32 v1, v4;
	_ =	sdelay $0x1  }
0x26: {  	v3 =	vadd.s32 v1, v3;
	_ =	sdelay $0x2  }
0x27: {  	[tilespmem:s10], [sflag:$0x1] =	stream.indirect_vreg.gather [hbm4b:s3+s2], $0x80, v4, vm0, $0xb8;
	[tilespmem:$0x8080] =	vst v63  }
0x28: {  	_ = 	snop  }
0x29: {  	[tilespmem:s11], [sflag:$0x1] =	stream.indirect_vreg.gather [hbm4b:s3+s2], $0x80, v3, vm0, $0xb8;
	[tilespmem:$0x8080] =	vst v63  }
0x2a: {  	v3 =	vld [tilespmem:$0x20];
	_ =	sdelay $0x4  }
0x2b: {  	v58 =	vshll.u32 v3, $0x1  }
0x2c: {  	v3 =	vand.u32 $0x7, v3;
	v4 =	vand.u32 $0xFFFFFFF0, v58  }
0x2d: {  	v3 =	vor.u32 v3, v4  }
0x2e: {  	v4 =	vperm.xlane v3, v0;
	_ =	sdelay $0x1  }
0x2f: {  	v3 =	vperm.xlane v3, v2;
	v4 =	vadd.s32 v1, v4;
	_ =	sdelay $0x1  }
0x30: {  	v3 =	vadd.s32 v1, v3;
	_ =	sdelay $0x2  }
0x31: {  	[tilespmem:s12], [sflag:$0x1] =	stream.indirect_vreg.gather [hbm4b:s3+s2], $0x80, v4, vm0, $0xb8;
	[tilespmem:$0x8080] =	vst v63  }
0x32: {  	_ = 	snop  }
0x33: {  	[tilespmem:s13], [sflag:$0x1] =	stream.indirect_vreg.gather [hbm4b:s3+s2], $0x80, v3, vm0, $0xb8;
	[tilespmem:$0x8080] =	vst v63  }
0x34: {  	v3 =	vld [tilespmem:$0x30];
	_ =	sdelay $0x4  }
0x35: {  	v59 =	vshll.u32 v3, $0x1  }
0x36: {  	v3 =	vand.u32 $0x7, v3;
	v4 =	vand.u32 $0xFFFFFFF0, v59  }
0x37: {  	v3 =	vor.u32 v3, v4  }
0x38: {  	v4 =	vperm.xlane v3, v0;
	_ =	sdelay $0x1  }
0x39: {  	v3 =	vperm.xlane v3, v2;
	v4 =	vadd.s32 v1, v4;
	_ =	sdelay $0x1  }
0x3a: {  	v3 =	vadd.s32 v1, v3;
	_ =	sdelay $0x2  }
0x3b: {  	[tilespmem:s14], [sflag:$0x1] =	stream.indirect_vreg.gather [hbm4b:s3+s2], $0x80, v4, vm0, $0xb8;
	[tilespmem:$0x8080] =	vst v63  }
0x3c: {  	_ = 	snop  }
0x3d: {  	[tilespmem:s15], [sflag:$0x1] =	stream.indirect_vreg.gather [hbm4b:s3+s2], $0x80, v3, vm0, $0xb8;
	[tilespmem:$0x8080] =	vst v63  }
0x3e: {  	v3 =	vld [tilespmem:$0x40];
	_ =	sdelay $0x4  }
0x3f: {  	v60 =	vshll.u32 v3, $0x1  }
0x40: {  	v3 =	vand.u32 $0x7, v3;
	v4 =	vand.u32 $0xFFFFFFF0, v60  }
0x41: {  	v3 =	vor.u32 v3, v4  }
0x42: {  	v4 =	vperm.xlane v3, v0;
	_ =	sdelay $0x1  }
0x43: {  	v3 =	vperm.xlane v3, v2;
	v4 =	vadd.s32 v1, v4;
	_ =	sdelay $0x1  }
0x44: {  	v3 =	vadd.s32 v1, v3;
	_ =	sdelay $0x2  }
0x45: {  	[tilespmem:s16], [sflag:$0x1] =	stream.indirect_vreg.gather [hbm4b:s3+s2], $0x80, v4, vm0, $0xb8;
	[tilespmem:$0x8080] =	vst v63  }
0x46: {  	_ = 	snop  }
0x47: {  	[tilespmem:s17], [sflag:$0x1] =	stream.indirect_vreg.gather [hbm4b:s3+s2], $0x80, v3, vm0, $0xb8;
	[tilespmem:$0x8080] =	vst v63  }
0x48: {  	v3 =	vld [tilespmem:$0x50];
	_ =	sdelay $0x4  }
0x49: {  	v61 =	vshll.u32 v3, $0x1  }
0x4a: {  	v3 =	vand.u32 $0x7, v3;
	v4 =	vand.u32 $0xFFFFFFF0, v61  }
0x4b: {  	v3 =	vor.u32 v3, v4  }
0x4c: {  	v4 =	vperm.xlane v3, v0;
	_ =	sdelay $0x1  }
0x4d: {  	v3 =	vperm.xlane v3, v2;
	v4 =	vadd.s32 v1, v4;
	_ =	sdelay $0x1  }
0x4e: {  	v3 =	vadd.s32 v1, v3;
	_ =	sdelay $0x2  }
0x4f: {  	[tilespmem:s18], [sflag:$0x1] =	stream.indirect_vreg.gather [hbm4b:s3+s2], $0x80, v4, vm0, $0xb8;
	[tilespmem:$0x8080] =	vst v63  }
0x50: {  	_ = 	snop  }
0x51: {  	[tilespmem:s19], [sflag:$0x1] =	stream.indirect_vreg.gather [hbm4b:s3+s2], $0x80, v3, vm0, $0xb8;
	[tilespmem:$0x8080] =	vst v63  }
0x52: {  	v3 =	vld [tilespmem:$0x60];
	_ =	sdelay $0x4  }
0x53: {  	v62 =	vshll.u32 v3, $0x1  }
0x54: {  	v3 =	vand.u32 $0x7, v3;
	v4 =	vand.u32 $0xFFFFFFF0, v62  }
0x55: {  	v3 =	vor.u32 v3, v4  }
0x56: {  	v4 =	vperm.xlane v3, v0;
	_ =	sdelay $0x1  }
0x57: {  	v3 =	vperm.xlane v3, v2;
	v4 =	vadd.s32 v1, v4;
	_ =	sdelay $0x1  }
0x58: {  	v3 =	vadd.s32 v1, v3;
	_ =	sdelay $0x2  }
0x59: {  	[tilespmem:s20], [sflag:$0x1] =	stream.indirect_vreg.gather [hbm4b:s3+s2], $0x80, v4, vm0, $0xb8;
	[tilespmem:$0x8080] =	vst v63  }
0x5a: {  	_ = 	snop  }
0x5b: {  	[tilespmem:s21], [sflag:$0x1] =	stream.indirect_vreg.gather [hbm4b:s3+s2], $0x80, v3, vm0, $0xb8;
	[tilespmem:$0x8080] =	vst v63  }
0x5c: {  	v3 =	vld [tilespmem:$0x70];
	_ =	sdelay $0x4  }
0x5d: {  	v63 =	vshll.u32 v3, $0x1  }
0x5e: {  	v3 =	vand.u32 $0x7, v3;
	v4 =	vand.u32 $0xFFFFFFF0, v63  }
0x5f: {  	v3 =	vor.u32 v3, v4  }
0x60: {  	v4 =	vperm.xlane v3, v0;
	_ =	sdelay $0x1  }
0x61: {  	v3 =	vperm.xlane v3, v2;
	v4 =	vadd.s32 v1, v4;
	_ =	sdelay $0x1  }
0x62: {  	v3 =	vadd.s32 v1, v3;
	_ =	sdelay $0x2  }
0x63: {  	[tilespmem:s22], [sflag:$0x1] =	stream.indirect_vreg.gather [hbm4b:s3+s2], $0x80, v4, vm0, $0xb8;
	[tilespmem:$0x8080] =	vst v63  }
0x64: {  	_ = 	snop  }
0x65: {  	[tilespmem:s23], [sflag:$0x1] =	stream.indirect_vreg.gather [hbm4b:s3+s2], $0x80, v3, vm0, $0xb8;
	[tilespmem:$0x8080] =	vst v63  }
0x66: {  	_ =	swait.ge [sflag:s24], $0x8000  }
0x67: {  	p0 =	sne.s32 s28, $0x30;
	[sflag:s24] =	ssyncset.done $0x0  }
.Ltmp0:
0x68: {  	[sflag:s24] =	ssyncadd.s32 $0xFFFF8000;
	(pc) =	sbr.rel @p0 .LBB2_2-.Ltmp0, $4  }
0x69: {  	[hbm4b:s26+s2] =	stream.linear.scatter [tilespmem:s8], [sflag:$0x2], $0x8000, $0x38;
	[tilespmem:$0x8080] =	vst v63  }
0x6a: {  	_ =	swait.ge [sflag:s7], $0x8000  }
0x6b: {  	[sflag:s7] =	ssyncset.done $0x0  }
0x6c: {  	s28 =	sadd.s32 $0x10, s28;
	s26 =	sadd.s32 $0x1000, s26;
	[sflag:s7] =	ssyncadd.s32 $0xFFFF8000  }
0x6d: {  	s25 =	sadd.s32 $0x1, s25  }
0x6e: {  	p0 =	sne.s32 s25, s4  }
.Ltmp1:
0x6f: {  	_ = 	snop;
	(pc) =	sbr.rel @p0 .LBB2_1-.Ltmp1, $1  }
0x70: {  	_ =	sdelay $0x3  }
0x71: {  	_ =	sfence.sel $0x180000  }
0x72: {  	[bflag:$0x0] =	sbarrier.arrive $0xFFFF  }
0x73: {  	p0 =	sne.s32 s1, $0x0;
	_ =	strace $0x90000047  }
0x74: {  	s0 =	sadd.s32 @!p0 $0x100000, s0;
	[bflag:$0x2] =	sbarrier.arrive $0xFFFF  }
0x75: {  	[sflag:s0] =	ssyncadd.tile.s32 @!p0 $0x1;
	_ =	shalt  }
.Lfunc_end2:
_tile_overlayer_lowered:
.L_overlay_start_2:
0x76: {  	(tag) =	ssettag $0x2  }
0x77: {  	s0 =	rddreg [dreg:$0x0];
	s2 =	stileid.u32  }
0x78: {  	s1 =	rddreg [dreg:$0x1];
	p0 =	sne.s32 s2, $0x0  }
0x79: {  	s3 =	rddreg [dreg:$0x2];
	[bflag:$0x3] =	sbarrier.arrive $0xFFFF;
	s2 =	simm.s32 @!p0 $0x1C02  }
0x7a: {  	[timem:s3], [sflag:s2] =	dma.local @!p0 [hbm:s0], s1  }
0x7b: {  	s0 =	simm.s32 @!p0 $0x2  }
0x7c: {  	_ =	swait.ge @!p0 [sflag:s0], s1  }
0x7d: {  	s1 =	ssub.s32 @!p0 $0x0, s1;
	[sflag:s0] =	ssyncset.done @!p0 $0x0  }
0x7e: {  	[sflag:s0] =	ssyncadd.s32 @!p0 s1  }
0x7f: {  	[bflag:$0x3] =	sbarrier.arrive $0xFFFF  }
0x80: {  	_ =	shalt  }

</sc_bundles>
